<compile_context>
chip_gen: v7x
topology: tpu7x:2x2x1
jax: 0.10.2.dev20260603
libtpu: 0.0.44.dev20260713+nightly
codegen_flags: <defaults>
</compile_context>

<pallas_src>
import functools

import jax
import jax.numpy as jnp
from jax import lax
from jax.experimental import pallas as pl
from jax.experimental.pallas import tpu as pltpu
from jax.experimental.pallas import tpu_sc as plsc

N = 10000
D = 128
E = 320000

NC = 2
NS = 16
NW = NC * NS

ACC_ROWS = 10040
EDGE_BLK = 128
EDGE_BLOCKS = 2688
BLKS_PER_TILE = EDGE_BLOCKS // NW
E_PAD = EDGE_BLOCKS * EDGE_BLK
ROWS_PER_TILE = 640
NBUF = 3
CHUNK = 3
N_ITERS = BLKS_PER_TILE // (2 * CHUNK)


def _sc_aggregate(h, ids3d):
  mesh = plsc.VectorSubcoreMesh(
      core_axis_name="c", subcore_axis_name="s", num_cores=NC, num_subcores=NS)

  @functools.partial(
      pl.kernel,
      out_type=jax.ShapeDtypeStruct((NC, N, D), jnp.float32),
      mesh=mesh,
      scratch_types=[
          pltpu.VMEM((2, CHUNK, 2, EDGE_BLK), jnp.int32),
          pltpu.VMEM((NBUF, EDGE_BLK, D), jnp.float32),
          pltpu.VMEM_SHARED((ACC_ROWS, D), jnp.float32),
          pltpu.SemaphoreType.DMA,
          pltpu.SemaphoreType.DMA,
          pltpu.SemaphoreType.DMA,
      ] + [pltpu.SemaphoreType.DMA] * NBUF,
  )
  def agg_kernel(h_hbm, ids_hbm, out_hbm,
                 idsv, rows, acc, isem, idsem0, idsem1, *gsems):
    idsems = (idsem0, idsem1)
    c = lax.axis_index("c")
    s = lax.axis_index("s")
    wid = s * NC + c

    r0 = s * ROWS_PER_TILE
    blk0 = wid * BLKS_PER_TILE

    def load_ids(chunk, slot, sem):
      pltpu.async_copy(ids_hbm.at[pl.ds(blk0 + chunk * CHUNK, CHUNK)],
                       idsv.at[slot], sem)

    def wait_ids(slot, sem):
      pltpu.make_async_copy(ids_hbm.at[pl.ds(blk0, CHUNK)],
                            idsv.at[slot], sem).wait()

    def gather(j, slot, b):
      pltpu.async_copy(h_hbm.at[idsv.at[slot, b, 0]], rows.at[b], gsems[b])

    def wait_gather(b):
      pltpu.make_async_copy(h_hbm.at[idsv.at[0, 0, 0]], rows.at[b],
                            gsems[b]).wait()

    def scatter(slot, b):
      pltpu.sync_copy(rows.at[b], acc.at[idsv.at[slot, b, 1]], add=True)

    init_spans_main = tuple((k * 128, 128) for k in range(5))
    init_spans_tail = ((0, 128), (128, 128), (256, 128), (384, 8), (392, 8))

    @pl.when(s < NS - 1)
    def _():
      for off, sz in init_spans_main:
        pltpu.async_copy(h_hbm.at[pl.ds(r0 + off, sz)],
                         acc.at[pl.ds(r0 + off, sz)], isem)

    @pl.when(s == NS - 1)
    def _():
      tail0 = (NS - 1) * ROWS_PER_TILE
      for off, sz in init_spans_tail:
        pltpu.async_copy(h_hbm.at[pl.ds(tail0 + off, sz)],
                         acc.at[pl.ds(tail0 + off, sz)], isem)

    load_ids(0, 0, idsems[0])
    load_ids(1, 1, idsems[1])
    wait_ids(0, idsems[0])
    for b in range(NBUF):
      gather(b, 0, b)

    @pl.when(s < NS - 1)
    def _():
      for off, sz in init_spans_main:
        pltpu.make_async_copy(h_hbm.at[pl.ds(r0 + off, sz)],
                              acc.at[pl.ds(r0 + off, sz)], isem).wait()

    @pl.when(s == NS - 1)
    def _():
      tail0 = (NS - 1) * ROWS_PER_TILE
      for off, sz in init_spans_tail:
        pltpu.make_async_copy(h_hbm.at[pl.ds(tail0 + off, sz)],
                              acc.at[pl.ds(tail0 + off, sz)], isem).wait()

    plsc.subcore_barrier()

    def step(g, carry):
      wait_ids(1, idsems[1])
      for b in range(NBUF):
        wait_gather(b)
        scatter(0, b)
        gather(b, 1, b)

      @pl.when(g < N_ITERS - 1)
      def _():
        load_ids(2 * g + 2, 0, idsems[0])

      for b in range(NBUF):
        wait_gather(b)
        scatter(1, b)

        if b == 0:
          @pl.when(g < N_ITERS - 1)
          def _():
            wait_ids(0, idsems[0])

        @pl.when(g < N_ITERS - 1)
        def _():
          gather(b, 0, b)

      @pl.when(g < N_ITERS - 1)
      def _():
        load_ids(2 * g + 3, 1, idsems[1])

      return carry

    lax.fori_loop(0, N_ITERS, step, 0)

    plsc.subcore_barrier()

    @pl.when(s < NS - 1)
    def _():
      pltpu.sync_copy(acc.at[pl.ds(r0, ROWS_PER_TILE)],
                      out_hbm.at[c, pl.ds(r0, ROWS_PER_TILE)])

    @pl.when(s == NS - 1)
    def _():
      tail0 = (NS - 1) * ROWS_PER_TILE
      pltpu.sync_copy(acc.at[pl.ds(tail0, N - tail0)],
                      out_hbm.at[c, pl.ds(tail0, N - tail0)])

  return agg_kernel(h, ids3d)


ROW_BLK = 2000


def _mlp1_body(p_ref, h_ref, wa_ref, ba_ref, wb_ref, bb_ref, o_ref):
  z = p_ref[0] + p_ref[1] - h_ref[...]
  h = jnp.maximum(
      jnp.dot(z, wa_ref[...], preferred_element_type=jnp.float32)
      + ba_ref[...], 0.0)
  o_ref[...] = (
      jnp.dot(h, wb_ref[...], preferred_element_type=jnp.float32)
      + bb_ref[...])


def _mlp2_body(p_ref, h_ref, wa_ref, ba_ref, wb_ref, bb_ref, wfc_ref,
               bfc_ref, o_ref, acc_ref):
  i = pl.program_id(0)
  z = p_ref[0] + p_ref[1] - h_ref[...]
  h = jnp.maximum(
      jnp.dot(z, wa_ref[...], preferred_element_type=jnp.float32)
      + ba_ref[...], 0.0)
  h = (jnp.dot(h, wb_ref[...], preferred_element_type=jnp.float32)
       + bb_ref[...])
  psum = jnp.sum(h, axis=0, keepdims=True)

  @pl.when(i == 0)
  def _():
    acc_ref[...] = psum

  @pl.when(i > 0)
  def _():
    acc_ref[...] = acc_ref[...] + psum

  @pl.when(i == (N // ROW_BLK) - 1)
  def _():
    pooled = acc_ref[...] * (1.0 / N)
    o_ref[...] = (
        jnp.dot(pooled, wfc_ref[...], preferred_element_type=jnp.float32)
        + bfc_ref[...])


def _full_spec(shape):
  return pl.BlockSpec(shape, lambda i: tuple(0 for _ in shape))


def kernel(x, edge_index, W1a, b1a, W1b, b1b, W2a, b2a, W2b, b2b, Wfc, bfc):
  src = edge_index[0].astype(jnp.int32)
  dst = edge_index[1].astype(jnp.int32)
  pad_e = E_PAD - E
  pad_iota = jnp.arange(pad_e, dtype=jnp.int32)
  src2d = jnp.concatenate([src, pad_iota % N]).reshape(EDGE_BLOCKS, EDGE_BLK)
  dst2d = jnp.concatenate([dst, N + pad_iota % (ACC_ROWS - N)]).reshape(
      EDGE_BLOCKS, EDGE_BLK)
  ids3d = jnp.stack([src2d, dst2d], axis=1)

  b1a2, b1b2 = b1a.reshape(1, D), b1b.reshape(1, D)
  b2a2, b2b2 = b2a.reshape(1, D), b2b.reshape(1, D)
  bfc2 = bfc.reshape(1, D)

  grid = (N // ROW_BLK,)
  p_spec = pl.BlockSpec((NC, ROW_BLK, D), lambda i: (0, i, 0))
  h_spec = pl.BlockSpec((ROW_BLK, D), lambda i: (i, 0))
  w_spec = _full_spec((D, D))
  b_spec = _full_spec((1, D))

  p1 = _sc_aggregate(x, ids3d)

  h1 = pl.pallas_call(
      _mlp1_body,
      grid=grid,
      in_specs=[p_spec, h_spec, w_spec, b_spec, w_spec, b_spec],
      out_specs=pl.BlockSpec((ROW_BLK, D), lambda i: (i, 0)),
      out_shape=jax.ShapeDtypeStruct((N, D), jnp.float32),
  )(p1, x, W1a, b1a2, W1b, b1b2)

  p2 = _sc_aggregate(h1, ids3d)

  out = pl.pallas_call(
      _mlp2_body,
      grid=grid,
      in_specs=[p_spec, h_spec, w_spec, b_spec, w_spec, b_spec, w_spec,
                b_spec],
      out_specs=pl.BlockSpec((1, D), lambda i: (0, 0)),
      out_shape=jax.ShapeDtypeStruct((1, D), jnp.float32),
      scratch_shapes=[pltpu.VMEM((1, D), jnp.float32)],
  )(p2, h1, W2a, b2a2, W2b, b2b2, Wfc, bfc2)

  return out[0]

# --- scband reference (transcript-rebuilt; emitter-appended) ---
"""Pipeline reference for scband-ginmodel-70334384439967 (READ-ONLY COPY).

The authoritative reference and input builder live on the scoring server;
editing this copy changes nothing except your own understanding.
"""

import jax, jax.numpy as jnp
import numpy as np

N = 10000
E = 320000
D = 128
H = 128
O = 128

def setup_inputs(seed: int = 0) -> dict:
    key = jax.random.key(seed)
    ks = jax.random.split(key, 16)
    x = jax.random.normal(ks[0], (N, D), dtype=jnp.float32)
    edge_index = jax.random.randint(ks[1], (2, E), 0, N, dtype=jnp.int64)
    s = 1.0 / np.sqrt(D)
    sh = 1.0 / np.sqrt(H)
    W1a = jax.random.uniform(ks[2], (D, H), jnp.float32, -s, s)
    b1a = jax.random.uniform(ks[3], (H,), jnp.float32, -s, s)
    W1b = jax.random.uniform(ks[4], (H, H), jnp.float32, -sh, sh)
    b1b = jax.random.uniform(ks[5], (H,), jnp.float32, -sh, sh)
    W2a = jax.random.uniform(ks[6], (H, H), jnp.float32, -sh, sh)
    b2a = jax.random.uniform(ks[7], (H,), jnp.float32, -sh, sh)
    W2b = jax.random.uniform(ks[8], (H, H), jnp.float32, -sh, sh)
    b2b = jax.random.uniform(ks[9], (H,), jnp.float32, -sh, sh)
    Wfc = jax.random.uniform(ks[10], (H, O), jnp.float32, -sh, sh)
    bfc = jax.random.uniform(ks[11], (O,), jnp.float32, -sh, sh)
    return {"x": x, "edge_index": edge_index, "W1a": W1a, "b1a": b1a, "W1b": W1b, "b1b": b1b, "W2a": W2a, "b2a": b2a, "W2b": W2b, "b2b": b2b, "Wfc": Wfc, "bfc": bfc}


def reference(x, edge_index, W1a, b1a, W1b, b1b, W2a, b2a, W2b, b2b, Wfc, bfc):
    src = edge_index[0]
    dst = edge_index[1]

    def gin_conv(h, Wa, ba, Wb, bb):
        # GINConv with eps=0: out = MLP((1+eps)*x + sum_{j in N(i)} x_j)
        msgs = jnp.take(h, src, axis=0)
        agg = jax.ops.segment_sum(msgs, dst, num_segments=h.shape[0])
        z = h + agg
        z = jnp.maximum(z @ Wa + ba, 0.0)
        z = z @ Wb + bb
        return z

    h = gin_conv(x, W1a, b1a, W1b, b1b)
    h = gin_conv(h, W2a, b2a, W2b, b2b)
    pooled = h.mean(axis=0)
    return pooled @ Wfc + bfc

if __name__ == "__main__":
    import jax
    _d = setup_inputs()
    print(jax.jit(kernel)(*tuple(_d.values())))

</pallas_src>

<mosaic_0001>
#map = affine_map<(d0, d1) -> (0, 0)>
#map1 = affine_map<(d0, d1) -> (0, 0, 0)>
module attributes {stable_mosaic.version = 14 : i64} {
  func.func @agg_kernel(%arg0: i32, %arg1: i32, %arg2: memref<10000x128xf32, #tpu.memory_space<hbm>>, %arg3: memref<2688x2x128xi32, #tpu.memory_space<hbm>>, %arg4: memref<2x10000x128xf32, #tpu.memory_space<hbm>>, %arg5: memref<2x3x2x128xi32, #tpu.memory_space<vmem>>, %arg6: memref<3x128x128xf32, #tpu.memory_space<vmem>>, %arg7: memref<10040x128xf32, #tpu.memory_space<vmem_shared>>, %arg8: memref<!tpu.dma_semaphore, #tpu.memory_space<semaphore_mem>>, %arg9: memref<!tpu.dma_semaphore, #tpu.memory_space<semaphore_mem>>, %arg10: memref<!tpu.dma_semaphore, #tpu.memory_space<semaphore_mem>>, %arg11: memref<!tpu.dma_semaphore, #tpu.memory_space<semaphore_mem>>, %arg12: memref<!tpu.dma_semaphore, #tpu.memory_space<semaphore_mem>>, %arg13: memref<!tpu.dma_semaphore, #tpu.memory_space<semaphore_mem>>) attributes {dimension_semantics = [#tpu.dimension_semantics<core_parallel>, #tpu.dimension_semantics<subcore_parallel>], iteration_bounds = array<i64: 2, 16>, scalar_prefetch = 0 : i64, scratch_operands = 9 : i64, tpu.core_type = #tpu.core_type<sc_vector_subcore>, window_params = [{transform_indices = #map}, {transform_indices = #map1}, {transform_indices = #map1}]} {
    %mul3A = arith.constant 2 : i32
    %mul3A_0 = arith.muli %arg1, %mul3A : i32
    %add3A = arith.addi %mul3A_0, %arg0 : i32
    %mul3A_1 = arith.constant 640 : i32
    %mul3A_2 = arith.muli %arg1, %mul3A_1 : i32
    %mul3A_3 = arith.constant 84 : i32
    %mul3A_4 = arith.muli %add3A, %mul3A_3 : i32
    %lt3A = arith.constant 15 : i32
    %lt3A_5 = arith.cmpi slt, %arg1, %lt3A : i32
    %convert_element_type3A = arith.extui %lt3A_5 : i1 to i32
    %cond3A = arith.constant 0 : i32
    %cond3A_6 = arith.cmpi ne, %convert_element_type3A, %cond3A : i32
    scf.if %cond3A_6 {
      %add3A_132 = arith.constant 0 : i32
      %add3A_133 = arith.addi %mul3A_2, %add3A_132 : i32
      %add3A_134 = arith.constant 0 : i32
      %add3A_135 = arith.addi %mul3A_2, %add3A_134 : i32
      %dma_start3A_136 = arith.constant 0 : i32
      %dma_start3A_137 = tpu.memref_slice %arg7[%add3A_135, %dma_start3A_136] : memref<10040x128xf32, #tpu.memory_space<vmem_shared>> -> memref<128x128xf32, #tpu.memory_space<vmem_shared>>
      %dma_start3A_138 = arith.constant 0 : i32
      %dma_start3A_139 = tpu.memref_slice %arg2[%add3A_133, %dma_start3A_138] : memref<10000x128xf32, #tpu.memory_space<hbm>> -> memref<128x128xf32, #tpu.memory_space<hbm>>
      tpu.enqueue_dma source(%dma_start3A_139 : memref<128x128xf32, #tpu.memory_space<hbm>>) target(%dma_start3A_137 : memref<128x128xf32, #tpu.memory_space<vmem_shared>>) target_semaphore(%arg8 : memref<!tpu.dma_semaphore, #tpu.memory_space<semaphore_mem>>)
      %add3A_140 = arith.constant 128 : i32
      %add3A_141 = arith.addi %mul3A_2, %add3A_140 : i32
      %add3A_142 = arith.constant 128 : i32
      %add3A_143 = arith.addi %mul3A_2, %add3A_142 : i32
      %dma_start3A_144 = arith.constant 0 : i32
      %dma_start3A_145 = tpu.memref_slice %arg7[%add3A_143, %dma_start3A_144] : memref<10040x128xf32, #tpu.memory_space<vmem_shared>> -> memref<128x128xf32, #tpu.memory_space<vmem_shared>>
      %dma_start3A_146 = arith.constant 0 : i32
      %dma_start3A_147 = tpu.memref_slice %arg2[%add3A_141, %dma_start3A_146] : memref<10000x128xf32, #tpu.memory_space<hbm>> -> memref<128x128xf32, #tpu.memory_space<hbm>>
      tpu.enqueue_dma source(%dma_start3A_147 : memref<128x128xf32, #tpu.memory_space<hbm>>) target(%dma_start3A_145 : memref<128x128xf32, #tpu.memory_space<vmem_shared>>) target_semaphore(%arg8 : memref<!tpu.dma_semaphore, #tpu.memory_space<semaphore_mem>>)
      %add3A_148 = arith.constant 256 : i32
      %add3A_149 = arith.addi %mul3A_2, %add3A_148 : i32
      %add3A_150 = arith.constant 256 : i32
      %add3A_151 = arith.addi %mul3A_2, %add3A_150 : i32
      %dma_start3A_152 = arith.constant 0 : i32
      %dma_start3A_153 = tpu.memref_slice %arg7[%add3A_151, %dma_start3A_152] : memref<10040x128xf32, #tpu.memory_space<vmem_shared>> -> memref<128x128xf32, #tpu.memory_space<vmem_shared>>
      %dma_start3A_154 = arith.constant 0 : i32
      %dma_start3A_155 = tpu.memref_slice %arg2[%add3A_149, %dma_start3A_154] : memref<10000x128xf32, #tpu.memory_space<hbm>> -> memref<128x128xf32, #tpu.memory_space<hbm>>
      tpu.enqueue_dma source(%dma_start3A_155 : memref<128x128xf32, #tpu.memory_space<hbm>>) target(%dma_start3A_153 : memref<128x128xf32, #tpu.memory_space<vmem_shared>>) target_semaphore(%arg8 : memref<!tpu.dma_semaphore, #tpu.memory_space<semaphore_mem>>)
      %add3A_156 = arith.constant 384 : i32
      %add3A_157 = arith.addi %mul3A_2, %add3A_156 : i32
      %add3A_158 = arith.constant 384 : i32
      %add3A_159 = arith.addi %mul3A_2, %add3A_158 : i32
      %dma_start3A_160 = arith.constant 0 : i32
      %dma_start3A_161 = tpu.memref_slice %arg7[%add3A_159, %dma_start3A_160] : memref<10040x128xf32, #tpu.memory_space<vmem_shared>> -> memref<128x128xf32, #tpu.memory_space<vmem_shared>>
      %dma_start3A_162 = arith.constant 0 : i32
      %dma_start3A_163 = tpu.memref_slice %arg2[%add3A_157, %dma_start3A_162] : memref<10000x128xf32, #tpu.memory_space<hbm>> -> memref<128x128xf32, #tpu.memory_space<hbm>>
      tpu.enqueue_dma source(%dma_start3A_163 : memref<128x128xf32, #tpu.memory_space<hbm>>) target(%dma_start3A_161 : memref<128x128xf32, #tpu.memory_space<vmem_shared>>) target_semaphore(%arg8 : memref<!tpu.dma_semaphore, #tpu.memory_space<semaphore_mem>>)
      %add3A_164 = arith.constant 512 : i32
      %add3A_165 = arith.addi %mul3A_2, %add3A_164 : i32
      %add3A_166 = arith.constant 512 : i32
      %add3A_167 = arith.addi %mul3A_2, %add3A_166 : i32
      %dma_start3A_168 = arith.constant 0 : i32
      %dma_start3A_169 = tpu.memref_slice %arg7[%add3A_167, %dma_start3A_168] : memref<10040x128xf32, #tpu.memory_space<vmem_shared>> -> memref<128x128xf32, #tpu.memory_space<vmem_shared>>
      %dma_start3A_170 = arith.constant 0 : i32
      %dma_start3A_171 = tpu.memref_slice %arg2[%add3A_165, %dma_start3A_170] : memref<10000x128xf32, #tpu.memory_space<hbm>> -> memref<128x128xf32, #tpu.memory_space<hbm>>
      tpu.enqueue_dma source(%dma_start3A_171 : memref<128x128xf32, #tpu.memory_space<hbm>>) target(%dma_start3A_169 : memref<128x128xf32, #tpu.memory_space<vmem_shared>>) target_semaphore(%arg8 : memref<!tpu.dma_semaphore, #tpu.memory_space<semaphore_mem>>)
    } else {
    }
    %eq3A = arith.constant 15 : i32
    %eq3A_7 = arith.cmpi eq, %arg1, %eq3A : i32
    %convert_element_type3A_8 = arith.extui %eq3A_7 : i1 to i32
    %cond3A_9 = arith.constant 0 : i32
    %cond3A_10 = arith.cmpi ne, %convert_element_type3A_8, %cond3A_9 : i32
    scf.if %cond3A_10 {
      %dma_start3A_132 = arith.constant 9600 : i32
      %dma_start3A_133 = arith.constant 0 : i32
      %dma_start3A_134 = tpu.memref_slice %arg7[%dma_start3A_132, %dma_start3A_133] : memref<10040x128xf32, #tpu.memory_space<vmem_shared>> -> memref<128x128xf32, #tpu.memory_space<vmem_shared>>
      %dma_start3A_135 = arith.constant 9600 : i32
      %dma_start3A_136 = arith.constant 0 : i32
      %dma_start3A_137 = tpu.memref_slice %arg2[%dma_start3A_135, %dma_start3A_136] : memref<10000x128xf32, #tpu.memory_space<hbm>> -> memref<128x128xf32, #tpu.memory_space<hbm>>
      tpu.enqueue_dma source(%dma_start3A_137 : memref<128x128xf32, #tpu.memory_space<hbm>>) target(%dma_start3A_134 : memref<128x128xf32, #tpu.memory_space<vmem_shared>>) target_semaphore(%arg8 : memref<!tpu.dma_semaphore, #tpu.memory_space<semaphore_mem>>)
      %dma_start3A_138 = arith.constant 9728 : i32
      %dma_start3A_139 = arith.constant 0 : i32
      %dma_start3A_140 = tpu.memref_slice %arg7[%dma_start3A_138, %dma_start3A_139] : memref<10040x128xf32, #tpu.memory_space<vmem_shared>> -> memref<128x128xf32, #tpu.memory_space<vmem_shared>>
      %dma_start3A_141 = arith.constant 9728 : i32
      %dma_start3A_142 = arith.constant 0 : i32
      %dma_start3A_143 = tpu.memref_slice %arg2[%dma_start3A_141, %dma_start3A_142] : memref<10000x128xf32, #tpu.memory_space<hbm>> -> memref<128x128xf32, #tpu.memory_space<hbm>>
      tpu.enqueue_dma source(%dma_start3A_143 : memref<128x128xf32, #tpu.memory_space<hbm>>) target(%dma_start3A_140 : memref<128x128xf32, #tpu.memory_space<vmem_shared>>) target_semaphore(%arg8 : memref<!tpu.dma_semaphore, #tpu.memory_space<semaphore_mem>>)
      %dma_start3A_144 = arith.constant 9856 : i32
      %dma_start3A_145 = arith.constant 0 : i32
      %dma_start3A_146 = tpu.memref_slice %arg7[%dma_start3A_144, %dma_start3A_145] : memref<10040x128xf32, #tpu.memory_space<vmem_shared>> -> memref<128x128xf32, #tpu.memory_space<vmem_shared>>
      %dma_start3A_147 = arith.constant 9856 : i32
      %dma_start3A_148 = arith.constant 0 : i32
      %dma_start3A_149 = tpu.memref_slice %arg2[%dma_start3A_147, %dma_start3A_148] : memref<10000x128xf32, #tpu.memory_space<hbm>> -> memref<128x128xf32, #tpu.memory_space<hbm>>
      tpu.enqueue_dma source(%dma_start3A_149 : memref<128x128xf32, #tpu.memory_space<hbm>>) target(%dma_start3A_146 : memref<128x128xf32, #tpu.memory_space<vmem_shared>>) target_semaphore(%arg8 : memref<!tpu.dma_semaphore, #tpu.memory_space<semaphore_mem>>)
      %dma_start3A_150 = arith.constant 9984 : i32
      %dma_start3A_151 = arith.constant 0 : i32
      %dma_start3A_152 = tpu.memref_slice %arg7[%dma_start3A_150, %dma_start3A_151] : memref<10040x128xf32, #tpu.memory_space<vmem_shared>> -> memref<8x128xf32, #tpu.memory_space<vmem_shared>>
      %dma_start3A_153 = arith.constant 9984 : i32
      %dma_start3A_154 = arith.constant 0 : i32
      %dma_start3A_155 = tpu.memref_slice %arg2[%dma_start3A_153, %dma_start3A_154] : memref<10000x128xf32, #tpu.memory_space<hbm>> -> memref<8x128xf32, #tpu.memory_space<hbm>>
      tpu.enqueue_dma source(%dma_start3A_155 : memref<8x128xf32, #tpu.memory_space<hbm>>) target(%dma_start3A_152 : memref<8x128xf32, #tpu.memory_space<vmem_shared>>) target_semaphore(%arg8 : memref<!tpu.dma_semaphore, #tpu.memory_space<semaphore_mem>>)
      %dma_start3A_156 = arith.constant 9992 : i32
      %dma_start3A_157 = arith.constant 0 : i32
      %dma_start3A_158 = tpu.memref_slice %arg7[%dma_start3A_156, %dma_start3A_157] : memref<10040x128xf32, #tpu.memory_space<vmem_shared>> -> memref<8x128xf32, #tpu.memory_space<vmem_shared>>
      %dma_start3A_159 = arith.constant 9992 : i32
      %dma_start3A_160 = arith.constant 0 : i32
      %dma_start3A_161 = tpu.memref_slice %arg2[%dma_start3A_159, %dma_start3A_160] : memref<10000x128xf32, #tpu.memory_space<hbm>> -> memref<8x128xf32, #tpu.memory_space<hbm>>
      tpu.enqueue_dma source(%dma_start3A_161 : memref<8x128xf32, #tpu.memory_space<hbm>>) target(%dma_start3A_158 : memref<8x128xf32, #tpu.memory_space<vmem_shared>>) target_semaphore(%arg8 : memref<!tpu.dma_semaphore, #tpu.memory_space<semaphore_mem>>)
    } else {
    }
    %add3A_11 = arith.constant 0 : i32
    %add3A_12 = arith.addi %mul3A_4, %add3A_11 : i32
    %dma_start3A = arith.constant 0 : i32
    %dma_start3A_13 = arith.constant 0 : i32
    %dma_start3A_14 = arith.constant 0 : i32
    %dma_start3A_15 = arith.constant 0 : i32
    %dma_start3A_16 = tpu.memref_slice %arg5[%dma_start3A, %dma_start3A_13, %dma_start3A_14, %dma_start3A_15] : memref<2x3x2x128xi32, #tpu.memory_space<vmem>> -> memref<1x3x2x128xi32, #tpu.memory_space<vmem>>
    %dma_start3A_17 = tpu.memref_squeeze %dma_start3A_16 : memref<1x3x2x128xi32, #tpu.memory_space<vmem>> -> memref<3x2x128xi32, #tpu.memory_space<vmem>>
    %dma_start3A_18 = arith.constant 0 : i32
    %dma_start3A_19 = arith.constant 0 : i32
    %dma_start3A_20 = tpu.memref_slice %arg3[%add3A_12, %dma_start3A_18, %dma_start3A_19] : memref<2688x2x128xi32, #tpu.memory_space<hbm>> -> memref<3x2x128xi32, #tpu.memory_space<hbm>>
    %dma_start3A_21 = arith.constant 0 : i32
    %dma_start3A_22 = arith.constant 0 : i32
    %dma_start3A_23 = arith.constant 0 : i32
    %dma_start3A_24 = tpu.memref_slice %arg5[%dma_start3A, %dma_start3A_21, %dma_start3A_22, %dma_start3A_23] : memref<2x3x2x128xi32, #tpu.memory_space<vmem>> -> memref<1x3x2x128xi32, #tpu.memory_space<vmem>>
    %dma_start3A_25 = tpu.memref_squeeze %dma_start3A_24 : memref<1x3x2x128xi32, #tpu.memory_space<vmem>> -> memref<3x2x128xi32, #tpu.memory_space<vmem>>
    %dma_start3A_26 = arith.constant 0 : i32
    %dma_start3A_27 = arith.constant 0 : i32
    %dma_start3A_28 = tpu.memref_slice %arg3[%add3A_12, %dma_start3A_26, %dma_start3A_27] : memref<2688x2x128xi32, #tpu.memory_space<hbm>> -> memref<3x2x128xi32, #tpu.memory_space<hbm>>
    tpu.enqueue_dma source(%dma_start3A_28 : memref<3x2x128xi32, #tpu.memory_space<hbm>>) target(%dma_start3A_25 : memref<3x2x128xi32, #tpu.memory_space<vmem>>) target_semaphore(%arg9 : memref<!tpu.dma_semaphore, #tpu.memory_space<semaphore_mem>>)
    %add3A_29 = arith.constant 3 : i32
    %add3A_30 = arith.addi %mul3A_4, %add3A_29 : i32
    %dma_start3A_31 = arith.constant 1 : i32
    %dma_start3A_32 = arith.constant 0 : i32
    %dma_start3A_33 = arith.constant 0 : i32
    %dma_start3A_34 = arith.constant 0 : i32
    %dma_start3A_35 = tpu.memref_slice %arg5[%dma_start3A_31, %dma_start3A_32, %dma_start3A_33, %dma_start3A_34] : memref<2x3x2x128xi32, #tpu.memory_space<vmem>> -> memref<1x3x2x128xi32, #tpu.memory_space<vmem>>
    %dma_start3A_36 = tpu.memref_squeeze %dma_start3A_35 : memref<1x3x2x128xi32, #tpu.memory_space<vmem>> -> memref<3x2x128xi32, #tpu.memory_space<vmem>>
    %dma_start3A_37 = arith.constant 0 : i32
    %dma_start3A_38 = arith.constant 0 : i32
    %dma_start3A_39 = tpu.memref_slice %arg3[%add3A_30, %dma_start3A_37, %dma_start3A_38] : memref<2688x2x128xi32, #tpu.memory_space<hbm>> -> memref<3x2x128xi32, #tpu.memory_space<hbm>>
    %dma_start3A_40 = arith.constant 0 : i32
    %dma_start3A_41 = arith.constant 0 : i32
    %dma_start3A_42 = arith.constant 0 : i32
    %dma_start3A_43 = tpu.memref_slice %arg5[%dma_start3A_31, %dma_start3A_40, %dma_start3A_41, %dma_start3A_42] : memref<2x3x2x128xi32, #tpu.memory_space<vmem>> -> memref<1x3x2x128xi32, #tpu.memory_space<vmem>>
    %dma_start3A_44 = tpu.memref_squeeze %dma_start3A_43 : memref<1x3x2x128xi32, #tpu.memory_space<vmem>> -> memref<3x2x128xi32, #tpu.memory_space<vmem>>
    %dma_start3A_45 = arith.constant 0 : i32
    %dma_start3A_46 = arith.constant 0 : i32
    %dma_start3A_47 = tpu.memref_slice %arg3[%add3A_30, %dma_start3A_45, %dma_start3A_46] : memref<2688x2x128xi32, #tpu.memory_space<hbm>> -> memref<3x2x128xi32, #tpu.memory_space<hbm>>
    tpu.enqueue_dma source(%dma_start3A_47 : memref<3x2x128xi32, #tpu.memory_space<hbm>>) target(%dma_start3A_44 : memref<3x2x128xi32, #tpu.memory_space<vmem>>) target_semaphore(%arg10 : memref<!tpu.dma_semaphore, #tpu.memory_space<semaphore_mem>>)
    %dma_wait3A = arith.constant 0 : i32
    %dma_wait3A_48 = arith.constant 0 : i32
    %dma_wait3A_49 = arith.constant 0 : i32
    %dma_wait3A_50 = arith.constant 0 : i32
    %dma_wait3A_51 = tpu.memref_slice %arg5[%dma_wait3A, %dma_wait3A_48, %dma_wait3A_49, %dma_wait3A_50] : memref<2x3x2x128xi32, #tpu.memory_space<vmem>> -> memref<1x3x2x128xi32, #tpu.memory_space<vmem>>
    %dma_wait3A_52 = tpu.memref_squeeze %dma_wait3A_51 : memref<1x3x2x128xi32, #tpu.memory_space<vmem>> -> memref<3x2x128xi32, #tpu.memory_space<vmem>>
    %dma_wait3A_53 = arith.constant 0 : i32
    %dma_wait3A_54 = arith.constant 0 : i32
    %dma_wait3A_55 = tpu.memref_slice %arg3[%mul3A_4, %dma_wait3A_53, %dma_wait3A_54] : memref<2688x2x128xi32, #tpu.memory_space<hbm>> -> memref<3x2x128xi32, #tpu.memory_space<hbm>>
    %dma_wait3A_56 = arith.constant 0 : i32
    %dma_wait3A_57 = arith.constant 0 : i32
    %dma_wait3A_58 = arith.constant 0 : i32
    %dma_wait3A_59 = tpu.memref_slice %arg5[%dma_wait3A, %dma_wait3A_56, %dma_wait3A_57, %dma_wait3A_58] : memref<2x3x2x128xi32, #tpu.memory_space<vmem>> -> memref<1x3x2x128xi32, #tpu.memory_space<vmem>>
    %dma_wait3A_60 = tpu.memref_squeeze %dma_wait3A_59 : memref<1x3x2x128xi32, #tpu.memory_space<vmem>> -> memref<3x2x128xi32, #tpu.memory_space<vmem>>
    %dma_wait3A_61 = arith.constant 0 : i32
    %dma_wait3A_62 = arith.constant 0 : i32
    %dma_wait3A_63 = tpu.memref_slice %arg3[%mul3A_4, %dma_wait3A_61, %dma_wait3A_62] : memref<2688x2x128xi32, #tpu.memory_space<hbm>> -> memref<3x2x128xi32, #tpu.memory_space<hbm>>
    tpu.wait_dma2 semaphore(%arg9 : memref<!tpu.dma_semaphore, #tpu.memory_space<semaphore_mem>>) src(%dma_wait3A_63 : memref<3x2x128xi32, #tpu.memory_space<hbm>>) dst(%dma_wait3A_60 : memref<3x2x128xi32, #tpu.memory_space<vmem>>)
    %dma_start3A_64 = arith.constant 0 : i32
    %dma_start3A_65 = arith.constant 0 : i32
    %dma_start3A_66 = arith.constant 0 : i32
    %dma_start3A_67 = arith.constant 0 : i32
    %dma_start3A_68 = arith.constant 0 : i32
    %dma_start3A_69 = arith.constant 0 : i32
    %dma_start3A_70 = tpu.memref_slice %arg6[%dma_start3A_67, %dma_start3A_68, %dma_start3A_69] : memref<3x128x128xf32, #tpu.memory_space<vmem>> -> memref<1x128x128xf32, #tpu.memory_space<vmem>>
    %dma_start3A_71 = tpu.memref_squeeze %dma_start3A_70 : memref<1x128x128xf32, #tpu.memory_space<vmem>> -> memref<128x128xf32, #tpu.memory_space<vmem>>
    %dma_start3A_72 = arith.constant 0 : i32
    %dma_start3A_73 = tpu.memref_slice %arg5[%dma_start3A_64, %dma_start3A_65, %dma_start3A_66, %dma_start3A_72] : memref<2x3x2x128xi32, #tpu.memory_space<vmem>> -> memref<1x1x1x128xi32, #tpu.memory_space<vmem>>
    %dma_start3A_74 = tpu.memref_squeeze %dma_start3A_73 : memref<1x1x1x128xi32, #tpu.memory_space<vmem>> -> memref<128xi32, #tpu.memory_space<vmem>>
    %dma_start3A_75 = arith.constant 0 : i32
    %dma_start3A_76 = arith.constant 0 : i32
    %dma_start3A_77 = tpu.memref_slice %arg2[%dma_start3A_75, %dma_start3A_76] : memref<10000x128xf32, #tpu.memory_space<hbm>> -> memref<10000x128xf32, #tpu.memory_space<hbm>>
    tpu.enqueue_indirect_dma source(%dma_start3A_77 : memref<10000x128xf32, #tpu.memory_space<hbm>>) target(%dma_start3A_71 : memref<128x128xf32, #tpu.memory_space<vmem>>) offsets(%dma_start3A_74 : memref<128xi32, #tpu.memory_space<vmem>>) semaphore(%arg11 : memref<!tpu.dma_semaphore, #tpu.memory_space<semaphore_mem>>)
    %dma_start3A_78 = arith.constant 0 : i32
    %dma_start3A_79 = arith.constant 1 : i32
    %dma_start3A_80 = arith.constant 0 : i32
    %dma_start3A_81 = arith.constant 1 : i32
    %dma_start3A_82 = arith.constant 0 : i32
    %dma_start3A_83 = arith.constant 0 : i32
    %dma_start3A_84 = tpu.memref_slice %arg6[%dma_start3A_81, %dma_start3A_82, %dma_start3A_83] : memref<3x128x128xf32, #tpu.memory_space<vmem>> -> memref<1x128x128xf32, #tpu.memory_space<vmem>>
    %dma_start3A_85 = tpu.memref_squeeze %dma_start3A_84 : memref<1x128x128xf32, #tpu.memory_space<vmem>> -> memref<128x128xf32, #tpu.memory_space<vmem>>
    %dma_start3A_86 = arith.constant 0 : i32
    %dma_start3A_87 = tpu.memref_slice %arg5[%dma_start3A_78, %dma_start3A_79, %dma_start3A_80, %dma_start3A_86] : memref<2x3x2x128xi32, #tpu.memory_space<vmem>> -> memref<1x1x1x128xi32, #tpu.memory_space<vmem>>
    %dma_start3A_88 = tpu.memref_squeeze %dma_start3A_87 : memref<1x1x1x128xi32, #tpu.memory_space<vmem>> -> memref<128xi32, #tpu.memory_space<vmem>>
    %dma_start3A_89 = arith.constant 0 : i32
    %dma_start3A_90 = arith.constant 0 : i32
    %dma_start3A_91 = tpu.memref_slice %arg2[%dma_start3A_89, %dma_start3A_90] : memref<10000x128xf32, #tpu.memory_space<hbm>> -> memref<10000x128xf32, #tpu.memory_space<hbm>>
    tpu.enqueue_indirect_dma source(%dma_start3A_91 : memref<10000x128xf32, #tpu.memory_space<hbm>>) target(%dma_start3A_85 : memref<128x128xf32, #tpu.memory_space<vmem>>) offsets(%dma_start3A_88 : memref<128xi32, #tpu.memory_space<vmem>>) semaphore(%arg12 : memref<!tpu.dma_semaphore, #tpu.memory_space<semaphore_mem>>)
    %dma_start3A_92 = arith.constant 0 : i32
    %dma_start3A_93 = arith.constant 2 : i32
    %dma_start3A_94 = arith.constant 0 : i32
    %dma_start3A_95 = arith.constant 2 : i32
    %dma_start3A_96 = arith.constant 0 : i32
    %dma_start3A_97 = arith.constant 0 : i32
    %dma_start3A_98 = tpu.memref_slice %arg6[%dma_start3A_95, %dma_start3A_96, %dma_start3A_97] : memref<3x128x128xf32, #tpu.memory_space<vmem>> -> memref<1x128x128xf32, #tpu.memory_space<vmem>>
    %dma_start3A_99 = tpu.memref_squeeze %dma_start3A_98 : memref<1x128x128xf32, #tpu.memory_space<vmem>> -> memref<128x128xf32, #tpu.memory_space<vmem>>
    %dma_start3A_100 = arith.constant 0 : i32
    %dma_start3A_101 = tpu.memref_slice %arg5[%dma_start3A_92, %dma_start3A_93, %dma_start3A_94, %dma_start3A_100] : memref<2x3x2x128xi32, #tpu.memory_space<vmem>> -> memref<1x1x1x128xi32, #tpu.memory_space<vmem>>
    %dma_start3A_102 = tpu.memref_squeeze %dma_start3A_101 : memref<1x1x1x128xi32, #tpu.memory_space<vmem>> -> memref<128xi32, #tpu.memory_space<vmem>>
    %dma_start3A_103 = arith.constant 0 : i32
    %dma_start3A_104 = arith.constant 0 : i32
    %dma_start3A_105 = tpu.memref_slice %arg2[%dma_start3A_103, %dma_start3A_104] : memref<10000x128xf32, #tpu.memory_space<hbm>> -> memref<10000x128xf32, #tpu.memory_space<hbm>>
    tpu.enqueue_indirect_dma source(%dma_start3A_105 : memref<10000x128xf32, #tpu.memory_space<hbm>>) target(%dma_start3A_99 : memref<128x128xf32, #tpu.memory_space<vmem>>) offsets(%dma_start3A_102 : memref<128xi32, #tpu.memory_space<vmem>>) semaphore(%arg13 : memref<!tpu.dma_semaphore, #tpu.memory_space<semaphore_mem>>)
    %lt3A_106 = arith.constant 15 : i32
    %lt3A_107 = arith.cmpi slt, %arg1, %lt3A_106 : i32
    %convert_element_type3A_108 = arith.extui %lt3A_107 : i1 to i32
    %cond3A_109 = arith.constant 0 : i32
    %cond3A_110 = arith.cmpi ne, %convert_element_type3A_108, %cond3A_109 : i32
    scf.if %cond3A_110 {
      %add3A_132 = arith.constant 0 : i32
      %add3A_133 = arith.addi %mul3A_2, %add3A_132 : i32
      %add3A_134 = arith.constant 0 : i32
      %add3A_135 = arith.addi %mul3A_2, %add3A_134 : i32
      %dma_wait3A_136 = arith.constant 0 : i32
      %dma_wait3A_137 = tpu.memref_slice %arg7[%add3A_135, %dma_wait3A_136] : memref<10040x128xf32, #tpu.memory_space<vmem_shared>> -> memref<128x128xf32, #tpu.memory_space<vmem_shared>>
      %dma_wait3A_138 = arith.constant 0 : i32
      %dma_wait3A_139 = tpu.memref_slice %arg2[%add3A_133, %dma_wait3A_138] : memref<10000x128xf32, #tpu.memory_space<hbm>> -> memref<128x128xf32, #tpu.memory_space<hbm>>
      tpu.wait_dma2 semaphore(%arg8 : memref<!tpu.dma_semaphore, #tpu.memory_space<semaphore_mem>>) src(%dma_wait3A_139 : memref<128x128xf32, #tpu.memory_space<hbm>>) dst(%dma_wait3A_137 : memref<128x128xf32, #tpu.memory_space<vmem_shared>>)
      %add3A_140 = arith.constant 128 : i32
      %add3A_141 = arith.addi %mul3A_2, %add3A_140 : i32
      %add3A_142 = arith.constant 128 : i32
      %add3A_143 = arith.addi %mul3A_2, %add3A_142 : i32
      %dma_wait3A_144 = arith.constant 0 : i32
      %dma_wait3A_145 = tpu.memref_slice %arg7[%add3A_143, %dma_wait3A_144] : memref<10040x128xf32, #tpu.memory_space<vmem_shared>> -> memref<128x128xf32, #tpu.memory_space<vmem_shared>>
      %dma_wait3A_146 = arith.constant 0 : i32
      %dma_wait3A_147 = tpu.memref_slice %arg2[%add3A_141, %dma_wait3A_146] : memref<10000x128xf32, #tpu.memory_space<hbm>> -> memref<128x128xf32, #tpu.memory_space<hbm>>
      tpu.wait_dma2 semaphore(%arg8 : memref<!tpu.dma_semaphore, #tpu.memory_space<semaphore_mem>>) src(%dma_wait3A_147 : memref<128x128xf32, #tpu.memory_space<hbm>>) dst(%dma_wait3A_145 : memref<128x128xf32, #tpu.memory_space<vmem_shared>>)
      %add3A_148 = arith.constant 256 : i32
      %add3A_149 = arith.addi %mul3A_2, %add3A_148 : i32
      %add3A_150 = arith.constant 256 : i32
      %add3A_151 = arith.addi %mul3A_2, %add3A_150 : i32
      %dma_wait3A_152 = arith.constant 0 : i32
      %dma_wait3A_153 = tpu.memref_slice %arg7[%add3A_151, %dma_wait3A_152] : memref<10040x128xf32, #tpu.memory_space<vmem_shared>> -> memref<128x128xf32, #tpu.memory_space<vmem_shared>>
      %dma_wait3A_154 = arith.constant 0 : i32
      %dma_wait3A_155 = tpu.memref_slice %arg2[%add3A_149, %dma_wait3A_154] : memref<10000x128xf32, #tpu.memory_space<hbm>> -> memref<128x128xf32, #tpu.memory_space<hbm>>
      tpu.wait_dma2 semaphore(%arg8 : memref<!tpu.dma_semaphore, #tpu.memory_space<semaphore_mem>>) src(%dma_wait3A_155 : memref<128x128xf32, #tpu.memory_space<hbm>>) dst(%dma_wait3A_153 : memref<128x128xf32, #tpu.memory_space<vmem_shared>>)
      %add3A_156 = arith.constant 384 : i32
      %add3A_157 = arith.addi %mul3A_2, %add3A_156 : i32
      %add3A_158 = arith.constant 384 : i32
      %add3A_159 = arith.addi %mul3A_2, %add3A_158 : i32
      %dma_wait3A_160 = arith.constant 0 : i32
      %dma_wait3A_161 = tpu.memref_slice %arg7[%add3A_159, %dma_wait3A_160] : memref<10040x128xf32, #tpu.memory_space<vmem_shared>> -> memref<128x128xf32, #tpu.memory_space<vmem_shared>>
      %dma_wait3A_162 = arith.constant 0 : i32
      %dma_wait3A_163 = tpu.memref_slice %arg2[%add3A_157, %dma_wait3A_162] : memref<10000x128xf32, #tpu.memory_space<hbm>> -> memref<128x128xf32, #tpu.memory_space<hbm>>
      tpu.wait_dma2 semaphore(%arg8 : memref<!tpu.dma_semaphore, #tpu.memory_space<semaphore_mem>>) src(%dma_wait3A_163 : memref<128x128xf32, #tpu.memory_space<hbm>>) dst(%dma_wait3A_161 : memref<128x128xf32, #tpu.memory_space<vmem_shared>>)
      %add3A_164 = arith.constant 512 : i32
      %add3A_165 = arith.addi %mul3A_2, %add3A_164 : i32
      %add3A_166 = arith.constant 512 : i32
      %add3A_167 = arith.addi %mul3A_2, %add3A_166 : i32
      %dma_wait3A_168 = arith.constant 0 : i32
      %dma_wait3A_169 = tpu.memref_slice %arg7[%add3A_167, %dma_wait3A_168] : memref<10040x128xf32, #tpu.memory_space<vmem_shared>> -> memref<128x128xf32, #tpu.memory_space<vmem_shared>>
      %dma_wait3A_170 = arith.constant 0 : i32
      %dma_wait3A_171 = tpu.memref_slice %arg2[%add3A_165, %dma_wait3A_170] : memref<10000x128xf32, #tpu.memory_space<hbm>> -> memref<128x128xf32, #tpu.memory_space<hbm>>
      tpu.wait_dma2 semaphore(%arg8 : memref<!tpu.dma_semaphore, #tpu.memory_space<semaphore_mem>>) src(%dma_wait3A_171 : memref<128x128xf32, #tpu.memory_space<hbm>>) dst(%dma_wait3A_169 : memref<128x128xf32, #tpu.memory_space<vmem_shared>>)
    } else {
    }
    %eq3A_111 = arith.constant 15 : i32
    %eq3A_112 = arith.cmpi eq, %arg1, %eq3A_111 : i32
    %convert_element_type3A_113 = arith.extui %eq3A_112 : i1 to i32
    %cond3A_114 = arith.constant 0 : i32
    %cond3A_115 = arith.cmpi ne, %convert_element_type3A_113, %cond3A_114 : i32
    scf.if %cond3A_115 {
      %dma_wait3A_132 = arith.constant 9600 : i32
      %dma_wait3A_133 = arith.constant 0 : i32
      %dma_wait3A_134 = tpu.memref_slice %arg7[%dma_wait3A_132, %dma_wait3A_133] : memref<10040x128xf32, #tpu.memory_space<vmem_shared>> -> memref<128x128xf32, #tpu.memory_space<vmem_shared>>
      %dma_wait3A_135 = arith.constant 9600 : i32
      %dma_wait3A_136 = arith.constant 0 : i32
      %dma_wait3A_137 = tpu.memref_slice %arg2[%dma_wait3A_135, %dma_wait3A_136] : memref<10000x128xf32, #tpu.memory_space<hbm>> -> memref<128x128xf32, #tpu.memory_space<hbm>>
      tpu.wait_dma2 semaphore(%arg8 : memref<!tpu.dma_semaphore, #tpu.memory_space<semaphore_mem>>) src(%dma_wait3A_137 : memref<128x128xf32, #tpu.memory_space<hbm>>) dst(%dma_wait3A_134 : memref<128x128xf32, #tpu.memory_space<vmem_shared>>)
      %dma_wait3A_138 = arith.constant 9728 : i32
      %dma_wait3A_139 = arith.constant 0 : i32
      %dma_wait3A_140 = tpu.memref_slice %arg7[%dma_wait3A_138, %dma_wait3A_139] : memref<10040x128xf32, #tpu.memory_space<vmem_shared>> -> memref<128x128xf32, #tpu.memory_space<vmem_shared>>
      %dma_wait3A_141 = arith.constant 9728 : i32
      %dma_wait3A_142 = arith.constant 0 : i32
      %dma_wait3A_143 = tpu.memref_slice %arg2[%dma_wait3A_141, %dma_wait3A_142] : memref<10000x128xf32, #tpu.memory_space<hbm>> -> memref<128x128xf32, #tpu.memory_space<hbm>>
      tpu.wait_dma2 semaphore(%arg8 : memref<!tpu.dma_semaphore, #tpu.memory_space<semaphore_mem>>) src(%dma_wait3A_143 : memref<128x128xf32, #tpu.memory_space<hbm>>) dst(%dma_wait3A_140 : memref<128x128xf32, #tpu.memory_space<vmem_shared>>)
      %dma_wait3A_144 = arith.constant 9856 : i32
      %dma_wait3A_145 = arith.constant 0 : i32
      %dma_wait3A_146 = tpu.memref_slice %arg7[%dma_wait3A_144, %dma_wait3A_145] : memref<10040x128xf32, #tpu.memory_space<vmem_shared>> -> memref<128x128xf32, #tpu.memory_space<vmem_shared>>
      %dma_wait3A_147 = arith.constant 9856 : i32
      %dma_wait3A_148 = arith.constant 0 : i32
      %dma_wait3A_149 = tpu.memref_slice %arg2[%dma_wait3A_147, %dma_wait3A_148] : memref<10000x128xf32, #tpu.memory_space<hbm>> -> memref<128x128xf32, #tpu.memory_space<hbm>>
      tpu.wait_dma2 semaphore(%arg8 : memref<!tpu.dma_semaphore, #tpu.memory_space<semaphore_mem>>) src(%dma_wait3A_149 : memref<128x128xf32, #tpu.memory_space<hbm>>) dst(%dma_wait3A_146 : memref<128x128xf32, #tpu.memory_space<vmem_shared>>)
      %dma_wait3A_150 = arith.constant 9984 : i32
      %dma_wait3A_151 = arith.constant 0 : i32
      %dma_wait3A_152 = tpu.memref_slice %arg7[%dma_wait3A_150, %dma_wait3A_151] : memref<10040x128xf32, #tpu.memory_space<vmem_shared>> -> memref<8x128xf32, #tpu.memory_space<vmem_shared>>
      %dma_wait3A_153 = arith.constant 9984 : i32
      %dma_wait3A_154 = arith.constant 0 : i32
      %dma_wait3A_155 = tpu.memref_slice %arg2[%dma_wait3A_153, %dma_wait3A_154] : memref<10000x128xf32, #tpu.memory_space<hbm>> -> memref<8x128xf32, #tpu.memory_space<hbm>>
      tpu.wait_dma2 semaphore(%arg8 : memref<!tpu.dma_semaphore, #tpu.memory_space<semaphore_mem>>) src(%dma_wait3A_155 : memref<8x128xf32, #tpu.memory_space<hbm>>) dst(%dma_wait3A_152 : memref<8x128xf32, #tpu.memory_space<vmem_shared>>)
      %dma_wait3A_156 = arith.constant 9992 : i32
      %dma_wait3A_157 = arith.constant 0 : i32
      %dma_wait3A_158 = tpu.memref_slice %arg7[%dma_wait3A_156, %dma_wait3A_157] : memref<10040x128xf32, #tpu.memory_space<vmem_shared>> -> memref<8x128xf32, #tpu.memory_space<vmem_shared>>
      %dma_wait3A_159 = arith.constant 9992 : i32
      %dma_wait3A_160 = arith.constant 0 : i32
      %dma_wait3A_161 = tpu.memref_slice %arg2[%dma_wait3A_159, %dma_wait3A_160] : memref<10000x128xf32, #tpu.memory_space<hbm>> -> memref<8x128xf32, #tpu.memory_space<hbm>>
      tpu.wait_dma2 semaphore(%arg8 : memref<!tpu.dma_semaphore, #tpu.memory_space<semaphore_mem>>) src(%dma_wait3A_161 : memref<8x128xf32, #tpu.memory_space<hbm>>) dst(%dma_wait3A_158 : memref<8x128xf32, #tpu.memory_space<vmem_shared>>)
    } else {
    }
    %barrier3A = arith.constant 0 : index
    tpu.barrier barrier_id(%barrier3A)
    %scan3A = arith.constant 0 : i32
    %scan3A_116 = arith.constant 0 : i32
    %scan3A_117 = arith.constant 14 : i32
    %scan3A_118 = arith.addi %scan3A_116, %scan3A_117 : i32
    %scan3A_119 = arith.constant 1 : i32
    scf.for %scan3A_132 = %scan3A_116 to %scan3A_118 step %scan3A_119  : i32 {
      %dma_wait3A_133 = arith.constant 1 : i32
      %dma_wait3A_134 = arith.constant 0 : i32
      %dma_wait3A_135 = arith.constant 0 : i32
      %dma_wait3A_136 = arith.constant 0 : i32
      %dma_wait3A_137 = tpu.memref_slice %arg5[%dma_wait3A_133, %dma_wait3A_134, %dma_wait3A_135, %dma_wait3A_136] : memref<2x3x2x128xi32, #tpu.memory_space<vmem>> -> memref<1x3x2x128xi32, #tpu.memory_space<vmem>>
      %dma_wait3A_138 = tpu.memref_squeeze %dma_wait3A_137 : memref<1x3x2x128xi32, #tpu.memory_space<vmem>> -> memref<3x2x128xi32, #tpu.memory_space<vmem>>
      %dma_wait3A_139 = arith.constant 0 : i32
      %dma_wait3A_140 = arith.constant 0 : i32
      %dma_wait3A_141 = tpu.memref_slice %arg3[%mul3A_4, %dma_wait3A_139, %dma_wait3A_140] : memref<2688x2x128xi32, #tpu.memory_space<hbm>> -> memref<3x2x128xi32, #tpu.memory_space<hbm>>
      %dma_wait3A_142 = arith.constant 0 : i32
      %dma_wait3A_143 = arith.constant 0 : i32
      %dma_wait3A_144 = arith.constant 0 : i32
      %dma_wait3A_145 = tpu.memref_slice %arg5[%dma_wait3A_133, %dma_wait3A_142, %dma_wait3A_143, %dma_wait3A_144] : memref<2x3x2x128xi32, #tpu.memory_space<vmem>> -> memref<1x3x2x128xi32, #tpu.memory_space<vmem>>
      %dma_wait3A_146 = tpu.memref_squeeze %dma_wait3A_145 : memref<1x3x2x128xi32, #tpu.memory_space<vmem>> -> memref<3x2x128xi32, #tpu.memory_space<vmem>>
      %dma_wait3A_147 = arith.constant 0 : i32
      %dma_wait3A_148 = arith.constant 0 : i32
      %dma_wait3A_149 = tpu.memref_slice %arg3[%mul3A_4, %dma_wait3A_147, %dma_wait3A_148] : memref<2688x2x128xi32, #tpu.memory_space<hbm>> -> memref<3x2x128xi32, #tpu.memory_space<hbm>>
      tpu.wait_dma2 semaphore(%arg10 : memref<!tpu.dma_semaphore, #tpu.memory_space<semaphore_mem>>) src(%dma_wait3A_149 : memref<3x2x128xi32, #tpu.memory_space<hbm>>) dst(%dma_wait3A_146 : memref<3x2x128xi32, #tpu.memory_space<vmem>>)
      %dma_wait3A_150 = arith.constant 0 : i32
      %dma_wait3A_151 = arith.constant 0 : i32
      %dma_wait3A_152 = arith.constant 0 : i32
      %dma_wait3A_153 = arith.constant 0 : i32
      %dma_wait3A_154 = arith.constant 0 : i32
      %dma_wait3A_155 = arith.constant 0 : i32
      %dma_wait3A_156 = tpu.memref_slice %arg6[%dma_wait3A_153, %dma_wait3A_154, %dma_wait3A_155] : memref<3x128x128xf32, #tpu.memory_space<vmem>> -> memref<1x128x128xf32, #tpu.memory_space<vmem>>
      %dma_wait3A_157 = tpu.memref_squeeze %dma_wait3A_156 : memref<1x128x128xf32, #tpu.memory_space<vmem>> -> memref<128x128xf32, #tpu.memory_space<vmem>>
      %dma_wait3A_158 = arith.constant 0 : i32
      %dma_wait3A_159 = tpu.memref_slice %arg5[%dma_wait3A_150, %dma_wait3A_151, %dma_wait3A_152, %dma_wait3A_158] : memref<2x3x2x128xi32, #tpu.memory_space<vmem>> -> memref<1x1x1x128xi32, #tpu.memory_space<vmem>>
      %dma_wait3A_160 = tpu.memref_squeeze %dma_wait3A_159 : memref<1x1x1x128xi32, #tpu.memory_space<vmem>> -> memref<128xi32, #tpu.memory_space<vmem>>
      %dma_wait3A_161 = arith.constant 0 : i32
      %dma_wait3A_162 = arith.constant 0 : i32
      %dma_wait3A_163 = tpu.memref_slice %arg2[%dma_wait3A_161, %dma_wait3A_162] : memref<10000x128xf32, #tpu.memory_space<hbm>> -> memref<10000x128xf32, #tpu.memory_space<hbm>>
      tpu.wait_indirect_dma semaphore(%arg11 : memref<!tpu.dma_semaphore, #tpu.memory_space<semaphore_mem>>) src(%dma_wait3A_163 : memref<10000x128xf32, #tpu.memory_space<hbm>>) dst(%dma_wait3A_157 : memref<128x128xf32, #tpu.memory_space<vmem>>)
      %run_scoped3A = arith.constant 0 : i32
      %run_scoped3A_164 = arith.constant 0 : i32
      %run_scoped3A_165 = arith.constant 0 : i32
      %run_scoped3A_166 = arith.constant 1 : i32
      "tpu.region"() ({
        %run_scoped3A_329 = tpu.sem_alloc : memref<!tpu.dma_semaphore, #tpu.memory_space<semaphore_mem>>
        %dma_start3A_330 = arith.constant 0 : i32
        %dma_start3A_331 = arith.constant 0 : i32
        %dma_start3A_332 = tpu.memref_slice %arg6[%run_scoped3A, %dma_start3A_330, %dma_start3A_331] : memref<3x128x128xf32, #tpu.memory_space<vmem>> -> memref<1x128x128xf32, #tpu.memory_space<vmem>>
        %dma_start3A_333 = tpu.memref_squeeze %dma_start3A_332 : memref<1x128x128xf32, #tpu.memory_space<vmem>> -> memref<128x128xf32, #tpu.memory_space<vmem>>
        %dma_start3A_334 = arith.constant 0 : i32
        %dma_start3A_335 = tpu.memref_slice %arg5[%run_scoped3A_164, %run_scoped3A_165, %run_scoped3A_166, %dma_start3A_334] : memref<2x3x2x128xi32, #tpu.memory_space<vmem>> -> memref<1x1x1x128xi32, #tpu.memory_space<vmem>>
        %dma_start3A_336 = tpu.memref_squeeze %dma_start3A_335 : memref<1x1x1x128xi32, #tpu.memory_space<vmem>> -> memref<128xi32, #tpu.memory_space<vmem>>
        %dma_start3A_337 = arith.constant 0 : i32
        %dma_start3A_338 = arith.constant 0 : i32
        %dma_start3A_339 = tpu.memref_slice %arg7[%dma_start3A_337, %dma_start3A_338] : memref<10040x128xf32, #tpu.memory_space<vmem_shared>> -> memref<10040x128xf32, #tpu.memory_space<vmem_shared>>
        tpu.enqueue_indirect_dma source(%dma_start3A_333 : memref<128x128xf32, #tpu.memory_space<vmem>>) target(%dma_start3A_339 : memref<10040x128xf32, #tpu.memory_space<vmem_shared>>) offsets(%dma_start3A_336 : memref<128xi32, #tpu.memory_space<vmem>>) semaphore(%run_scoped3A_329 : memref<!tpu.dma_semaphore, #tpu.memory_space<semaphore_mem>>) {add = true}
        %dma_wait3A_340 = arith.constant 0 : i32
        %dma_wait3A_341 = arith.constant 0 : i32
        %dma_wait3A_342 = tpu.memref_slice %arg6[%run_scoped3A, %dma_wait3A_340, %dma_wait3A_341] : memref<3x128x128xf32, #tpu.memory_space<vmem>> -> memref<1x128x128xf32, #tpu.memory_space<vmem>>
        %dma_wait3A_343 = tpu.memref_squeeze %dma_wait3A_342 : memref<1x128x128xf32, #tpu.memory_space<vmem>> -> memref<128x128xf32, #tpu.memory_space<vmem>>
        %dma_wait3A_344 = arith.constant 0 : i32
        %dma_wait3A_345 = tpu.memref_slice %arg5[%run_scoped3A_164, %run_scoped3A_165, %run_scoped3A_166, %dma_wait3A_344] : memref<2x3x2x128xi32, #tpu.memory_space<vmem>> -> memref<1x1x1x128xi32, #tpu.memory_space<vmem>>
        %dma_wait3A_346 = tpu.memref_squeeze %dma_wait3A_345 : memref<1x1x1x128xi32, #tpu.memory_space<vmem>> -> memref<128xi32, #tpu.memory_space<vmem>>
        %dma_wait3A_347 = arith.constant 0 : i32
        %dma_wait3A_348 = arith.constant 0 : i32
        %dma_wait3A_349 = tpu.memref_slice %arg7[%dma_wait3A_347, %dma_wait3A_348] : memref<10040x128xf32, #tpu.memory_space<vmem_shared>> -> memref<10040x128xf32, #tpu.memory_space<vmem_shared>>
        tpu.wait_indirect_dma semaphore(%run_scoped3A_329 : memref<!tpu.dma_semaphore, #tpu.memory_space<semaphore_mem>>) src(%dma_wait3A_343 : memref<128x128xf32, #tpu.memory_space<vmem>>) dst(%dma_wait3A_349 : memref<10040x128xf32, #tpu.memory_space<vmem_shared>>)
        tpu.yield
      }) : () -> ()
      %dma_start3A_167 = arith.constant 1 : i32
      %dma_start3A_168 = arith.constant 0 : i32
      %dma_start3A_169 = arith.constant 0 : i32
      %dma_start3A_170 = arith.constant 0 : i32
      %dma_start3A_171 = arith.constant 0 : i32
      %dma_start3A_172 = arith.constant 0 : i32
      %dma_start3A_173 = tpu.memref_slice %arg6[%dma_start3A_170, %dma_start3A_171, %dma_start3A_172] : memref<3x128x128xf32, #tpu.memory_space<vmem>> -> memref<1x128x128xf32, #tpu.memory_space<vmem>>
      %dma_start3A_174 = tpu.memref_squeeze %dma_start3A_173 : memref<1x128x128xf32, #tpu.memory_space<vmem>> -> memref<128x128xf32, #tpu.memory_space<vmem>>
      %dma_start3A_175 = arith.constant 0 : i32
      %dma_start3A_176 = tpu.memref_slice %arg5[%dma_start3A_167, %dma_start3A_168, %dma_start3A_169, %dma_start3A_175] : memref<2x3x2x128xi32, #tpu.memory_space<vmem>> -> memref<1x1x1x128xi32, #tpu.memory_space<vmem>>
      %dma_start3A_177 = tpu.memref_squeeze %dma_start3A_176 : memref<1x1x1x128xi32, #tpu.memory_space<vmem>> -> memref<128xi32, #tpu.memory_space<vmem>>
      %dma_start3A_178 = arith.constant 0 : i32
      %dma_start3A_179 = arith.constant 0 : i32
      %dma_start3A_180 = tpu.memref_slice %arg2[%dma_start3A_178, %dma_start3A_179] : memref<10000x128xf32, #tpu.memory_space<hbm>> -> memref<10000x128xf32, #tpu.memory_space<hbm>>
      tpu.enqueue_indirect_dma source(%dma_start3A_180 : memref<10000x128xf32, #tpu.memory_space<hbm>>) target(%dma_start3A_174 : memref<128x128xf32, #tpu.memory_space<vmem>>) offsets(%dma_start3A_177 : memref<128xi32, #tpu.memory_space<vmem>>) semaphore(%arg11 : memref<!tpu.dma_semaphore, #tpu.memory_space<semaphore_mem>>)
      %dma_wait3A_181 = arith.constant 0 : i32
      %dma_wait3A_182 = arith.constant 0 : i32
      %dma_wait3A_183 = arith.constant 0 : i32
      %dma_wait3A_184 = arith.constant 1 : i32
      %dma_wait3A_185 = arith.constant 0 : i32
      %dma_wait3A_186 = arith.constant 0 : i32
      %dma_wait3A_187 = tpu.memref_slice %arg6[%dma_wait3A_184, %dma_wait3A_185, %dma_wait3A_186] : memref<3x128x128xf32, #tpu.memory_space<vmem>> -> memref<1x128x128xf32, #tpu.memory_space<vmem>>
      %dma_wait3A_188 = tpu.memref_squeeze %dma_wait3A_187 : memref<1x128x128xf32, #tpu.memory_space<vmem>> -> memref<128x128xf32, #tpu.memory_space<vmem>>
      %dma_wait3A_189 = arith.constant 0 : i32
      %dma_wait3A_190 = tpu.memref_slice %arg5[%dma_wait3A_181, %dma_wait3A_182, %dma_wait3A_183, %dma_wait3A_189] : memref<2x3x2x128xi32, #tpu.memory_space<vmem>> -> memref<1x1x1x128xi32, #tpu.memory_space<vmem>>
      %dma_wait3A_191 = tpu.memref_squeeze %dma_wait3A_190 : memref<1x1x1x128xi32, #tpu.memory_space<vmem>> -> memref<128xi32, #tpu.memory_space<vmem>>
      %dma_wait3A_192 = arith.constant 0 : i32
      %dma_wait3A_193 = arith.constant 0 : i32
      %dma_wait3A_194 = tpu.memref_slice %arg2[%dma_wait3A_192, %dma_wait3A_193] : memref<10000x128xf32, #tpu.memory_space<hbm>> -> memref<10000x128xf32, #tpu.memory_space<hbm>>
      tpu.wait_indirect_dma semaphore(%arg12 : memref<!tpu.dma_semaphore, #tpu.memory_space<semaphore_mem>>) src(%dma_wait3A_194 : memref<10000x128xf32, #tpu.memory_space<hbm>>) dst(%dma_wait3A_188 : memref<128x128xf32, #tpu.memory_space<vmem>>)
      %run_scoped3A_195 = arith.constant 1 : i32
      %run_scoped3A_196 = arith.constant 0 : i32
      %run_scoped3A_197 = arith.constant 1 : i32
      %run_scoped3A_198 = arith.constant 1 : i32
      "tpu.region"() ({
        %run_scoped3A_329 = tpu.sem_alloc : memref<!tpu.dma_semaphore, #tpu.memory_space<semaphore_mem>>
        %dma_start3A_330 = arith.constant 0 : i32
        %dma_start3A_331 = arith.constant 0 : i32
        %dma_start3A_332 = tpu.memref_slice %arg6[%run_scoped3A_195, %dma_start3A_330, %dma_start3A_331] : memref<3x128x128xf32, #tpu.memory_space<vmem>> -> memref<1x128x128xf32, #tpu.memory_space<vmem>>
        %dma_start3A_333 = tpu.memref_squeeze %dma_start3A_332 : memref<1x128x128xf32, #tpu.memory_space<vmem>> -> memref<128x128xf32, #tpu.memory_space<vmem>>
        %dma_start3A_334 = arith.constant 0 : i32
        %dma_start3A_335 = tpu.memref_slice %arg5[%run_scoped3A_196, %run_scoped3A_197, %run_scoped3A_198, %dma_start3A_334] : memref<2x3x2x128xi32, #tpu.memory_space<vmem>> -> memref<1x1x1x128xi32, #tpu.memory_space<vmem>>
        %dma_start3A_336 = tpu.memref_squeeze %dma_start3A_335 : memref<1x1x1x128xi32, #tpu.memory_space<vmem>> -> memref<128xi32, #tpu.memory_space<vmem>>
        %dma_start3A_337 = arith.constant 0 : i32
        %dma_start3A_338 = arith.constant 0 : i32
        %dma_start3A_339 = tpu.memref_slice %arg7[%dma_start3A_337, %dma_start3A_338] : memref<10040x128xf32, #tpu.memory_space<vmem_shared>> -> memref<10040x128xf32, #tpu.memory_space<vmem_shared>>
        tpu.enqueue_indirect_dma source(%dma_start3A_333 : memref<128x128xf32, #tpu.memory_space<vmem>>) target(%dma_start3A_339 : memref<10040x128xf32, #tpu.memory_space<vmem_shared>>) offsets(%dma_start3A_336 : memref<128xi32, #tpu.memory_space<vmem>>) semaphore(%run_scoped3A_329 : memref<!tpu.dma_semaphore, #tpu.memory_space<semaphore_mem>>) {add = true}
        %dma_wait3A_340 = arith.constant 0 : i32
        %dma_wait3A_341 = arith.constant 0 : i32
        %dma_wait3A_342 = tpu.memref_slice %arg6[%run_scoped3A_195, %dma_wait3A_340, %dma_wait3A_341] : memref<3x128x128xf32, #tpu.memory_space<vmem>> -> memref<1x128x128xf32, #tpu.memory_space<vmem>>
        %dma_wait3A_343 = tpu.memref_squeeze %dma_wait3A_342 : memref<1x128x128xf32, #tpu.memory_space<vmem>> -> memref<128x128xf32, #tpu.memory_space<vmem>>
        %dma_wait3A_344 = arith.constant 0 : i32
        %dma_wait3A_345 = tpu.memref_slice %arg5[%run_scoped3A_196, %run_scoped3A_197, %run_scoped3A_198, %dma_wait3A_344] : memref<2x3x2x128xi32, #tpu.memory_space<vmem>> -> memref<1x1x1x128xi32, #tpu.memory_space<vmem>>
        %dma_wait3A_346 = tpu.memref_squeeze %dma_wait3A_345 : memref<1x1x1x128xi32, #tpu.memory_space<vmem>> -> memref<128xi32, #tpu.memory_space<vmem>>
        %dma_wait3A_347 = arith.constant 0 : i32
        %dma_wait3A_348 = arith.constant 0 : i32
        %dma_wait3A_349 = tpu.memref_slice %arg7[%dma_wait3A_347, %dma_wait3A_348] : memref<10040x128xf32, #tpu.memory_space<vmem_shared>> -> memref<10040x128xf32, #tpu.memory_space<vmem_shared>>
        tpu.wait_indirect_dma semaphore(%run_scoped3A_329 : memref<!tpu.dma_semaphore, #tpu.memory_space<semaphore_mem>>) src(%dma_wait3A_343 : memref<128x128xf32, #tpu.memory_space<vmem>>) dst(%dma_wait3A_349 : memref<10040x128xf32, #tpu.memory_space<vmem_shared>>)
        tpu.yield
      }) : () -> ()
      %dma_start3A_199 = arith.constant 1 : i32
      %dma_start3A_200 = arith.constant 1 : i32
      %dma_start3A_201 = arith.constant 0 : i32
      %dma_start3A_202 = arith.constant 1 : i32
      %dma_start3A_203 = arith.constant 0 : i32
      %dma_start3A_204 = arith.constant 0 : i32
      %dma_start3A_205 = tpu.memref_slice %arg6[%dma_start3A_202, %dma_start3A_203, %dma_start3A_204] : memref<3x128x128xf32, #tpu.memory_space<vmem>> -> memref<1x128x128xf32, #tpu.memory_space<vmem>>
      %dma_start3A_206 = tpu.memref_squeeze %dma_start3A_205 : memref<1x128x128xf32, #tpu.memory_space<vmem>> -> memref<128x128xf32, #tpu.memory_space<vmem>>
      %dma_start3A_207 = arith.constant 0 : i32
      %dma_start3A_208 = tpu.memref_slice %arg5[%dma_start3A_199, %dma_start3A_200, %dma_start3A_201, %dma_start3A_207] : memref<2x3x2x128xi32, #tpu.memory_space<vmem>> -> memref<1x1x1x128xi32, #tpu.memory_space<vmem>>
      %dma_start3A_209 = tpu.memref_squeeze %dma_start3A_208 : memref<1x1x1x128xi32, #tpu.memory_space<vmem>> -> memref<128xi32, #tpu.memory_space<vmem>>
      %dma_start3A_210 = arith.constant 0 : i32
      %dma_start3A_211 = arith.constant 0 : i32
      %dma_start3A_212 = tpu.memref_slice %arg2[%dma_start3A_210, %dma_start3A_211] : memref<10000x128xf32, #tpu.memory_space<hbm>> -> memref<10000x128xf32, #tpu.memory_space<hbm>>
      tpu.enqueue_indirect_dma source(%dma_start3A_212 : memref<10000x128xf32, #tpu.memory_space<hbm>>) target(%dma_start3A_206 : memref<128x128xf32, #tpu.memory_space<vmem>>) offsets(%dma_start3A_209 : memref<128xi32, #tpu.memory_space<vmem>>) semaphore(%arg12 : memref<!tpu.dma_semaphore, #tpu.memory_space<semaphore_mem>>)
      %dma_wait3A_213 = arith.constant 0 : i32
      %dma_wait3A_214 = arith.constant 0 : i32
      %dma_wait3A_215 = arith.constant 0 : i32
      %dma_wait3A_216 = arith.constant 2 : i32
      %dma_wait3A_217 = arith.constant 0 : i32
      %dma_wait3A_218 = arith.constant 0 : i32
      %dma_wait3A_219 = tpu.memref_slice %arg6[%dma_wait3A_216, %dma_wait3A_217, %dma_wait3A_218] : memref<3x128x128xf32, #tpu.memory_space<vmem>> -> memref<1x128x128xf32, #tpu.memory_space<vmem>>
      %dma_wait3A_220 = tpu.memref_squeeze %dma_wait3A_219 : memref<1x128x128xf32, #tpu.memory_space<vmem>> -> memref<128x128xf32, #tpu.memory_space<vmem>>
      %dma_wait3A_221 = arith.constant 0 : i32
      %dma_wait3A_222 = tpu.memref_slice %arg5[%dma_wait3A_213, %dma_wait3A_214, %dma_wait3A_215, %dma_wait3A_221] : memref<2x3x2x128xi32, #tpu.memory_space<vmem>> -> memref<1x1x1x128xi32, #tpu.memory_space<vmem>>
      %dma_wait3A_223 = tpu.memref_squeeze %dma_wait3A_222 : memref<1x1x1x128xi32, #tpu.memory_space<vmem>> -> memref<128xi32, #tpu.memory_space<vmem>>
      %dma_wait3A_224 = arith.constant 0 : i32
      %dma_wait3A_225 = arith.constant 0 : i32
      %dma_wait3A_226 = tpu.memref_slice %arg2[%dma_wait3A_224, %dma_wait3A_225] : memref<10000x128xf32, #tpu.memory_space<hbm>> -> memref<10000x128xf32, #tpu.memory_space<hbm>>
      tpu.wait_indirect_dma semaphore(%arg13 : memref<!tpu.dma_semaphore, #tpu.memory_space<semaphore_mem>>) src(%dma_wait3A_226 : memref<10000x128xf32, #tpu.memory_space<hbm>>) dst(%dma_wait3A_220 : memref<128x128xf32, #tpu.memory_space<vmem>>)
      %run_scoped3A_227 = arith.constant 2 : i32
      %run_scoped3A_228 = arith.constant 0 : i32
      %run_scoped3A_229 = arith.constant 2 : i32
      %run_scoped3A_230 = arith.constant 1 : i32
      "tpu.region"() ({
        %run_scoped3A_329 = tpu.sem_alloc : memref<!tpu.dma_semaphore, #tpu.memory_space<semaphore_mem>>
        %dma_start3A_330 = arith.constant 0 : i32
        %dma_start3A_331 = arith.constant 0 : i32
        %dma_start3A_332 = tpu.memref_slice %arg6[%run_scoped3A_227, %dma_start3A_330, %dma_start3A_331] : memref<3x128x128xf32, #tpu.memory_space<vmem>> -> memref<1x128x128xf32, #tpu.memory_space<vmem>>
        %dma_start3A_333 = tpu.memref_squeeze %dma_start3A_332 : memref<1x128x128xf32, #tpu.memory_space<vmem>> -> memref<128x128xf32, #tpu.memory_space<vmem>>
        %dma_start3A_334 = arith.constant 0 : i32
        %dma_start3A_335 = tpu.memref_slice %arg5[%run_scoped3A_228, %run_scoped3A_229, %run_scoped3A_230, %dma_start3A_334] : memref<2x3x2x128xi32, #tpu.memory_space<vmem>> -> memref<1x1x1x128xi32, #tpu.memory_space<vmem>>
        %dma_start3A_336 = tpu.memref_squeeze %dma_start3A_335 : memref<1x1x1x128xi32, #tpu.memory_space<vmem>> -> memref<128xi32, #tpu.memory_space<vmem>>
        %dma_start3A_337 = arith.constant 0 : i32
        %dma_start3A_338 = arith.constant 0 : i32
        %dma_start3A_339 = tpu.memref_slice %arg7[%dma_start3A_337, %dma_start3A_338] : memref<10040x128xf32, #tpu.memory_space<vmem_shared>> -> memref<10040x128xf32, #tpu.memory_space<vmem_shared>>
        tpu.enqueue_indirect_dma source(%dma_start3A_333 : memref<128x128xf32, #tpu.memory_space<vmem>>) target(%dma_start3A_339 : memref<10040x128xf32, #tpu.memory_space<vmem_shared>>) offsets(%dma_start3A_336 : memref<128xi32, #tpu.memory_space<vmem>>) semaphore(%run_scoped3A_329 : memref<!tpu.dma_semaphore, #tpu.memory_space<semaphore_mem>>) {add = true}
        %dma_wait3A_340 = arith.constant 0 : i32
        %dma_wait3A_341 = arith.constant 0 : i32
        %dma_wait3A_342 = tpu.memref_slice %arg6[%run_scoped3A_227, %dma_wait3A_340, %dma_wait3A_341] : memref<3x128x128xf32, #tpu.memory_space<vmem>> -> memref<1x128x128xf32, #tpu.memory_space<vmem>>
        %dma_wait3A_343 = tpu.memref_squeeze %dma_wait3A_342 : memref<1x128x128xf32, #tpu.memory_space<vmem>> -> memref<128x128xf32, #tpu.memory_space<vmem>>
        %dma_wait3A_344 = arith.constant 0 : i32
        %dma_wait3A_345 = tpu.memref_slice %arg5[%run_scoped3A_228, %run_scoped3A_229, %run_scoped3A_230, %dma_wait3A_344] : memref<2x3x2x128xi32, #tpu.memory_space<vmem>> -> memref<1x1x1x128xi32, #tpu.memory_space<vmem>>
        %dma_wait3A_346 = tpu.memref_squeeze %dma_wait3A_345 : memref<1x1x1x128xi32, #tpu.memory_space<vmem>> -> memref<128xi32, #tpu.memory_space<vmem>>
        %dma_wait3A_347 = arith.constant 0 : i32
        %dma_wait3A_348 = arith.constant 0 : i32
        %dma_wait3A_349 = tpu.memref_slice %arg7[%dma_wait3A_347, %dma_wait3A_348] : memref<10040x128xf32, #tpu.memory_space<vmem_shared>> -> memref<10040x128xf32, #tpu.memory_space<vmem_shared>>
        tpu.wait_indirect_dma semaphore(%run_scoped3A_329 : memref<!tpu.dma_semaphore, #tpu.memory_space<semaphore_mem>>) src(%dma_wait3A_343 : memref<128x128xf32, #tpu.memory_space<vmem>>) dst(%dma_wait3A_349 : memref<10040x128xf32, #tpu.memory_space<vmem_shared>>)
        tpu.yield
      }) : () -> ()
      %dma_start3A_231 = arith.constant 1 : i32
      %dma_start3A_232 = arith.constant 2 : i32
      %dma_start3A_233 = arith.constant 0 : i32
      %dma_start3A_234 = arith.constant 2 : i32
      %dma_start3A_235 = arith.constant 0 : i32
      %dma_start3A_236 = arith.constant 0 : i32
      %dma_start3A_237 = tpu.memref_slice %arg6[%dma_start3A_234, %dma_start3A_235, %dma_start3A_236] : memref<3x128x128xf32, #tpu.memory_space<vmem>> -> memref<1x128x128xf32, #tpu.memory_space<vmem>>
      %dma_start3A_238 = tpu.memref_squeeze %dma_start3A_237 : memref<1x128x128xf32, #tpu.memory_space<vmem>> -> memref<128x128xf32, #tpu.memory_space<vmem>>
      %dma_start3A_239 = arith.constant 0 : i32
      %dma_start3A_240 = tpu.memref_slice %arg5[%dma_start3A_231, %dma_start3A_232, %dma_start3A_233, %dma_start3A_239] : memref<2x3x2x128xi32, #tpu.memory_space<vmem>> -> memref<1x1x1x128xi32, #tpu.memory_space<vmem>>
      %dma_start3A_241 = tpu.memref_squeeze %dma_start3A_240 : memref<1x1x1x128xi32, #tpu.memory_space<vmem>> -> memref<128xi32, #tpu.memory_space<vmem>>
      %dma_start3A_242 = arith.constant 0 : i32
      %dma_start3A_243 = arith.constant 0 : i32
      %dma_start3A_244 = tpu.memref_slice %arg2[%dma_start3A_242, %dma_start3A_243] : memref<10000x128xf32, #tpu.memory_space<hbm>> -> memref<10000x128xf32, #tpu.memory_space<hbm>>
      tpu.enqueue_indirect_dma source(%dma_start3A_244 : memref<10000x128xf32, #tpu.memory_space<hbm>>) target(%dma_start3A_238 : memref<128x128xf32, #tpu.memory_space<vmem>>) offsets(%dma_start3A_241 : memref<128xi32, #tpu.memory_space<vmem>>) semaphore(%arg13 : memref<!tpu.dma_semaphore, #tpu.memory_space<semaphore_mem>>)
      %lt3A_245 = arith.constant 13 : i32
      %lt3A_246 = arith.cmpi slt, %scan3A_132, %lt3A_245 : i32
      %convert_element_type3A_247 = arith.extui %lt3A_246 : i1 to i32
      %cond3A_248 = arith.constant 0 : i32
      %cond3A_249 = arith.cmpi ne, %convert_element_type3A_247, %cond3A_248 : i32
      scf.if %cond3A_249 {
        %mul3A_329 = arith.constant 2 : i32
        %mul3A_330 = arith.muli %mul3A_329, %scan3A_132 : i32
        %add3A_331 = arith.constant 2 : i32
        %add3A_332 = arith.addi %mul3A_330, %add3A_331 : i32
        %mul3A_333 = arith.constant 3 : i32
        %mul3A_334 = arith.muli %add3A_332, %mul3A_333 : i32
        %add3A_335 = arith.addi %mul3A_4, %mul3A_334 : i32
        %dma_start3A_336 = arith.constant 0 : i32
        %dma_start3A_337 = arith.constant 0 : i32
        %dma_start3A_338 = arith.constant 0 : i32
        %dma_start3A_339 = arith.constant 0 : i32
        %dma_start3A_340 = tpu.memref_slice %arg5[%dma_start3A_336, %dma_start3A_337, %dma_start3A_338, %dma_start3A_339] : memref<2x3x2x128xi32, #tpu.memory_space<vmem>> -> memref<1x3x2x128xi32, #tpu.memory_space<vmem>>
        %dma_start3A_341 = tpu.memref_squeeze %dma_start3A_340 : memref<1x3x2x128xi32, #tpu.memory_space<vmem>> -> memref<3x2x128xi32, #tpu.memory_space<vmem>>
        %dma_start3A_342 = arith.constant 0 : i32
        %dma_start3A_343 = arith.constant 0 : i32
        %dma_start3A_344 = tpu.memref_slice %arg3[%add3A_335, %dma_start3A_342, %dma_start3A_343] : memref<2688x2x128xi32, #tpu.memory_space<hbm>> -> memref<3x2x128xi32, #tpu.memory_space<hbm>>
        %dma_start3A_345 = arith.constant 0 : i32
        %dma_start3A_346 = arith.constant 0 : i32
        %dma_start3A_347 = arith.constant 0 : i32
        %dma_start3A_348 = tpu.memref_slice %arg5[%dma_start3A_336, %dma_start3A_345, %dma_start3A_346, %dma_start3A_347] : memref<2x3x2x128xi32, #tpu.memory_space<vmem>> -> memref<1x3x2x128xi32, #tpu.memory_space<vmem>>
        %dma_start3A_349 = tpu.memref_squeeze %dma_start3A_348 : memref<1x3x2x128xi32, #tpu.memory_space<vmem>> -> memref<3x2x128xi32, #tpu.memory_space<vmem>>
        %dma_start3A_350 = arith.constant 0 : i32
        %dma_start3A_351 = arith.constant 0 : i32
        %dma_start3A_352 = tpu.memref_slice %arg3[%add3A_335, %dma_start3A_350, %dma_start3A_351] : memref<2688x2x128xi32, #tpu.memory_space<hbm>> -> memref<3x2x128xi32, #tpu.memory_space<hbm>>
        tpu.enqueue_dma source(%dma_start3A_352 : memref<3x2x128xi32, #tpu.memory_space<hbm>>) target(%dma_start3A_349 : memref<3x2x128xi32, #tpu.memory_space<vmem>>) target_semaphore(%arg9 : memref<!tpu.dma_semaphore, #tpu.memory_space<semaphore_mem>>)
      } else {
      }
      %dma_wait3A_250 = arith.constant 0 : i32
      %dma_wait3A_251 = arith.constant 0 : i32
      %dma_wait3A_252 = arith.constant 0 : i32
      %dma_wait3A_253 = arith.constant 0 : i32
      %dma_wait3A_254 = arith.constant 0 : i32
      %dma_wait3A_255 = arith.constant 0 : i32
      %dma_wait3A_256 = tpu.memref_slice %arg6[%dma_wait3A_253, %dma_wait3A_254, %dma_wait3A_255] : memref<3x128x128xf32, #tpu.memory_space<vmem>> -> memref<1x128x128xf32, #tpu.memory_space<vmem>>
      %dma_wait3A_257 = tpu.memref_squeeze %dma_wait3A_256 : memref<1x128x128xf32, #tpu.memory_space<vmem>> -> memref<128x128xf32, #tpu.memory_space<vmem>>
      %dma_wait3A_258 = arith.constant 0 : i32
      %dma_wait3A_259 = tpu.memref_slice %arg5[%dma_wait3A_250, %dma_wait3A_251, %dma_wait3A_252, %dma_wait3A_258] : memref<2x3x2x128xi32, #tpu.memory_space<vmem>> -> memref<1x1x1x128xi32, #tpu.memory_space<vmem>>
      %dma_wait3A_260 = tpu.memref_squeeze %dma_wait3A_259 : memref<1x1x1x128xi32, #tpu.memory_space<vmem>> -> memref<128xi32, #tpu.memory_space<vmem>>
      %dma_wait3A_261 = arith.constant 0 : i32
      %dma_wait3A_262 = arith.constant 0 : i32
      %dma_wait3A_263 = tpu.memref_slice %arg2[%dma_wait3A_261, %dma_wait3A_262] : memref<10000x128xf32, #tpu.memory_space<hbm>> -> memref<10000x128xf32, #tpu.memory_space<hbm>>
      tpu.wait_indirect_dma semaphore(%arg11 : memref<!tpu.dma_semaphore, #tpu.memory_space<semaphore_mem>>) src(%dma_wait3A_263 : memref<10000x128xf32, #tpu.memory_space<hbm>>) dst(%dma_wait3A_257 : memref<128x128xf32, #tpu.memory_space<vmem>>)
      %run_scoped3A_264 = arith.constant 0 : i32
      %run_scoped3A_265 = arith.constant 1 : i32
      %run_scoped3A_266 = arith.constant 0 : i32
      %run_scoped3A_267 = arith.constant 1 : i32
      "tpu.region"() ({
        %run_scoped3A_329 = tpu.sem_alloc : memref<!tpu.dma_semaphore, #tpu.memory_space<semaphore_mem>>
        %dma_start3A_330 = arith.constant 0 : i32
        %dma_start3A_331 = arith.constant 0 : i32
        %dma_start3A_332 = tpu.memref_slice %arg6[%run_scoped3A_264, %dma_start3A_330, %dma_start3A_331] : memref<3x128x128xf32, #tpu.memory_space<vmem>> -> memref<1x128x128xf32, #tpu.memory_space<vmem>>
        %dma_start3A_333 = tpu.memref_squeeze %dma_start3A_332 : memref<1x128x128xf32, #tpu.memory_space<vmem>> -> memref<128x128xf32, #tpu.memory_space<vmem>>
        %dma_start3A_334 = arith.constant 0 : i32
        %dma_start3A_335 = tpu.memref_slice %arg5[%run_scoped3A_265, %run_scoped3A_266, %run_scoped3A_267, %dma_start3A_334] : memref<2x3x2x128xi32, #tpu.memory_space<vmem>> -> memref<1x1x1x128xi32, #tpu.memory_space<vmem>>
        %dma_start3A_336 = tpu.memref_squeeze %dma_start3A_335 : memref<1x1x1x128xi32, #tpu.memory_space<vmem>> -> memref<128xi32, #tpu.memory_space<vmem>>
        %dma_start3A_337 = arith.constant 0 : i32
        %dma_start3A_338 = arith.constant 0 : i32
        %dma_start3A_339 = tpu.memref_slice %arg7[%dma_start3A_337, %dma_start3A_338] : memref<10040x128xf32, #tpu.memory_space<vmem_shared>> -> memref<10040x128xf32, #tpu.memory_space<vmem_shared>>
        tpu.enqueue_indirect_dma source(%dma_start3A_333 : memref<128x128xf32, #tpu.memory_space<vmem>>) target(%dma_start3A_339 : memref<10040x128xf32, #tpu.memory_space<vmem_shared>>) offsets(%dma_start3A_336 : memref<128xi32, #tpu.memory_space<vmem>>) semaphore(%run_scoped3A_329 : memref<!tpu.dma_semaphore, #tpu.memory_space<semaphore_mem>>) {add = true}
        %dma_wait3A_340 = arith.constant 0 : i32
        %dma_wait3A_341 = arith.constant 0 : i32
        %dma_wait3A_342 = tpu.memref_slice %arg6[%run_scoped3A_264, %dma_wait3A_340, %dma_wait3A_341] : memref<3x128x128xf32, #tpu.memory_space<vmem>> -> memref<1x128x128xf32, #tpu.memory_space<vmem>>
        %dma_wait3A_343 = tpu.memref_squeeze %dma_wait3A_342 : memref<1x128x128xf32, #tpu.memory_space<vmem>> -> memref<128x128xf32, #tpu.memory_space<vmem>>
        %dma_wait3A_344 = arith.constant 0 : i32
        %dma_wait3A_345 = tpu.memref_slice %arg5[%run_scoped3A_265, %run_scoped3A_266, %run_scoped3A_267, %dma_wait3A_344] : memref<2x3x2x128xi32, #tpu.memory_space<vmem>> -> memref<1x1x1x128xi32, #tpu.memory_space<vmem>>
        %dma_wait3A_346 = tpu.memref_squeeze %dma_wait3A_345 : memref<1x1x1x128xi32, #tpu.memory_space<vmem>> -> memref<128xi32, #tpu.memory_space<vmem>>
        %dma_wait3A_347 = arith.constant 0 : i32
        %dma_wait3A_348 = arith.constant 0 : i32
        %dma_wait3A_349 = tpu.memref_slice %arg7[%dma_wait3A_347, %dma_wait3A_348] : memref<10040x128xf32, #tpu.memory_space<vmem_shared>> -> memref<10040x128xf32, #tpu.memory_space<vmem_shared>>
        tpu.wait_indirect_dma semaphore(%run_scoped3A_329 : memref<!tpu.dma_semaphore, #tpu.memory_space<semaphore_mem>>) src(%dma_wait3A_343 : memref<128x128xf32, #tpu.memory_space<vmem>>) dst(%dma_wait3A_349 : memref<10040x128xf32, #tpu.memory_space<vmem_shared>>)
        tpu.yield
      }) : () -> ()
      %lt3A_268 = arith.constant 13 : i32
      %lt3A_269 = arith.cmpi slt, %scan3A_132, %lt3A_268 : i32
      %convert_element_type3A_270 = arith.extui %lt3A_269 : i1 to i32
      %cond3A_271 = arith.constant 0 : i32
      %cond3A_272 = arith.cmpi ne, %convert_element_type3A_270, %cond3A_271 : i32
      scf.if %cond3A_272 {
        %dma_wait3A_329 = arith.constant 0 : i32
        %dma_wait3A_330 = arith.constant 0 : i32
        %dma_wait3A_331 = arith.constant 0 : i32
        %dma_wait3A_332 = arith.constant 0 : i32
        %dma_wait3A_333 = tpu.memref_slice %arg5[%dma_wait3A_329, %dma_wait3A_330, %dma_wait3A_331, %dma_wait3A_332] : memref<2x3x2x128xi32, #tpu.memory_space<vmem>> -> memref<1x3x2x128xi32, #tpu.memory_space<vmem>>
        %dma_wait3A_334 = tpu.memref_squeeze %dma_wait3A_333 : memref<1x3x2x128xi32, #tpu.memory_space<vmem>> -> memref<3x2x128xi32, #tpu.memory_space<vmem>>
        %dma_wait3A_335 = arith.constant 0 : i32
        %dma_wait3A_336 = arith.constant 0 : i32
        %dma_wait3A_337 = tpu.memref_slice %arg3[%mul3A_4, %dma_wait3A_335, %dma_wait3A_336] : memref<2688x2x128xi32, #tpu.memory_space<hbm>> -> memref<3x2x128xi32, #tpu.memory_space<hbm>>
        %dma_wait3A_338 = arith.constant 0 : i32
        %dma_wait3A_339 = arith.constant 0 : i32
        %dma_wait3A_340 = arith.constant 0 : i32
        %dma_wait3A_341 = tpu.memref_slice %arg5[%dma_wait3A_329, %dma_wait3A_338, %dma_wait3A_339, %dma_wait3A_340] : memref<2x3x2x128xi32, #tpu.memory_space<vmem>> -> memref<1x3x2x128xi32, #tpu.memory_space<vmem>>
        %dma_wait3A_342 = tpu.memref_squeeze %dma_wait3A_341 : memref<1x3x2x128xi32, #tpu.memory_space<vmem>> -> memref<3x2x128xi32, #tpu.memory_space<vmem>>
        %dma_wait3A_343 = arith.constant 0 : i32
        %dma_wait3A_344 = arith.constant 0 : i32
        %dma_wait3A_345 = tpu.memref_slice %arg3[%mul3A_4, %dma_wait3A_343, %dma_wait3A_344] : memref<2688x2x128xi32, #tpu.memory_space<hbm>> -> memref<3x2x128xi32, #tpu.memory_space<hbm>>
        tpu.wait_dma2 semaphore(%arg9 : memref<!tpu.dma_semaphore, #tpu.memory_space<semaphore_mem>>) src(%dma_wait3A_345 : memref<3x2x128xi32, #tpu.memory_space<hbm>>) dst(%dma_wait3A_342 : memref<3x2x128xi32, #tpu.memory_space<vmem>>)
      } else {
      }
      %lt3A_273 = arith.constant 13 : i32
      %lt3A_274 = arith.cmpi slt, %scan3A_132, %lt3A_273 : i32
      %convert_element_type3A_275 = arith.extui %lt3A_274 : i1 to i32
      %cond3A_276 = arith.constant 0 : i32
      %cond3A_277 = arith.cmpi ne, %convert_element_type3A_275, %cond3A_276 : i32
      scf.if %cond3A_277 {
        %dma_start3A_329 = arith.constant 0 : i32
        %dma_start3A_330 = arith.constant 0 : i32
        %dma_start3A_331 = arith.constant 0 : i32
        %dma_start3A_332 = arith.constant 0 : i32
        %dma_start3A_333 = arith.constant 0 : i32
        %dma_start3A_334 = arith.constant 0 : i32
        %dma_start3A_335 = tpu.memref_slice %arg6[%dma_start3A_332, %dma_start3A_333, %dma_start3A_334] : memref<3x128x128xf32, #tpu.memory_space<vmem>> -> memref<1x128x128xf32, #tpu.memory_space<vmem>>
        %dma_start3A_336 = tpu.memref_squeeze %dma_start3A_335 : memref<1x128x128xf32, #tpu.memory_space<vmem>> -> memref<128x128xf32, #tpu.memory_space<vmem>>
        %dma_start3A_337 = arith.constant 0 : i32
        %dma_start3A_338 = tpu.memref_slice %arg5[%dma_start3A_329, %dma_start3A_330, %dma_start3A_331, %dma_start3A_337] : memref<2x3x2x128xi32, #tpu.memory_space<vmem>> -> memref<1x1x1x128xi32, #tpu.memory_space<vmem>>
        %dma_start3A_339 = tpu.memref_squeeze %dma_start3A_338 : memref<1x1x1x128xi32, #tpu.memory_space<vmem>> -> memref<128xi32, #tpu.memory_space<vmem>>
        %dma_start3A_340 = arith.constant 0 : i32
        %dma_start3A_341 = arith.constant 0 : i32
        %dma_start3A_342 = tpu.memref_slice %arg2[%dma_start3A_340, %dma_start3A_341] : memref<10000x128xf32, #tpu.memory_space<hbm>> -> memref<10000x128xf32, #tpu.memory_space<hbm>>
        tpu.enqueue_indirect_dma source(%dma_start3A_342 : memref<10000x128xf32, #tpu.memory_space<hbm>>) target(%dma_start3A_336 : memref<128x128xf32, #tpu.memory_space<vmem>>) offsets(%dma_start3A_339 : memref<128xi32, #tpu.memory_space<vmem>>) semaphore(%arg11 : memref<!tpu.dma_semaphore, #tpu.memory_space<semaphore_mem>>)
      } else {
      }
      %dma_wait3A_278 = arith.constant 0 : i32
      %dma_wait3A_279 = arith.constant 0 : i32
      %dma_wait3A_280 = arith.constant 0 : i32
      %dma_wait3A_281 = arith.constant 1 : i32
      %dma_wait3A_282 = arith.constant 0 : i32
      %dma_wait3A_283 = arith.constant 0 : i32
      %dma_wait3A_284 = tpu.memref_slice %arg6[%dma_wait3A_281, %dma_wait3A_282, %dma_wait3A_283] : memref<3x128x128xf32, #tpu.memory_space<vmem>> -> memref<1x128x128xf32, #tpu.memory_space<vmem>>
      %dma_wait3A_285 = tpu.memref_squeeze %dma_wait3A_284 : memref<1x128x128xf32, #tpu.memory_space<vmem>> -> memref<128x128xf32, #tpu.memory_space<vmem>>
      %dma_wait3A_286 = arith.constant 0 : i32
      %dma_wait3A_287 = tpu.memref_slice %arg5[%dma_wait3A_278, %dma_wait3A_279, %dma_wait3A_280, %dma_wait3A_286] : memref<2x3x2x128xi32, #tpu.memory_space<vmem>> -> memref<1x1x1x128xi32, #tpu.memory_space<vmem>>
      %dma_wait3A_288 = tpu.memref_squeeze %dma_wait3A_287 : memref<1x1x1x128xi32, #tpu.memory_space<vmem>> -> memref<128xi32, #tpu.memory_space<vmem>>
      %dma_wait3A_289 = arith.constant 0 : i32
      %dma_wait3A_290 = arith.constant 0 : i32
      %dma_wait3A_291 = tpu.memref_slice %arg2[%dma_wait3A_289, %dma_wait3A_290] : memref<10000x128xf32, #tpu.memory_space<hbm>> -> memref<10000x128xf32, #tpu.memory_space<hbm>>
      tpu.wait_indirect_dma semaphore(%arg12 : memref<!tpu.dma_semaphore, #tpu.memory_space<semaphore_mem>>) src(%dma_wait3A_291 : memref<10000x128xf32, #tpu.memory_space<hbm>>) dst(%dma_wait3A_285 : memref<128x128xf32, #tpu.memory_space<vmem>>)
      %run_scoped3A_292 = arith.constant 1 : i32
      %run_scoped3A_293 = arith.constant 1 : i32
      %run_scoped3A_294 = arith.constant 1 : i32
      %run_scoped3A_295 = arith.constant 1 : i32
      "tpu.region"() ({
        %run_scoped3A_329 = tpu.sem_alloc : memref<!tpu.dma_semaphore, #tpu.memory_space<semaphore_mem>>
        %dma_start3A_330 = arith.constant 0 : i32
        %dma_start3A_331 = arith.constant 0 : i32
        %dma_start3A_332 = tpu.memref_slice %arg6[%run_scoped3A_292, %dma_start3A_330, %dma_start3A_331] : memref<3x128x128xf32, #tpu.memory_space<vmem>> -> memref<1x128x128xf32, #tpu.memory_space<vmem>>
        %dma_start3A_333 = tpu.memref_squeeze %dma_start3A_332 : memref<1x128x128xf32, #tpu.memory_space<vmem>> -> memref<128x128xf32, #tpu.memory_space<vmem>>
        %dma_start3A_334 = arith.constant 0 : i32
        %dma_start3A_335 = tpu.memref_slice %arg5[%run_scoped3A_293, %run_scoped3A_294, %run_scoped3A_295, %dma_start3A_334] : memref<2x3x2x128xi32, #tpu.memory_space<vmem>> -> memref<1x1x1x128xi32, #tpu.memory_space<vmem>>
        %dma_start3A_336 = tpu.memref_squeeze %dma_start3A_335 : memref<1x1x1x128xi32, #tpu.memory_space<vmem>> -> memref<128xi32, #tpu.memory_space<vmem>>
        %dma_start3A_337 = arith.constant 0 : i32
        %dma_start3A_338 = arith.constant 0 : i32
        %dma_start3A_339 = tpu.memref_slice %arg7[%dma_start3A_337, %dma_start3A_338] : memref<10040x128xf32, #tpu.memory_space<vmem_shared>> -> memref<10040x128xf32, #tpu.memory_space<vmem_shared>>
        tpu.enqueue_indirect_dma source(%dma_start3A_333 : memref<128x128xf32, #tpu.memory_space<vmem>>) target(%dma_start3A_339 : memref<10040x128xf32, #tpu.memory_space<vmem_shared>>) offsets(%dma_start3A_336 : memref<128xi32, #tpu.memory_space<vmem>>) semaphore(%run_scoped3A_329 : memref<!tpu.dma_semaphore, #tpu.memory_space<semaphore_mem>>) {add = true}
        %dma_wait3A_340 = arith.constant 0 : i32
        %dma_wait3A_341 = arith.constant 0 : i32
        %dma_wait3A_342 = tpu.memref_slice %arg6[%run_scoped3A_292, %dma_wait3A_340, %dma_wait3A_341] : memref<3x128x128xf32, #tpu.memory_space<vmem>> -> memref<1x128x128xf32, #tpu.memory_space<vmem>>
        %dma_wait3A_343 = tpu.memref_squeeze %dma_wait3A_342 : memref<1x128x128xf32, #tpu.memory_space<vmem>> -> memref<128x128xf32, #tpu.memory_space<vmem>>
        %dma_wait3A_344 = arith.constant 0 : i32
        %dma_wait3A_345 = tpu.memref_slice %arg5[%run_scoped3A_293, %run_scoped3A_294, %run_scoped3A_295, %dma_wait3A_344] : memref<2x3x2x128xi32, #tpu.memory_space<vmem>> -> memref<1x1x1x128xi32, #tpu.memory_space<vmem>>
        %dma_wait3A_346 = tpu.memref_squeeze %dma_wait3A_345 : memref<1x1x1x128xi32, #tpu.memory_space<vmem>> -> memref<128xi32, #tpu.memory_space<vmem>>
        %dma_wait3A_347 = arith.constant 0 : i32
        %dma_wait3A_348 = arith.constant 0 : i32
        %dma_wait3A_349 = tpu.memref_slice %arg7[%dma_wait3A_347, %dma_wait3A_348] : memref<10040x128xf32, #tpu.memory_space<vmem_shared>> -> memref<10040x128xf32, #tpu.memory_space<vmem_shared>>
        tpu.wait_indirect_dma semaphore(%run_scoped3A_329 : memref<!tpu.dma_semaphore, #tpu.memory_space<semaphore_mem>>) src(%dma_wait3A_343 : memref<128x128xf32, #tpu.memory_space<vmem>>) dst(%dma_wait3A_349 : memref<10040x128xf32, #tpu.memory_space<vmem_shared>>)
        tpu.yield
      }) : () -> ()
      %lt3A_296 = arith.constant 13 : i32
      %lt3A_297 = arith.cmpi slt, %scan3A_132, %lt3A_296 : i32
      %convert_element_type3A_298 = arith.extui %lt3A_297 : i1 to i32
      %cond3A_299 = arith.constant 0 : i32
      %cond3A_300 = arith.cmpi ne, %convert_element_type3A_298, %cond3A_299 : i32
      scf.if %cond3A_300 {
        %dma_start3A_329 = arith.constant 0 : i32
        %dma_start3A_330 = arith.constant 1 : i32
        %dma_start3A_331 = arith.constant 0 : i32
        %dma_start3A_332 = arith.constant 1 : i32
        %dma_start3A_333 = arith.constant 0 : i32
        %dma_start3A_334 = arith.constant 0 : i32
        %dma_start3A_335 = tpu.memref_slice %arg6[%dma_start3A_332, %dma_start3A_333, %dma_start3A_334] : memref<3x128x128xf32, #tpu.memory_space<vmem>> -> memref<1x128x128xf32, #tpu.memory_space<vmem>>
        %dma_start3A_336 = tpu.memref_squeeze %dma_start3A_335 : memref<1x128x128xf32, #tpu.memory_space<vmem>> -> memref<128x128xf32, #tpu.memory_space<vmem>>
        %dma_start3A_337 = arith.constant 0 : i32
        %dma_start3A_338 = tpu.memref_slice %arg5[%dma_start3A_329, %dma_start3A_330, %dma_start3A_331, %dma_start3A_337] : memref<2x3x2x128xi32, #tpu.memory_space<vmem>> -> memref<1x1x1x128xi32, #tpu.memory_space<vmem>>
        %dma_start3A_339 = tpu.memref_squeeze %dma_start3A_338 : memref<1x1x1x128xi32, #tpu.memory_space<vmem>> -> memref<128xi32, #tpu.memory_space<vmem>>
        %dma_start3A_340 = arith.constant 0 : i32
        %dma_start3A_341 = arith.constant 0 : i32
        %dma_start3A_342 = tpu.memref_slice %arg2[%dma_start3A_340, %dma_start3A_341] : memref<10000x128xf32, #tpu.memory_space<hbm>> -> memref<10000x128xf32, #tpu.memory_space<hbm>>
        tpu.enqueue_indirect_dma source(%dma_start3A_342 : memref<10000x128xf32, #tpu.memory_space<hbm>>) target(%dma_start3A_336 : memref<128x128xf32, #tpu.memory_space<vmem>>) offsets(%dma_start3A_339 : memref<128xi32, #tpu.memory_space<vmem>>) semaphore(%arg12 : memref<!tpu.dma_semaphore, #tpu.memory_space<semaphore_mem>>)
      } else {
      }
      %dma_wait3A_301 = arith.constant 0 : i32
      %dma_wait3A_302 = arith.constant 0 : i32
      %dma_wait3A_303 = arith.constant 0 : i32
      %dma_wait3A_304 = arith.constant 2 : i32
      %dma_wait3A_305 = arith.constant 0 : i32
      %dma_wait3A_306 = arith.constant 0 : i32
      %dma_wait3A_307 = tpu.memref_slice %arg6[%dma_wait3A_304, %dma_wait3A_305, %dma_wait3A_306] : memref<3x128x128xf32, #tpu.memory_space<vmem>> -> memref<1x128x128xf32, #tpu.memory_space<vmem>>
      %dma_wait3A_308 = tpu.memref_squeeze %dma_wait3A_307 : memref<1x128x128xf32, #tpu.memory_space<vmem>> -> memref<128x128xf32, #tpu.memory_space<vmem>>
      %dma_wait3A_309 = arith.constant 0 : i32
      %dma_wait3A_310 = tpu.memref_slice %arg5[%dma_wait3A_301, %dma_wait3A_302, %dma_wait3A_303, %dma_wait3A_309] : memref<2x3x2x128xi32, #tpu.memory_space<vmem>> -> memref<1x1x1x128xi32, #tpu.memory_space<vmem>>
      %dma_wait3A_311 = tpu.memref_squeeze %dma_wait3A_310 : memref<1x1x1x128xi32, #tpu.memory_space<vmem>> -> memref<128xi32, #tpu.memory_space<vmem>>
      %dma_wait3A_312 = arith.constant 0 : i32
      %dma_wait3A_313 = arith.constant 0 : i32
      %dma_wait3A_314 = tpu.memref_slice %arg2[%dma_wait3A_312, %dma_wait3A_313] : memref<10000x128xf32, #tpu.memory_space<hbm>> -> memref<10000x128xf32, #tpu.memory_space<hbm>>
      tpu.wait_indirect_dma semaphore(%arg13 : memref<!tpu.dma_semaphore, #tpu.memory_space<semaphore_mem>>) src(%dma_wait3A_314 : memref<10000x128xf32, #tpu.memory_space<hbm>>) dst(%dma_wait3A_308 : memref<128x128xf32, #tpu.memory_space<vmem>>)
      %run_scoped3A_315 = arith.constant 2 : i32
      %run_scoped3A_316 = arith.constant 1 : i32
      %run_scoped3A_317 = arith.constant 2 : i32
      %run_scoped3A_318 = arith.constant 1 : i32
      "tpu.region"() ({
        %run_scoped3A_329 = tpu.sem_alloc : memref<!tpu.dma_semaphore, #tpu.memory_space<semaphore_mem>>
        %dma_start3A_330 = arith.constant 0 : i32
        %dma_start3A_331 = arith.constant 0 : i32
        %dma_start3A_332 = tpu.memref_slice %arg6[%run_scoped3A_315, %dma_start3A_330, %dma_start3A_331] : memref<3x128x128xf32, #tpu.memory_space<vmem>> -> memref<1x128x128xf32, #tpu.memory_space<vmem>>
        %dma_start3A_333 = tpu.memref_squeeze %dma_start3A_332 : memref<1x128x128xf32, #tpu.memory_space<vmem>> -> memref<128x128xf32, #tpu.memory_space<vmem>>
        %dma_start3A_334 = arith.constant 0 : i32
        %dma_start3A_335 = tpu.memref_slice %arg5[%run_scoped3A_316, %run_scoped3A_317, %run_scoped3A_318, %dma_start3A_334] : memref<2x3x2x128xi32, #tpu.memory_space<vmem>> -> memref<1x1x1x128xi32, #tpu.memory_space<vmem>>
        %dma_start3A_336 = tpu.memref_squeeze %dma_start3A_335 : memref<1x1x1x128xi32, #tpu.memory_space<vmem>> -> memref<128xi32, #tpu.memory_space<vmem>>
        %dma_start3A_337 = arith.constant 0 : i32
        %dma_start3A_338 = arith.constant 0 : i32
        %dma_start3A_339 = tpu.memref_slice %arg7[%dma_start3A_337, %dma_start3A_338] : memref<10040x128xf32, #tpu.memory_space<vmem_shared>> -> memref<10040x128xf32, #tpu.memory_space<vmem_shared>>
        tpu.enqueue_indirect_dma source(%dma_start3A_333 : memref<128x128xf32, #tpu.memory_space<vmem>>) target(%dma_start3A_339 : memref<10040x128xf32, #tpu.memory_space<vmem_shared>>) offsets(%dma_start3A_336 : memref<128xi32, #tpu.memory_space<vmem>>) semaphore(%run_scoped3A_329 : memref<!tpu.dma_semaphore, #tpu.memory_space<semaphore_mem>>) {add = true}
        %dma_wait3A_340 = arith.constant 0 : i32
        %dma_wait3A_341 = arith.constant 0 : i32
        %dma_wait3A_342 = tpu.memref_slice %arg6[%run_scoped3A_315, %dma_wait3A_340, %dma_wait3A_341] : memref<3x128x128xf32, #tpu.memory_space<vmem>> -> memref<1x128x128xf32, #tpu.memory_space<vmem>>
        %dma_wait3A_343 = tpu.memref_squeeze %dma_wait3A_342 : memref<1x128x128xf32, #tpu.memory_space<vmem>> -> memref<128x128xf32, #tpu.memory_space<vmem>>
        %dma_wait3A_344 = arith.constant 0 : i32
        %dma_wait3A_345 = tpu.memref_slice %arg5[%run_scoped3A_316, %run_scoped3A_317, %run_scoped3A_318, %dma_wait3A_344] : memref<2x3x2x128xi32, #tpu.memory_space<vmem>> -> memref<1x1x1x128xi32, #tpu.memory_space<vmem>>
        %dma_wait3A_346 = tpu.memref_squeeze %dma_wait3A_345 : memref<1x1x1x128xi32, #tpu.memory_space<vmem>> -> memref<128xi32, #tpu.memory_space<vmem>>
        %dma_wait3A_347 = arith.constant 0 : i32
        %dma_wait3A_348 = arith.constant 0 : i32
        %dma_wait3A_349 = tpu.memref_slice %arg7[%dma_wait3A_347, %dma_wait3A_348] : memref<10040x128xf32, #tpu.memory_space<vmem_shared>> -> memref<10040x128xf32, #tpu.memory_space<vmem_shared>>
        tpu.wait_indirect_dma semaphore(%run_scoped3A_329 : memref<!tpu.dma_semaphore, #tpu.memory_space<semaphore_mem>>) src(%dma_wait3A_343 : memref<128x128xf32, #tpu.memory_space<vmem>>) dst(%dma_wait3A_349 : memref<10040x128xf32, #tpu.memory_space<vmem_shared>>)
        tpu.yield
      }) : () -> ()
      %lt3A_319 = arith.constant 13 : i32
      %lt3A_320 = arith.cmpi slt, %scan3A_132, %lt3A_319 : i32
      %convert_element_type3A_321 = arith.extui %lt3A_320 : i1 to i32
      %cond3A_322 = arith.constant 0 : i32
      %cond3A_323 = arith.cmpi ne, %convert_element_type3A_321, %cond3A_322 : i32
      scf.if %cond3A_323 {
        %dma_start3A_329 = arith.constant 0 : i32
        %dma_start3A_330 = arith.constant 2 : i32
        %dma_start3A_331 = arith.constant 0 : i32
        %dma_start3A_332 = arith.constant 2 : i32
        %dma_start3A_333 = arith.constant 0 : i32
        %dma_start3A_334 = arith.constant 0 : i32
        %dma_start3A_335 = tpu.memref_slice %arg6[%dma_start3A_332, %dma_start3A_333, %dma_start3A_334] : memref<3x128x128xf32, #tpu.memory_space<vmem>> -> memref<1x128x128xf32, #tpu.memory_space<vmem>>
        %dma_start3A_336 = tpu.memref_squeeze %dma_start3A_335 : memref<1x128x128xf32, #tpu.memory_space<vmem>> -> memref<128x128xf32, #tpu.memory_space<vmem>>
        %dma_start3A_337 = arith.constant 0 : i32
        %dma_start3A_338 = tpu.memref_slice %arg5[%dma_start3A_329, %dma_start3A_330, %dma_start3A_331, %dma_start3A_337] : memref<2x3x2x128xi32, #tpu.memory_space<vmem>> -> memref<1x1x1x128xi32, #tpu.memory_space<vmem>>
        %dma_start3A_339 = tpu.memref_squeeze %dma_start3A_338 : memref<1x1x1x128xi32, #tpu.memory_space<vmem>> -> memref<128xi32, #tpu.memory_space<vmem>>
        %dma_start3A_340 = arith.constant 0 : i32
        %dma_start3A_341 = arith.constant 0 : i32
        %dma_start3A_342 = tpu.memref_slice %arg2[%dma_start3A_340, %dma_start3A_341] : memref<10000x128xf32, #tpu.memory_space<hbm>> -> memref<10000x128xf32, #tpu.memory_space<hbm>>
        tpu.enqueue_indirect_dma source(%dma_start3A_342 : memref<10000x128xf32, #tpu.memory_space<hbm>>) target(%dma_start3A_336 : memref<128x128xf32, #tpu.memory_space<vmem>>) offsets(%dma_start3A_339 : memref<128xi32, #tpu.memory_space<vmem>>) semaphore(%arg13 : memref<!tpu.dma_semaphore, #tpu.memory_space<semaphore_mem>>)
      } else {
      }
      %lt3A_324 = arith.constant 13 : i32
      %lt3A_325 = arith.cmpi slt, %scan3A_132, %lt3A_324 : i32
      %convert_element_type3A_326 = arith.extui %lt3A_325 : i1 to i32
      %cond3A_327 = arith.constant 0 : i32
      %cond3A_328 = arith.cmpi ne, %convert_element_type3A_326, %cond3A_327 : i32
      scf.if %cond3A_328 {
        %mul3A_329 = arith.constant 2 : i32
        %mul3A_330 = arith.muli %mul3A_329, %scan3A_132 : i32
        %add3A_331 = arith.constant 3 : i32
        %add3A_332 = arith.addi %mul3A_330, %add3A_331 : i32
        %mul3A_333 = arith.constant 3 : i32
        %mul3A_334 = arith.muli %add3A_332, %mul3A_333 : i32
        %add3A_335 = arith.addi %mul3A_4, %mul3A_334 : i32
        %dma_start3A_336 = arith.constant 1 : i32
        %dma_start3A_337 = arith.constant 0 : i32
        %dma_start3A_338 = arith.constant 0 : i32
        %dma_start3A_339 = arith.constant 0 : i32
        %dma_start3A_340 = tpu.memref_slice %arg5[%dma_start3A_336, %dma_start3A_337, %dma_start3A_338, %dma_start3A_339] : memref<2x3x2x128xi32, #tpu.memory_space<vmem>> -> memref<1x3x2x128xi32, #tpu.memory_space<vmem>>
        %dma_start3A_341 = tpu.memref_squeeze %dma_start3A_340 : memref<1x3x2x128xi32, #tpu.memory_space<vmem>> -> memref<3x2x128xi32, #tpu.memory_space<vmem>>
        %dma_start3A_342 = arith.constant 0 : i32
        %dma_start3A_343 = arith.constant 0 : i32
        %dma_start3A_344 = tpu.memref_slice %arg3[%add3A_335, %dma_start3A_342, %dma_start3A_343] : memref<2688x2x128xi32, #tpu.memory_space<hbm>> -> memref<3x2x128xi32, #tpu.memory_space<hbm>>
        %dma_start3A_345 = arith.constant 0 : i32
        %dma_start3A_346 = arith.constant 0 : i32
        %dma_start3A_347 = arith.constant 0 : i32
        %dma_start3A_348 = tpu.memref_slice %arg5[%dma_start3A_336, %dma_start3A_345, %dma_start3A_346, %dma_start3A_347] : memref<2x3x2x128xi32, #tpu.memory_space<vmem>> -> memref<1x3x2x128xi32, #tpu.memory_space<vmem>>
        %dma_start3A_349 = tpu.memref_squeeze %dma_start3A_348 : memref<1x3x2x128xi32, #tpu.memory_space<vmem>> -> memref<3x2x128xi32, #tpu.memory_space<vmem>>
        %dma_start3A_350 = arith.constant 0 : i32
        %dma_start3A_351 = arith.constant 0 : i32
        %dma_start3A_352 = tpu.memref_slice %arg3[%add3A_335, %dma_start3A_350, %dma_start3A_351] : memref<2688x2x128xi32, #tpu.memory_space<hbm>> -> memref<3x2x128xi32, #tpu.memory_space<hbm>>
        tpu.enqueue_dma source(%dma_start3A_352 : memref<3x2x128xi32, #tpu.memory_space<hbm>>) target(%dma_start3A_349 : memref<3x2x128xi32, #tpu.memory_space<vmem>>) target_semaphore(%arg10 : memref<!tpu.dma_semaphore, #tpu.memory_space<semaphore_mem>>)
      } else {
      }
    }
    %scan3A_120 = arith.constant 14 : i32
    %barrier3A_121 = arith.constant 0 : index
    tpu.barrier barrier_id(%barrier3A_121)
    %lt3A_122 = arith.constant 15 : i32
    %lt3A_123 = arith.cmpi slt, %arg1, %lt3A_122 : i32
    %convert_element_type3A_124 = arith.extui %lt3A_123 : i1 to i32
    %cond3A_125 = arith.constant 0 : i32
    %cond3A_126 = arith.cmpi ne, %convert_element_type3A_124, %cond3A_125 : i32
    scf.if %cond3A_126 {
      "tpu.region"() ({
        %run_scoped3A = tpu.sem_alloc : memref<!tpu.dma_semaphore, #tpu.memory_space<semaphore_mem>>
        %dma_start3A_132 = arith.constant 0 : i32
        %dma_start3A_133 = tpu.memref_slice %arg4[%arg0, %mul3A_2, %dma_start3A_132] : memref<2x10000x128xf32, #tpu.memory_space<hbm>> -> memref<1x640x128xf32, #tpu.memory_space<hbm>>
        %dma_start3A_134 = tpu.memref_squeeze %dma_start3A_133 : memref<1x640x128xf32, #tpu.memory_space<hbm>> -> memref<640x128xf32, #tpu.memory_space<hbm>>
        %dma_start3A_135 = arith.constant 0 : i32
        %dma_start3A_136 = tpu.memref_slice %arg7[%mul3A_2, %dma_start3A_135] : memref<10040x128xf32, #tpu.memory_space<vmem_shared>> -> memref<640x128xf32, #tpu.memory_space<vmem_shared>>
        tpu.enqueue_dma source(%dma_start3A_136 : memref<640x128xf32, #tpu.memory_space<vmem_shared>>) target(%dma_start3A_134 : memref<640x128xf32, #tpu.memory_space<hbm>>) target_semaphore(%run_scoped3A : memref<!tpu.dma_semaphore, #tpu.memory_space<semaphore_mem>>)
        %dma_wait3A_137 = arith.constant 0 : i32
        %dma_wait3A_138 = tpu.memref_slice %arg4[%arg0, %mul3A_2, %dma_wait3A_137] : memref<2x10000x128xf32, #tpu.memory_space<hbm>> -> memref<1x640x128xf32, #tpu.memory_space<hbm>>
        %dma_wait3A_139 = tpu.memref_squeeze %dma_wait3A_138 : memref<1x640x128xf32, #tpu.memory_space<hbm>> -> memref<640x128xf32, #tpu.memory_space<hbm>>
        %dma_wait3A_140 = arith.constant 0 : i32
        %dma_wait3A_141 = tpu.memref_slice %arg7[%mul3A_2, %dma_wait3A_140] : memref<10040x128xf32, #tpu.memory_space<vmem_shared>> -> memref<640x128xf32, #tpu.memory_space<vmem_shared>>
        tpu.wait_dma2 semaphore(%run_scoped3A : memref<!tpu.dma_semaphore, #tpu.memory_space<semaphore_mem>>) src(%dma_wait3A_141 : memref<640x128xf32, #tpu.memory_space<vmem_shared>>) dst(%dma_wait3A_139 : memref<640x128xf32, #tpu.memory_space<hbm>>)
        tpu.yield
      }) : () -> ()
    } else {
    }
    %eq3A_127 = arith.constant 15 : i32
    %eq3A_128 = arith.cmpi eq, %arg1, %eq3A_127 : i32
    %convert_element_type3A_129 = arith.extui %eq3A_128 : i1 to i32
    %cond3A_130 = arith.constant 0 : i32
    %cond3A_131 = arith.cmpi ne, %convert_element_type3A_129, %cond3A_130 : i32
    scf.if %cond3A_131 {
      "tpu.region"() ({
        %run_scoped3A = tpu.sem_alloc : memref<!tpu.dma_semaphore, #tpu.memory_space<semaphore_mem>>
        %dma_start3A_132 = arith.constant 9600 : i32
        %dma_start3A_133 = arith.constant 0 : i32
        %dma_start3A_134 = tpu.memref_slice %arg4[%arg0, %dma_start3A_132, %dma_start3A_133] : memref<2x10000x128xf32, #tpu.memory_space<hbm>> -> memref<1x400x128xf32, #tpu.memory_space<hbm>>
        %dma_start3A_135 = tpu.memref_squeeze %dma_start3A_134 : memref<1x400x128xf32, #tpu.memory_space<hbm>> -> memref<400x128xf32, #tpu.memory_space<hbm>>
        %dma_start3A_136 = arith.constant 9600 : i32
        %dma_start3A_137 = arith.constant 0 : i32
        %dma_start3A_138 = tpu.memref_slice %arg7[%dma_start3A_136, %dma_start3A_137] : memref<10040x128xf32, #tpu.memory_space<vmem_shared>> -> memref<400x128xf32, #tpu.memory_space<vmem_shared>>
        tpu.enqueue_dma source(%dma_start3A_138 : memref<400x128xf32, #tpu.memory_space<vmem_shared>>) target(%dma_start3A_135 : memref<400x128xf32, #tpu.memory_space<hbm>>) target_semaphore(%run_scoped3A : memref<!tpu.dma_semaphore, #tpu.memory_space<semaphore_mem>>)
        %dma_wait3A_139 = arith.constant 9600 : i32
        %dma_wait3A_140 = arith.constant 0 : i32
        %dma_wait3A_141 = tpu.memref_slice %arg4[%arg0, %dma_wait3A_139, %dma_wait3A_140] : memref<2x10000x128xf32, #tpu.memory_space<hbm>> -> memref<1x400x128xf32, #tpu.memory_space<hbm>>
        %dma_wait3A_142 = tpu.memref_squeeze %dma_wait3A_141 : memref<1x400x128xf32, #tpu.memory_space<hbm>> -> memref<400x128xf32, #tpu.memory_space<hbm>>
        %dma_wait3A_143 = arith.constant 9600 : i32
        %dma_wait3A_144 = arith.constant 0 : i32
        %dma_wait3A_145 = tpu.memref_slice %arg7[%dma_wait3A_143, %dma_wait3A_144] : memref<10040x128xf32, #tpu.memory_space<vmem_shared>> -> memref<400x128xf32, #tpu.memory_space<vmem_shared>>
        tpu.wait_dma2 semaphore(%run_scoped3A : memref<!tpu.dma_semaphore, #tpu.memory_space<semaphore_mem>>) src(%dma_wait3A_145 : memref<400x128xf32, #tpu.memory_space<vmem_shared>>) dst(%dma_wait3A_142 : memref<400x128xf32, #tpu.memory_space<hbm>>)
        tpu.yield
      }) : () -> ()
    } else {
    }
    return
  }
}

#map = affine_map<(d0, d1) -> (0, 0)>
#map1 = affine_map<(d0, d1) -> (0, 0, 0)>
module attributes {stable_mosaic.version = 14 : i64} {
  func.func @agg_kernel(%arg0: i32, %arg1: i32, %arg2: memref<10000x128xf32, #tpu.memory_space<hbm>>, %arg3: memref<2688x2x128xi32, #tpu.memory_space<hbm>>, %arg4: memref<2x10000x128xf32, #tpu.memory_space<hbm>>, %arg5: memref<2x3x2x128xi32, #tpu.memory_space<vmem>>, %arg6: memref<3x128x128xf32, #tpu.memory_space<vmem>>, %arg7: memref<10040x128xf32, #tpu.memory_space<vmem_shared>>, %arg8: memref<!tpu.dma_semaphore, #tpu.memory_space<semaphore_mem>>, %arg9: memref<!tpu.dma_semaphore, #tpu.memory_space<semaphore_mem>>, %arg10: memref<!tpu.dma_semaphore, #tpu.memory_space<semaphore_mem>>, %arg11: memref<!tpu.dma_semaphore, #tpu.memory_space<semaphore_mem>>, %arg12: memref<!tpu.dma_semaphore, #tpu.memory_space<semaphore_mem>>, %arg13: memref<!tpu.dma_semaphore, #tpu.memory_space<semaphore_mem>>) attributes {dimension_semantics = [#tpu.dimension_semantics<core_parallel>, #tpu.dimension_semantics<subcore_parallel>], iteration_bounds = array<i64: 2, 16>, scalar_prefetch = 0 : i64, scratch_operands = 9 : i64, tpu.core_type = #tpu.core_type<sc_vector_subcore>, window_params = [{transform_indices = #map}, {transform_indices = #map1}, {transform_indices = #map1}]} {
    %mul3A = arith.constant 2 : i32
    %mul3A_0 = arith.muli %arg1, %mul3A : i32
    %add3A = arith.addi %mul3A_0, %arg0 : i32
    %mul3A_1 = arith.constant 640 : i32
    %mul3A_2 = arith.muli %arg1, %mul3A_1 : i32
    %mul3A_3 = arith.constant 84 : i32
    %mul3A_4 = arith.muli %add3A, %mul3A_3 : i32
    %lt3A = arith.constant 15 : i32
    %lt3A_5 = arith.cmpi slt, %arg1, %lt3A : i32
    %convert_element_type3A = arith.extui %lt3A_5 : i1 to i32
    %cond3A = arith.constant 0 : i32
    %cond3A_6 = arith.cmpi ne, %convert_element_type3A, %cond3A : i32
    scf.if %cond3A_6 {
      %add3A_132 = arith.constant 0 : i32
      %add3A_133 = arith.addi %mul3A_2, %add3A_132 : i32
      %add3A_134 = arith.constant 0 : i32
      %add3A_135 = arith.addi %mul3A_2, %add3A_134 : i32
      %dma_start3A_136 = arith.constant 0 : i32
      %dma_start3A_137 = tpu.memref_slice %arg7[%add3A_135, %dma_start3A_136] : memref<10040x128xf32, #tpu.memory_space<vmem_shared>> -> memref<128x128xf32, #tpu.memory_space<vmem_shared>>
      %dma_start3A_138 = arith.constant 0 : i32
      %dma_start3A_139 = tpu.memref_slice %arg2[%add3A_133, %dma_start3A_138] : memref<10000x128xf32, #tpu.memory_space<hbm>> -> memref<128x128xf32, #tpu.memory_space<hbm>>
      tpu.enqueue_dma source(%dma_start3A_139 : memref<128x128xf32, #tpu.memory_space<hbm>>) target(%dma_start3A_137 : memref<128x128xf32, #tpu.memory_space<vmem_shared>>) target_semaphore(%arg8 : memref<!tpu.dma_semaphore, #tpu.memory_space<semaphore_mem>>)
      %add3A_140 = arith.constant 128 : i32
      %add3A_141 = arith.addi %mul3A_2, %add3A_140 : i32
      %add3A_142 = arith.constant 128 : i32
      %add3A_143 = arith.addi %mul3A_2, %add3A_142 : i32
      %dma_start3A_144 = arith.constant 0 : i32
      %dma_start3A_145 = tpu.memref_slice %arg7[%add3A_143, %dma_start3A_144] : memref<10040x128xf32, #tpu.memory_space<vmem_shared>> -> memref<128x128xf32, #tpu.memory_space<vmem_shared>>
      %dma_start3A_146 = arith.constant 0 : i32
      %dma_start3A_147 = tpu.memref_slice %arg2[%add3A_141, %dma_start3A_146] : memref<10000x128xf32, #tpu.memory_space<hbm>> -> memref<128x128xf32, #tpu.memory_space<hbm>>
      tpu.enqueue_dma source(%dma_start3A_147 : memref<128x128xf32, #tpu.memory_space<hbm>>) target(%dma_start3A_145 : memref<128x128xf32, #tpu.memory_space<vmem_shared>>) target_semaphore(%arg8 : memref<!tpu.dma_semaphore, #tpu.memory_space<semaphore_mem>>)
      %add3A_148 = arith.constant 256 : i32
      %add3A_149 = arith.addi %mul3A_2, %add3A_148 : i32
      %add3A_150 = arith.constant 256 : i32
      %add3A_151 = arith.addi %mul3A_2, %add3A_150 : i32
      %dma_start3A_152 = arith.constant 0 : i32
      %dma_start3A_153 = tpu.memref_slice %arg7[%add3A_151, %dma_start3A_152] : memref<10040x128xf32, #tpu.memory_space<vmem_shared>> -> memref<128x128xf32, #tpu.memory_space<vmem_shared>>
      %dma_start3A_154 = arith.constant 0 : i32
      %dma_start3A_155 = tpu.memref_slice %arg2[%add3A_149, %dma_start3A_154] : memref<10000x128xf32, #tpu.memory_space<hbm>> -> memref<128x128xf32, #tpu.memory_space<hbm>>
      tpu.enqueue_dma source(%dma_start3A_155 : memref<128x128xf32, #tpu.memory_space<hbm>>) target(%dma_start3A_153 : memref<128x128xf32, #tpu.memory_space<vmem_shared>>) target_semaphore(%arg8 : memref<!tpu.dma_semaphore, #tpu.memory_space<semaphore_mem>>)
      %add3A_156 = arith.constant 384 : i32
      %add3A_157 = arith.addi %mul3A_2, %add3A_156 : i32
      %add3A_158 = arith.constant 384 : i32
      %add3A_159 = arith.addi %mul3A_2, %add3A_158 : i32
      %dma_start3A_160 = arith.constant 0 : i32
      %dma_start3A_161 = tpu.memref_slice %arg7[%add3A_159, %dma_start3A_160] : memref<10040x128xf32, #tpu.memory_space<vmem_shared>> -> memref<128x128xf32, #tpu.memory_space<vmem_shared>>
      %dma_start3A_162 = arith.constant 0 : i32
      %dma_start3A_163 = tpu.memref_slice %arg2[%add3A_157, %dma_start3A_162] : memref<10000x128xf32, #tpu.memory_space<hbm>> -> memref<128x128xf32, #tpu.memory_space<hbm>>
      tpu.enqueue_dma source(%dma_start3A_163 : memref<128x128xf32, #tpu.memory_space<hbm>>) target(%dma_start3A_161 : memref<128x128xf32, #tpu.memory_space<vmem_shared>>) target_semaphore(%arg8 : memref<!tpu.dma_semaphore, #tpu.memory_space<semaphore_mem>>)
      %add3A_164 = arith.constant 512 : i32
      %add3A_165 = arith.addi %mul3A_2, %add3A_164 : i32
      %add3A_166 = arith.constant 512 : i32
      %add3A_167 = arith.addi %mul3A_2, %add3A_166 : i32
      %dma_start3A_168 = arith.constant 0 : i32
      %dma_start3A_169 = tpu.memref_slice %arg7[%add3A_167, %dma_start3A_168] : memref<10040x128xf32, #tpu.memory_space<vmem_shared>> -> memref<128x128xf32, #tpu.memory_space<vmem_shared>>
      %dma_start3A_170 = arith.constant 0 : i32
      %dma_start3A_171 = tpu.memref_slice %arg2[%add3A_165, %dma_start3A_170] : memref<10000x128xf32, #tpu.memory_space<hbm>> -> memref<128x128xf32, #tpu.memory_space<hbm>>
      tpu.enqueue_dma source(%dma_start3A_171 : memref<128x128xf32, #tpu.memory_space<hbm>>) target(%dma_start3A_169 : memref<128x128xf32, #tpu.memory_space<vmem_shared>>) target_semaphore(%arg8 : memref<!tpu.dma_semaphore, #tpu.memory_space<semaphore_mem>>)
    } else {
    }
    %eq3A = arith.constant 15 : i32
    %eq3A_7 = arith.cmpi eq, %arg1, %eq3A : i32
    %convert_element_type3A_8 = arith.extui %eq3A_7 : i1 to i32
    %cond3A_9 = arith.constant 0 : i32
    %cond3A_10 = arith.cmpi ne, %convert_element_type3A_8, %cond3A_9 : i32
    scf.if %cond3A_10 {
      %dma_start3A_132 = arith.constant 9600 : i32
      %dma_start3A_133 = arith.constant 0 : i32
      %dma_start3A_134 = tpu.memref_slice %arg7[%dma_start3A_132, %dma_start3A_133] : memref<10040x128xf32, #tpu.memory_space<vmem_shared>> -> memref<128x128xf32, #tpu.memory_space<vmem_shared>>
      %dma_start3A_135 = arith.constant 9600 : i32
      %dma_start3A_136 = arith.constant 0 : i32
      %dma_start3A_137 = tpu.memref_slice %arg2[%dma_start3A_135, %dma_start3A_136] : memref<10000x128xf32, #tpu.memory_space<hbm>> -> memref<128x128xf32, #tpu.memory_space<hbm>>
      tpu.enqueue_dma source(%dma_start3A_137 : memref<128x128xf32, #tpu.memory_space<hbm>>) target(%dma_start3A_134 : memref<128x128xf32, #tpu.memory_space<vmem_shared>>) target_semaphore(%arg8 : memref<!tpu.dma_semaphore, #tpu.memory_space<semaphore_mem>>)
      %dma_start3A_138 = arith.constant 9728 : i32
      %dma_start3A_139 = arith.constant 0 : i32
      %dma_start3A_140 = tpu.memref_slice %arg7[%dma_start3A_138, %dma_start3A_139] : memref<10040x128xf32, #tpu.memory_space<vmem_shared>> -> memref<128x128xf32, #tpu.memory_space<vmem_shared>>
      %dma_start3A_141 = arith.constant 9728 : i32
      %dma_start3A_142 = arith.constant 0 : i32
      %dma_start3A_143 = tpu.memref_slice %arg2[%dma_start3A_141, %dma_start3A_142] : memref<10000x128xf32, #tpu.memory_space<hbm>> -> memref<128x128xf32, #tpu.memory_space<hbm>>
      tpu.enqueue_dma source(%dma_start3A_143 : memref<128x128xf32, #tpu.memory_space<hbm>>) target(%dma_start3A_140 : memref<128x128xf32, #tpu.memory_space<vmem_shared>>) target_semaphore(%arg8 : memref<!tpu.dma_semaphore, #tpu.memory_space<semaphore_mem>>)
      %dma_start3A_144 = arith.constant 9856 : i32
      %dma_start3A_145 = arith.constant 0 : i32
      %dma_start3A_146 = tpu.memref_slice %arg7[%dma_start3A_144, %dma_start3A_145] : memref<10040x128xf32, #tpu.memory_space<vmem_shared>> -> memref<128x128xf32, #tpu.memory_space<vmem_shared>>
      %dma_start3A_147 = arith.constant 9856 : i32
      %dma_start3A_148 = arith.constant 0 : i32
      %dma_start3A_149 = tpu.memref_slice %arg2[%dma_start3A_147, %dma_start3A_148] : memref<10000x128xf32, #tpu.memory_space<hbm>> -> memref<128x128xf32, #tpu.memory_space<hbm>>
      tpu.enqueue_dma source(%dma_start3A_149 : memref<128x128xf32, #tpu.memory_space<hbm>>) target(%dma_start3A_146 : memref<128x128xf32, #tpu.memory_space<vmem_shared>>) target_semaphore(%arg8 : memref<!tpu.dma_semaphore, #tpu.memory_space<semaphore_mem>>)
      %dma_start3A_150 = arith.constant 9984 : i32
      %dma_start3A_151 = arith.constant 0 : i32
      %dma_start3A_152 = tpu.memref_slice %arg7[%dma_start3A_150, %dma_start3A_151] : memref<10040x128xf32, #tpu.memory_space<vmem_shared>> -> memref<8x128xf32, #tpu.memory_space<vmem_shared>>
      %dma_start3A_153 = arith.constant 9984 : i32
      %dma_start3A_154 = arith.constant 0 : i32
      %dma_start3A_155 = tpu.memref_slice %arg2[%dma_start3A_153, %dma_start3A_154] : memref<10000x128xf32, #tpu.memory_space<hbm>> -> memref<8x128xf32, #tpu.memory_space<hbm>>
      tpu.enqueue_dma source(%dma_start3A_155 : memref<8x128xf32, #tpu.memory_space<hbm>>) target(%dma_start3A_152 : memref<8x128xf32, #tpu.memory_space<vmem_shared>>) target_semaphore(%arg8 : memref<!tpu.dma_semaphore, #tpu.memory_space<semaphore_mem>>)
      %dma_start3A_156 = arith.constant 9992 : i32
      %dma_start3A_157 = arith.constant 0 : i32
      %dma_start3A_158 = tpu.memref_slice %arg7[%dma_start3A_156, %dma_start3A_157] : memref<10040x128xf32, #tpu.memory_space<vmem_shared>> -> memref<8x128xf32, #tpu.memory_space<vmem_shared>>
      %dma_start3A_159 = arith.constant 9992 : i32
      %dma_start3A_160 = arith.constant 0 : i32
      %dma_start3A_161 = tpu.memref_slice %arg2[%dma_start3A_159, %dma_start3A_160] : memref<10000x128xf32, #tpu.memory_space<hbm>> -> memref<8x128xf32, #tpu.memory_space<hbm>>
      tpu.enqueue_dma source(%dma_start3A_161 : memref<8x128xf32, #tpu.memory_space<hbm>>) target(%dma_start3A_158 : memref<8x128xf32, #tpu.memory_space<vmem_shared>>) target_semaphore(%arg8 : memref<!tpu.dma_semaphore, #tpu.memory_space<semaphore_mem>>)
    } else {
    }
    %add3A_11 = arith.constant 0 : i32
    %add3A_12 = arith.addi %mul3A_4, %add3A_11 : i32
    %dma_start3A = arith.constant 0 : i32
    %dma_start3A_13 = arith.constant 0 : i32
    %dma_start3A_14 = arith.constant 0 : i32
    %dma_start3A_15 = arith.constant 0 : i32
    %dma_start3A_16 = tpu.memref_slice %arg5[%dma_start3A, %dma_start3A_13, %dma_start3A_14, %dma_start3A_15] : memref<2x3x2x128xi32, #tpu.memory_space<vmem>> -> memref<1x3x2x128xi32, #tpu.memory_space<vmem>>
    %dma_start3A_17 = tpu.memref_squeeze %dma_start3A_16 : memref<1x3x2x128xi32, #tpu.memory_space<vmem>> -> memref<3x2x128xi32, #tpu.memory_space<vmem>>
    %dma_start3A_18 = arith.constant 0 : i32
    %dma_start3A_19 = arith.constant 0 : i32
    %dma_start3A_20 = tpu.memref_slice %arg3[%add3A_12, %dma_start3A_18, %dma_start3A_19] : memref<2688x2x128xi32, #tpu.memory_space<hbm>> -> memref<3x2x128xi32, #tpu.memory_space<hbm>>
    %dma_start3A_21 = arith.constant 0 : i32
    %dma_start3A_22 = arith.constant 0 : i32
    %dma_start3A_23 = arith.constant 0 : i32
    %dma_start3A_24 = tpu.memref_slice %arg5[%dma_start3A, %dma_start3A_21, %dma_start3A_22, %dma_start3A_23] : memref<2x3x2x128xi32, #tpu.memory_space<vmem>> -> memref<1x3x2x128xi32, #tpu.memory_space<vmem>>
    %dma_start3A_25 = tpu.memref_squeeze %dma_start3A_24 : memref<1x3x2x128xi32, #tpu.memory_space<vmem>> -> memref<3x2x128xi32, #tpu.memory_space<vmem>>
    %dma_start3A_26 = arith.constant 0 : i32
    %dma_start3A_27 = arith.constant 0 : i32
    %dma_start3A_28 = tpu.memref_slice %arg3[%add3A_12, %dma_start3A_26, %dma_start3A_27] : memref<2688x2x128xi32, #tpu.memory_space<hbm>> -> memref<3x2x128xi32, #tpu.memory_space<hbm>>
    tpu.enqueue_dma source(%dma_start3A_28 : memref<3x2x128xi32, #tpu.memory_space<hbm>>) target(%dma_start3A_25 : memref<3x2x128xi32, #tpu.memory_space<vmem>>) target_semaphore(%arg9 : memref<!tpu.dma_semaphore, #tpu.memory_space<semaphore_mem>>)
    %add3A_29 = arith.constant 3 : i32
    %add3A_30 = arith.addi %mul3A_4, %add3A_29 : i32
    %dma_start3A_31 = arith.constant 1 : i32
    %dma_start3A_32 = arith.constant 0 : i32
    %dma_start3A_33 = arith.constant 0 : i32
    %dma_start3A_34 = arith.constant 0 : i32
    %dma_start3A_35 = tpu.memref_slice %arg5[%dma_start3A_31, %dma_start3A_32, %dma_start3A_33, %dma_start3A_34] : memref<2x3x2x128xi32, #tpu.memory_space<vmem>> -> memref<1x3x2x128xi32, #tpu.memory_space<vmem>>
    %dma_start3A_36 = tpu.memref_squeeze %dma_start3A_35 : memref<1x3x2x128xi32, #tpu.memory_space<vmem>> -> memref<3x2x128xi32, #tpu.memory_space<vmem>>
    %dma_start3A_37 = arith.constant 0 : i32
    %dma_start3A_38 = arith.constant 0 : i32
    %dma_start3A_39 = tpu.memref_slice %arg3[%add3A_30, %dma_start3A_37, %dma_start3A_38] : memref<2688x2x128xi32, #tpu.memory_space<hbm>> -> memref<3x2x128xi32, #tpu.memory_space<hbm>>
    %dma_start3A_40 = arith.constant 0 : i32
    %dma_start3A_41 = arith.constant 0 : i32
    %dma_start3A_42 = arith.constant 0 : i32
    %dma_start3A_43 = tpu.memref_slice %arg5[%dma_start3A_31, %dma_start3A_40, %dma_start3A_41, %dma_start3A_42] : memref<2x3x2x128xi32, #tpu.memory_space<vmem>> -> memref<1x3x2x128xi32, #tpu.memory_space<vmem>>
    %dma_start3A_44 = tpu.memref_squeeze %dma_start3A_43 : memref<1x3x2x128xi32, #tpu.memory_space<vmem>> -> memref<3x2x128xi32, #tpu.memory_space<vmem>>
    %dma_start3A_45 = arith.constant 0 : i32
    %dma_start3A_46 = arith.constant 0 : i32
    %dma_start3A_47 = tpu.memref_slice %arg3[%add3A_30, %dma_start3A_45, %dma_start3A_46] : memref<2688x2x128xi32, #tpu.memory_space<hbm>> -> memref<3x2x128xi32, #tpu.memory_space<hbm>>
    tpu.enqueue_dma source(%dma_start3A_47 : memref<3x2x128xi32, #tpu.memory_space<hbm>>) target(%dma_start3A_44 : memref<3x2x128xi32, #tpu.memory_space<vmem>>) target_semaphore(%arg10 : memref<!tpu.dma_semaphore, #tpu.memory_space<semaphore_mem>>)
    %dma_wait3A = arith.constant 0 : i32
    %dma_wait3A_48 = arith.constant 0 : i32
    %dma_wait3A_49 = arith.constant 0 : i32
    %dma_wait3A_50 = arith.constant 0 : i32
    %dma_wait3A_51 = tpu.memref_slice %arg5[%dma_wait3A, %dma_wait3A_48, %dma_wait3A_49, %dma_wait3A_50] : memref<2x3x2x128xi32, #tpu.memory_space<vmem>> -> memref<1x3x2x128xi32, #tpu.memory_space<vmem>>
    %dma_wait3A_52 = tpu.memref_squeeze %dma_wait3A_51 : memref<1x3x2x128xi32, #tpu.memory_space<vmem>> -> memref<3x2x128xi32, #tpu.memory_space<vmem>>
    %dma_wait3A_53 = arith.constant 0 : i32
    %dma_wait3A_54 = arith.constant 0 : i32
    %dma_wait3A_55 = tpu.memref_slice %arg3[%mul3A_4, %dma_wait3A_53, %dma_wait3A_54] : memref<2688x2x128xi32, #tpu.memory_space<hbm>> -> memref<3x2x128xi32, #tpu.memory_space<hbm>>
    %dma_wait3A_56 = arith.constant 0 : i32
    %dma_wait3A_57 = arith.constant 0 : i32
    %dma_wait3A_58 = arith.constant 0 : i32
    %dma_wait3A_59 = tpu.memref_slice %arg5[%dma_wait3A, %dma_wait3A_56, %dma_wait3A_57, %dma_wait3A_58] : memref<2x3x2x128xi32, #tpu.memory_space<vmem>> -> memref<1x3x2x128xi32, #tpu.memory_space<vmem>>
    %dma_wait3A_60 = tpu.memref_squeeze %dma_wait3A_59 : memref<1x3x2x128xi32, #tpu.memory_space<vmem>> -> memref<3x2x128xi32, #tpu.memory_space<vmem>>
    %dma_wait3A_61 = arith.constant 0 : i32
    %dma_wait3A_62 = arith.constant 0 : i32
    %dma_wait3A_63 = tpu.memref_slice %arg3[%mul3A_4, %dma_wait3A_61, %dma_wait3A_62] : memref<2688x2x128xi32, #tpu.memory_space<hbm>> -> memref<3x2x128xi32, #tpu.memory_space<hbm>>
    tpu.wait_dma2 semaphore(%arg9 : memref<!tpu.dma_semaphore, #tpu.memory_space<semaphore_mem>>) src(%dma_wait3A_63 : memref<3x2x128xi32, #tpu.memory_space<hbm>>) dst(%dma_wait3A_60 : memref<3x2x128xi32, #tpu.memory_space<vmem>>)
    %dma_start3A_64 = arith.constant 0 : i32
    %dma_start3A_65 = arith.constant 0 : i32
    %dma_start3A_66 = arith.constant 0 : i32
    %dma_start3A_67 = arith.constant 0 : i32
    %dma_start3A_68 = arith.constant 0 : i32
    %dma_start3A_69 = arith.constant 0 : i32
    %dma_start3A_70 = tpu.memref_slice %arg6[%dma_start3A_67, %dma_start3A_68, %dma_start3A_69] : memref<3x128x128xf32, #tpu.memory_space<vmem>> -> memref<1x128x128xf32, #tpu.memory_space<vmem>>
    %dma_start3A_71 = tpu.memref_squeeze %dma_start3A_70 : memref<1x128x128xf32, #tpu.memory_space<vmem>> -> memref<128x128xf32, #tpu.memory_space<vmem>>
    %dma_start3A_72 = arith.constant 0 : i32
    %dma_start3A_73 = tpu.memref_slice %arg5[%dma_start3A_64, %dma_start3A_65, %dma_start3A_66, %dma_start3A_72] : memref<2x3x2x128xi32, #tpu.memory_space<vmem>> -> memref<1x1x1x128xi32, #tpu.memory_space<vmem>>
    %dma_start3A_74 = tpu.memref_squeeze %dma_start3A_73 : memref<1x1x1x128xi32, #tpu.memory_space<vmem>> -> memref<128xi32, #tpu.memory_space<vmem>>
    %dma_start3A_75 = arith.constant 0 : i32
    %dma_start3A_76 = arith.constant 0 : i32
    %dma_start3A_77 = tpu.memref_slice %arg2[%dma_start3A_75, %dma_start3A_76] : memref<10000x128xf32, #tpu.memory_space<hbm>> -> memref<10000x128xf32, #tpu.memory_space<hbm>>
    tpu.enqueue_indirect_dma source(%dma_start3A_77 : memref<10000x128xf32, #tpu.memory_space<hbm>>) target(%dma_start3A_71 : memref<128x128xf32, #tpu.memory_space<vmem>>) offsets(%dma_start3A_74 : memref<128xi32, #tpu.memory_space<vmem>>) semaphore(%arg11 : memref<!tpu.dma_semaphore, #tpu.memory_space<semaphore_mem>>)
    %dma_start3A_78 = arith.constant 0 : i32
    %dma_start3A_79 = arith.constant 1 : i32
    %dma_start3A_80 = arith.constant 0 : i32
    %dma_start3A_81 = arith.constant 1 : i32
    %dma_start3A_82 = arith.constant 0 : i32
    %dma_start3A_83 = arith.constant 0 : i32
    %dma_start3A_84 = tpu.memref_slice %arg6[%dma_start3A_81, %dma_start3A_82, %dma_start3A_83] : memref<3x128x128xf32, #tpu.memory_space<vmem>> -> memref<1x128x128xf32, #tpu.memory_space<vmem>>
    %dma_start3A_85 = tpu.memref_squeeze %dma_start3A_84 : memref<1x128x128xf32, #tpu.memory_space<vmem>> -> memref<128x128xf32, #tpu.memory_space<vmem>>
    %dma_start3A_86 = arith.constant 0 : i32
    %dma_start3A_87 = tpu.memref_slice %arg5[%dma_start3A_78, %dma_start3A_79, %dma_start3A_80, %dma_start3A_86] : memref<2x3x2x128xi32, #tpu.memory_space<vmem>> -> memref<1x1x1x128xi32, #tpu.memory_space<vmem>>
    %dma_start3A_88 = tpu.memref_squeeze %dma_start3A_87 : memref<1x1x1x128xi32, #tpu.memory_space<vmem>> -> memref<128xi32, #tpu.memory_space<vmem>>
    %dma_start3A_89 = arith.constant 0 : i32
    %dma_start3A_90 = arith.constant 0 : i32
    %dma_start3A_91 = tpu.memref_slice %arg2[%dma_start3A_89, %dma_start3A_90] : memref<10000x128xf32, #tpu.memory_space<hbm>> -> memref<10000x128xf32, #tpu.memory_space<hbm>>
    tpu.enqueue_indirect_dma source(%dma_start3A_91 : memref<10000x128xf32, #tpu.memory_space<hbm>>) target(%dma_start3A_85 : memref<128x128xf32, #tpu.memory_space<vmem>>) offsets(%dma_start3A_88 : memref<128xi32, #tpu.memory_space<vmem>>) semaphore(%arg12 : memref<!tpu.dma_semaphore, #tpu.memory_space<semaphore_mem>>)
    %dma_start3A_92 = arith.constant 0 : i32
    %dma_start3A_93 = arith.constant 2 : i32
    %dma_start3A_94 = arith.constant 0 : i32
    %dma_start3A_95 = arith.constant 2 : i32
    %dma_start3A_96 = arith.constant 0 : i32
    %dma_start3A_97 = arith.constant 0 : i32
    %dma_start3A_98 = tpu.memref_slice %arg6[%dma_start3A_95, %dma_start3A_96, %dma_start3A_97] : memref<3x128x128xf32, #tpu.memory_space<vmem>> -> memref<1x128x128xf32, #tpu.memory_space<vmem>>
    %dma_start3A_99 = tpu.memref_squeeze %dma_start3A_98 : memref<1x128x128xf32, #tpu.memory_space<vmem>> -> memref<128x128xf32, #tpu.memory_space<vmem>>
    %dma_start3A_100 = arith.constant 0 : i32
    %dma_start3A_101 = tpu.memref_slice %arg5[%dma_start3A_92, %dma_start3A_93, %dma_start3A_94, %dma_start3A_100] : memref<2x3x2x128xi32, #tpu.memory_space<vmem>> -> memref<1x1x1x128xi32, #tpu.memory_space<vmem>>
    %dma_start3A_102 = tpu.memref_squeeze %dma_start3A_101 : memref<1x1x1x128xi32, #tpu.memory_space<vmem>> -> memref<128xi32, #tpu.memory_space<vmem>>
    %dma_start3A_103 = arith.constant 0 : i32
    %dma_start3A_104 = arith.constant 0 : i32
    %dma_start3A_105 = tpu.memref_slice %arg2[%dma_start3A_103, %dma_start3A_104] : memref<10000x128xf32, #tpu.memory_space<hbm>> -> memref<10000x128xf32, #tpu.memory_space<hbm>>
    tpu.enqueue_indirect_dma source(%dma_start3A_105 : memref<10000x128xf32, #tpu.memory_space<hbm>>) target(%dma_start3A_99 : memref<128x128xf32, #tpu.memory_space<vmem>>) offsets(%dma_start3A_102 : memref<128xi32, #tpu.memory_space<vmem>>) semaphore(%arg13 : memref<!tpu.dma_semaphore, #tpu.memory_space<semaphore_mem>>)
    %lt3A_106 = arith.constant 15 : i32
    %lt3A_107 = arith.cmpi slt, %arg1, %lt3A_106 : i32
    %convert_element_type3A_108 = arith.extui %lt3A_107 : i1 to i32
    %cond3A_109 = arith.constant 0 : i32
    %cond3A_110 = arith.cmpi ne, %convert_element_type3A_108, %cond3A_109 : i32
    scf.if %cond3A_110 {
      %add3A_132 = arith.constant 0 : i32
      %add3A_133 = arith.addi %mul3A_2, %add3A_132 : i32
      %add3A_134 = arith.constant 0 : i32
      %add3A_135 = arith.addi %mul3A_2, %add3A_134 : i32
      %dma_wait3A_136 = arith.constant 0 : i32
      %dma_wait3A_137 = tpu.memref_slice %arg7[%add3A_135, %dma_wait3A_136] : memref<10040x128xf32, #tpu.memory_space<vmem_shared>> -> memref<128x128xf32, #tpu.memory_space<vmem_shared>>
      %dma_wait3A_138 = arith.constant 0 : i32
      %dma_wait3A_139 = tpu.memref_slice %arg2[%add3A_133, %dma_wait3A_138] : memref<10000x128xf32, #tpu.memory_space<hbm>> -> memref<128x128xf32, #tpu.memory_space<hbm>>
      tpu.wait_dma2 semaphore(%arg8 : memref<!tpu.dma_semaphore, #tpu.memory_space<semaphore_mem>>) src(%dma_wait3A_139 : memref<128x128xf32, #tpu.memory_space<hbm>>) dst(%dma_wait3A_137 : memref<128x128xf32, #tpu.memory_space<vmem_shared>>)
      %add3A_140 = arith.constant 128 : i32
      %add3A_141 = arith.addi %mul3A_2, %add3A_140 : i32
      %add3A_142 = arith.constant 128 : i32
      %add3A_143 = arith.addi %mul3A_2, %add3A_142 : i32
      %dma_wait3A_144 = arith.constant 0 : i32
      %dma_wait3A_145 = tpu.memref_slice %arg7[%add3A_143, %dma_wait3A_144] : memref<10040x128xf32, #tpu.memory_space<vmem_shared>> -> memref<128x128xf32, #tpu.memory_space<vmem_shared>>
      %dma_wait3A_146 = arith.constant 0 : i32
      %dma_wait3A_147 = tpu.memref_slice %arg2[%add3A_141, %dma_wait3A_146] : memref<10000x128xf32, #tpu.memory_space<hbm>> -> memref<128x128xf32, #tpu.memory_space<hbm>>
      tpu.wait_dma2 semaphore(%arg8 : memref<!tpu.dma_semaphore, #tpu.memory_space<semaphore_mem>>) src(%dma_wait3A_147 : memref<128x128xf32, #tpu.memory_space<hbm>>) dst(%dma_wait3A_145 : memref<128x128xf32, #tpu.memory_space<vmem_shared>>)
      %add3A_148 = arith.constant 256 : i32
      %add3A_149 = arith.addi %mul3A_2, %add3A_148 : i32
      %add3A_150 = arith.constant 256 : i32
      %add3A_151 = arith.addi %mul3A_2, %add3A_150 : i32
      %dma_wait3A_152 = arith.constant 0 : i32
      %dma_wait3A_153 = tpu.memref_slice %arg7[%add3A_151, %dma_wait3A_152] : memref<10040x128xf32, #tpu.memory_space<vmem_shared>> -> memref<128x128xf32, #tpu.memory_space<vmem_shared>>
      %dma_wait3A_154 = arith.constant 0 : i32
      %dma_wait3A_155 = tpu.memref_slice %arg2[%add3A_149, %dma_wait3A_154] : memref<10000x128xf32, #tpu.memory_space<hbm>> -> memref<128x128xf32, #tpu.memory_space<hbm>>
      tpu.wait_dma2 semaphore(%arg8 : memref<!tpu.dma_semaphore, #tpu.memory_space<semaphore_mem>>) src(%dma_wait3A_155 : memref<128x128xf32, #tpu.memory_space<hbm>>) dst(%dma_wait3A_153 : memref<128x128xf32, #tpu.memory_space<vmem_shared>>)
      %add3A_156 = arith.constant 384 : i32
      %add3A_157 = arith.addi %mul3A_2, %add3A_156 : i32
      %add3A_158 = arith.constant 384 : i32
      %add3A_159 = arith.addi %mul3A_2, %add3A_158 : i32
      %dma_wait3A_160 = arith.constant 0 : i32
      %dma_wait3A_161 = tpu.memref_slice %arg7[%add3A_159, %dma_wait3A_160] : memref<10040x128xf32, #tpu.memory_space<vmem_shared>> -> memref<128x128xf32, #tpu.memory_space<vmem_shared>>
      %dma_wait3A_162 = arith.constant 0 : i32
      %dma_wait3A_163 = tpu.memref_slice %arg2[%add3A_157, %dma_wait3A_162] : memref<10000x128xf32, #tpu.memory_space<hbm>> -> memref<128x128xf32, #tpu.memory_space<hbm>>
      tpu.wait_dma2 semaphore(%arg8 : memref<!tpu.dma_semaphore, #tpu.memory_space<semaphore_mem>>) src(%dma_wait3A_163 : memref<128x128xf32, #tpu.memory_space<hbm>>) dst(%dma_wait3A_161 : memref<128x128xf32, #tpu.memory_space<vmem_shared>>)
      %add3A_164 = arith.constant 512 : i32
      %add3A_165 = arith.addi %mul3A_2, %add3A_164 : i32
      %add3A_166 = arith.constant 512 : i32
      %add3A_167 = arith.addi %mul3A_2, %add3A_166 : i32
      %dma_wait3A_168 = arith.constant 0 : i32
      %dma_wait3A_169 = tpu.memref_slice %arg7[%add3A_167, %dma_wait3A_168] : memref<10040x128xf32, #tpu.memory_space<vmem_shared>> -> memref<128x128xf32, #tpu.memory_space<vmem_shared>>
      %dma_wait3A_170 = arith.constant 0 : i32
      %dma_wait3A_171 = tpu.memref_slice %arg2[%add3A_165, %dma_wait3A_170] : memref<10000x128xf32, #tpu.memory_space<hbm>> -> memref<128x128xf32, #tpu.memory_space<hbm>>
      tpu.wait_dma2 semaphore(%arg8 : memref<!tpu.dma_semaphore, #tpu.memory_space<semaphore_mem>>) src(%dma_wait3A_171 : memref<128x128xf32, #tpu.memory_space<hbm>>) dst(%dma_wait3A_169 : memref<128x128xf32, #tpu.memory_space<vmem_shared>>)
    } else {
    }
    %eq3A_111 = arith.constant 15 : i32
    %eq3A_112 = arith.cmpi eq, %arg1, %eq3A_111 : i32
    %convert_element_type3A_113 = arith.extui %eq3A_112 : i1 to i32
    %cond3A_114 = arith.constant 0 : i32
    %cond3A_115 = arith.cmpi ne, %convert_element_type3A_113, %cond3A_114 : i32
    scf.if %cond3A_115 {
      %dma_wait3A_132 = arith.constant 9600 : i32
      %dma_wait3A_133 = arith.constant 0 : i32
      %dma_wait3A_134 = tpu.memref_slice %arg7[%dma_wait3A_132, %dma_wait3A_133] : memref<10040x128xf32, #tpu.memory_space<vmem_shared>> -> memref<128x128xf32, #tpu.memory_space<vmem_shared>>
      %dma_wait3A_135 = arith.constant 9600 : i32
      %dma_wait3A_136 = arith.constant 0 : i32
      %dma_wait3A_137 = tpu.memref_slice %arg2[%dma_wait3A_135, %dma_wait3A_136] : memref<10000x128xf32, #tpu.memory_space<hbm>> -> memref<128x128xf32, #tpu.memory_space<hbm>>
      tpu.wait_dma2 semaphore(%arg8 : memref<!tpu.dma_semaphore, #tpu.memory_space<semaphore_mem>>) src(%dma_wait3A_137 : memref<128x128xf32, #tpu.memory_space<hbm>>) dst(%dma_wait3A_134 : memref<128x128xf32, #tpu.memory_space<vmem_shared>>)
      %dma_wait3A_138 = arith.constant 9728 : i32
      %dma_wait3A_139 = arith.constant 0 : i32
      %dma_wait3A_140 = tpu.memref_slice %arg7[%dma_wait3A_138, %dma_wait3A_139] : memref<10040x128xf32, #tpu.memory_space<vmem_shared>> -> memref<128x128xf32, #tpu.memory_space<vmem_shared>>
      %dma_wait3A_141 = arith.constant 9728 : i32
      %dma_wait3A_142 = arith.constant 0 : i32
      %dma_wait3A_143 = tpu.memref_slice %arg2[%dma_wait3A_141, %dma_wait3A_142] : memref<10000x128xf32, #tpu.memory_space<hbm>> -> memref<128x128xf32, #tpu.memory_space<hbm>>
      tpu.wait_dma2 semaphore(%arg8 : memref<!tpu.dma_semaphore, #tpu.memory_space<semaphore_mem>>) src(%dma_wait3A_143 : memref<128x128xf32, #tpu.memory_space<hbm>>) dst(%dma_wait3A_140 : memref<128x128xf32, #tpu.memory_space<vmem_shared>>)
      %dma_wait3A_144 = arith.constant 9856 : i32
      %dma_wait3A_145 = arith.constant 0 : i32
      %dma_wait3A_146 = tpu.memref_slice %arg7[%dma_wait3A_144, %dma_wait3A_145] : memref<10040x128xf32, #tpu.memory_space<vmem_shared>> -> memref<128x128xf32, #tpu.memory_space<vmem_shared>>
      %dma_wait3A_147 = arith.constant 9856 : i32
      %dma_wait3A_148 = arith.constant 0 : i32
      %dma_wait3A_149 = tpu.memref_slice %arg2[%dma_wait3A_147, %dma_wait3A_148] : memref<10000x128xf32, #tpu.memory_space<hbm>> -> memref<128x128xf32, #tpu.memory_space<hbm>>
      tpu.wait_dma2 semaphore(%arg8 : memref<!tpu.dma_semaphore, #tpu.memory_space<semaphore_mem>>) src(%dma_wait3A_149 : memref<128x128xf32, #tpu.memory_space<hbm>>) dst(%dma_wait3A_146 : memref<128x128xf32, #tpu.memory_space<vmem_shared>>)
      %dma_wait3A_150 = arith.constant 9984 : i32
      %dma_wait3A_151 = arith.constant 0 : i32
      %dma_wait3A_152 = tpu.memref_slice %arg7[%dma_wait3A_150, %dma_wait3A_151] : memref<10040x128xf32, #tpu.memory_space<vmem_shared>> -> memref<8x128xf32, #tpu.memory_space<vmem_shared>>
      %dma_wait3A_153 = arith.constant 9984 : i32
      %dma_wait3A_154 = arith.constant 0 : i32
      %dma_wait3A_155 = tpu.memref_slice %arg2[%dma_wait3A_153, %dma_wait3A_154] : memref<10000x128xf32, #tpu.memory_space<hbm>> -> memref<8x128xf32, #tpu.memory_space<hbm>>
      tpu.wait_dma2 semaphore(%arg8 : memref<!tpu.dma_semaphore, #tpu.memory_space<semaphore_mem>>) src(%dma_wait3A_155 : memref<8x128xf32, #tpu.memory_space<hbm>>) dst(%dma_wait3A_152 : memref<8x128xf32, #tpu.memory_space<vmem_shared>>)
      %dma_wait3A_156 = arith.constant 9992 : i32
      %dma_wait3A_157 = arith.constant 0 : i32
      %dma_wait3A_158 = tpu.memref_slice %arg7[%dma_wait3A_156, %dma_wait3A_157] : memref<10040x128xf32, #tpu.memory_space<vmem_shared>> -> memref<8x128xf32, #tpu.memory_space<vmem_shared>>
      %dma_wait3A_159 = arith.constant 9992 : i32
      %dma_wait3A_160 = arith.constant 0 : i32
      %dma_wait3A_161 = tpu.memref_slice %arg2[%dma_wait3A_159, %dma_wait3A_160] : memref<10000x128xf32, #tpu.memory_space<hbm>> -> memref<8x128xf32, #tpu.memory_space<hbm>>
      tpu.wait_dma2 semaphore(%arg8 : memref<!tpu.dma_semaphore, #tpu.memory_space<semaphore_mem>>) src(%dma_wait3A_161 : memref<8x128xf32, #tpu.memory_space<hbm>>) dst(%dma_wait3A_158 : memref<8x128xf32, #tpu.memory_space<vmem_shared>>)
    } else {
    }
    %barrier3A = arith.constant 0 : index
    tpu.barrier barrier_id(%barrier3A)
    %scan3A = arith.constant 0 : i32
    %scan3A_116 = arith.constant 0 : i32
    %scan3A_117 = arith.constant 14 : i32
    %scan3A_118 = arith.addi %scan3A_116, %scan3A_117 : i32
    %scan3A_119 = arith.constant 1 : i32
    scf.for %scan3A_132 = %scan3A_116 to %scan3A_118 step %scan3A_119  : i32 {
      %dma_wait3A_133 = arith.constant 1 : i32
      %dma_wait3A_134 = arith.constant 0 : i32
      %dma_wait3A_135 = arith.constant 0 : i32
      %dma_wait3A_136 = arith.constant 0 : i32
      %dma_wait3A_137 = tpu.memref_slice %arg5[%dma_wait3A_133, %dma_wait3A_134, %dma_wait3A_135, %dma_wait3A_136] : memref<2x3x2x128xi32, #tpu.memory_space<vmem>> -> memref<1x3x2x128xi32, #tpu.memory_space<vmem>>
      %dma_wait3A_138 = tpu.memref_squeeze %dma_wait3A_137 : memref<1x3x2x128xi32, #tpu.memory_space<vmem>> -> memref<3x2x128xi32, #tpu.memory_space<vmem>>
      %dma_wait3A_139 = arith.constant 0 : i32
      %dma_wait3A_140 = arith.constant 0 : i32
      %dma_wait3A_141 = tpu.memref_slice %arg3[%mul3A_4, %dma_wait3A_139, %dma_wait3A_140] : memref<2688x2x128xi32, #tpu.memory_space<hbm>> -> memref<3x2x128xi32, #tpu.memory_space<hbm>>
      %dma_wait3A_142 = arith.constant 0 : i32
      %dma_wait3A_143 = arith.constant 0 : i32
      %dma_wait3A_144 = arith.constant 0 : i32
      %dma_wait3A_145 = tpu.memref_slice %arg5[%dma_wait3A_133, %dma_wait3A_142, %dma_wait3A_143, %dma_wait3A_144] : memref<2x3x2x128xi32, #tpu.memory_space<vmem>> -> memref<1x3x2x128xi32, #tpu.memory_space<vmem>>
      %dma_wait3A_146 = tpu.memref_squeeze %dma_wait3A_145 : memref<1x3x2x128xi32, #tpu.memory_space<vmem>> -> memref<3x2x128xi32, #tpu.memory_space<vmem>>
      %dma_wait3A_147 = arith.constant 0 : i32
      %dma_wait3A_148 = arith.constant 0 : i32
      %dma_wait3A_149 = tpu.memref_slice %arg3[%mul3A_4, %dma_wait3A_147, %dma_wait3A_148] : memref<2688x2x128xi32, #tpu.memory_space<hbm>> -> memref<3x2x128xi32, #tpu.memory_space<hbm>>
      tpu.wait_dma2 semaphore(%arg10 : memref<!tpu.dma_semaphore, #tpu.memory_space<semaphore_mem>>) src(%dma_wait3A_149 : memref<3x2x128xi32, #tpu.memory_space<hbm>>) dst(%dma_wait3A_146 : memref<3x2x128xi32, #tpu.memory_space<vmem>>)
      %dma_wait3A_150 = arith.constant 0 : i32
      %dma_wait3A_151 = arith.constant 0 : i32
      %dma_wait3A_152 = arith.constant 0 : i32
      %dma_wait3A_153 = arith.constant 0 : i32
      %dma_wait3A_154 = arith.constant 0 : i32
      %dma_wait3A_155 = arith.constant 0 : i32
      %dma_wait3A_156 = tpu.memref_slice %arg6[%dma_wait3A_153, %dma_wait3A_154, %dma_wait3A_155] : memref<3x128x128xf32, #tpu.memory_space<vmem>> -> memref<1x128x128xf32, #tpu.memory_space<vmem>>
      %dma_wait3A_157 = tpu.memref_squeeze %dma_wait3A_156 : memref<1x128x128xf32, #tpu.memory_space<vmem>> -> memref<128x128xf32, #tpu.memory_space<vmem>>
      %dma_wait3A_158 = arith.constant 0 : i32
      %dma_wait3A_159 = tpu.memref_slice %arg5[%dma_wait3A_150, %dma_wait3A_151, %dma_wait3A_152, %dma_wait3A_158] : memref<2x3x2x128xi32, #tpu.memory_space<vmem>> -> memref<1x1x1x128xi32, #tpu.memory_space<vmem>>
      %dma_wait3A_160 = tpu.memref_squeeze %dma_wait3A_159 : memref<1x1x1x128xi32, #tpu.memory_space<vmem>> -> memref<128xi32, #tpu.memory_space<vmem>>
      %dma_wait3A_161 = arith.constant 0 : i32
      %dma_wait3A_162 = arith.constant 0 : i32
      %dma_wait3A_163 = tpu.memref_slice %arg2[%dma_wait3A_161, %dma_wait3A_162] : memref<10000x128xf32, #tpu.memory_space<hbm>> -> memref<10000x128xf32, #tpu.memory_space<hbm>>
      tpu.wait_indirect_dma semaphore(%arg11 : memref<!tpu.dma_semaphore, #tpu.memory_space<semaphore_mem>>) src(%dma_wait3A_163 : memref<10000x128xf32, #tpu.memory_space<hbm>>) dst(%dma_wait3A_157 : memref<128x128xf32, #tpu.memory_space<vmem>>)
      %run_scoped3A = arith.constant 0 : i32
      %run_scoped3A_164 = arith.constant 0 : i32
      %run_scoped3A_165 = arith.constant 0 : i32
      %run_scoped3A_166 = arith.constant 1 : i32
      "tpu.region"() ({
        %run_scoped3A_329 = tpu.sem_alloc : memref<!tpu.dma_semaphore, #tpu.memory_space<semaphore_mem>>
        %dma_start3A_330 = arith.constant 0 : i32
        %dma_start3A_331 = arith.constant 0 : i32
        %dma_start3A_332 = tpu.memref_slice %arg6[%run_scoped3A, %dma_start3A_330, %dma_start3A_331] : memref<3x128x128xf32, #tpu.memory_space<vmem>> -> memref<1x128x128xf32, #tpu.memory_space<vmem>>
        %dma_start3A_333 = tpu.memref_squeeze %dma_start3A_332 : memref<1x128x128xf32, #tpu.memory_space<vmem>> -> memref<128x128xf32, #tpu.memory_space<vmem>>
        %dma_start3A_334 = arith.constant 0 : i32
        %dma_start3A_335 = tpu.memref_slice %arg5[%run_scoped3A_164, %run_scoped3A_165, %run_scoped3A_166, %dma_start3A_334] : memref<2x3x2x128xi32, #tpu.memory_space<vmem>> -> memref<1x1x1x128xi32, #tpu.memory_space<vmem>>
        %dma_start3A_336 = tpu.memref_squeeze %dma_start3A_335 : memref<1x1x1x128xi32, #tpu.memory_space<vmem>> -> memref<128xi32, #tpu.memory_space<vmem>>
        %dma_start3A_337 = arith.constant 0 : i32
        %dma_start3A_338 = arith.constant 0 : i32
        %dma_start3A_339 = tpu.memref_slice %arg7[%dma_start3A_337, %dma_start3A_338] : memref<10040x128xf32, #tpu.memory_space<vmem_shared>> -> memref<10040x128xf32, #tpu.memory_space<vmem_shared>>
        tpu.enqueue_indirect_dma source(%dma_start3A_333 : memref<128x128xf32, #tpu.memory_space<vmem>>) target(%dma_start3A_339 : memref<10040x128xf32, #tpu.memory_space<vmem_shared>>) offsets(%dma_start3A_336 : memref<128xi32, #tpu.memory_space<vmem>>) semaphore(%run_scoped3A_329 : memref<!tpu.dma_semaphore, #tpu.memory_space<semaphore_mem>>) {add = true}
        %dma_wait3A_340 = arith.constant 0 : i32
        %dma_wait3A_341 = arith.constant 0 : i32
        %dma_wait3A_342 = tpu.memref_slice %arg6[%run_scoped3A, %dma_wait3A_340, %dma_wait3A_341] : memref<3x128x128xf32, #tpu.memory_space<vmem>> -> memref<1x128x128xf32, #tpu.memory_space<vmem>>
        %dma_wait3A_343 = tpu.memref_squeeze %dma_wait3A_342 : memref<1x128x128xf32, #tpu.memory_space<vmem>> -> memref<128x128xf32, #tpu.memory_space<vmem>>
        %dma_wait3A_344 = arith.constant 0 : i32
        %dma_wait3A_345 = tpu.memref_slice %arg5[%run_scoped3A_164, %run_scoped3A_165, %run_scoped3A_166, %dma_wait3A_344] : memref<2x3x2x128xi32, #tpu.memory_space<vmem>> -> memref<1x1x1x128xi32, #tpu.memory_space<vmem>>
        %dma_wait3A_346 = tpu.memref_squeeze %dma_wait3A_345 : memref<1x1x1x128xi32, #tpu.memory_space<vmem>> -> memref<128xi32, #tpu.memory_space<vmem>>
        %dma_wait3A_347 = arith.constant 0 : i32
        %dma_wait3A_348 = arith.constant 0 : i32
        %dma_wait3A_349 = tpu.memref_slice %arg7[%dma_wait3A_347, %dma_wait3A_348] : memref<10040x128xf32, #tpu.memory_space<vmem_shared>> -> memref<10040x128xf32, #tpu.memory_space<vmem_shared>>
        tpu.wait_indirect_dma semaphore(%run_scoped3A_329 : memref<!tpu.dma_semaphore, #tpu.memory_space<semaphore_mem>>) src(%dma_wait3A_343 : memref<128x128xf32, #tpu.memory_space<vmem>>) dst(%dma_wait3A_349 : memref<10040x128xf32, #tpu.memory_space<vmem_shared>>)
        tpu.yield
      }) : () -> ()
      %dma_start3A_167 = arith.constant 1 : i32
      %dma_start3A_168 = arith.constant 0 : i32
      %dma_start3A_169 = arith.constant 0 : i32
      %dma_start3A_170 = arith.constant 0 : i32
      %dma_start3A_171 = arith.constant 0 : i32
      %dma_start3A_172 = arith.constant 0 : i32
      %dma_start3A_173 = tpu.memref_slice %arg6[%dma_start3A_170, %dma_start3A_171, %dma_start3A_172] : memref<3x128x128xf32, #tpu.memory_space<vmem>> -> memref<1x128x128xf32, #tpu.memory_space<vmem>>
      %dma_start3A_174 = tpu.memref_squeeze %dma_start3A_173 : memref<1x128x128xf32, #tpu.memory_space<vmem>> -> memref<128x128xf32, #tpu.memory_space<vmem>>
      %dma_start3A_175 = arith.constant 0 : i32
      %dma_start3A_176 = tpu.memref_slice %arg5[%dma_start3A_167, %dma_start3A_168, %dma_start3A_169, %dma_start3A_175] : memref<2x3x2x128xi32, #tpu.memory_space<vmem>> -> memref<1x1x1x128xi32, #tpu.memory_space<vmem>>
      %dma_start3A_177 = tpu.memref_squeeze %dma_start3A_176 : memref<1x1x1x128xi32, #tpu.memory_space<vmem>> -> memref<128xi32, #tpu.memory_space<vmem>>
      %dma_start3A_178 = arith.constant 0 : i32
      %dma_start3A_179 = arith.constant 0 : i32
      %dma_start3A_180 = tpu.memref_slice %arg2[%dma_start3A_178, %dma_start3A_179] : memref<10000x128xf32, #tpu.memory_space<hbm>> -> memref<10000x128xf32, #tpu.memory_space<hbm>>
      tpu.enqueue_indirect_dma source(%dma_start3A_180 : memref<10000x128xf32, #tpu.memory_space<hbm>>) target(%dma_start3A_174 : memref<128x128xf32, #tpu.memory_space<vmem>>) offsets(%dma_start3A_177 : memref<128xi32, #tpu.memory_space<vmem>>) semaphore(%arg11 : memref<!tpu.dma_semaphore, #tpu.memory_space<semaphore_mem>>)
      %dma_wait3A_181 = arith.constant 0 : i32
      %dma_wait3A_182 = arith.constant 0 : i32
      %dma_wait3A_183 = arith.constant 0 : i32
      %dma_wait3A_184 = arith.constant 1 : i32
      %dma_wait3A_185 = arith.constant 0 : i32
      %dma_wait3A_186 = arith.constant 0 : i32
      %dma_wait3A_187 = tpu.memref_slice %arg6[%dma_wait3A_184, %dma_wait3A_185, %dma_wait3A_186] : memref<3x128x128xf32, #tpu.memory_space<vmem>> -> memref<1x128x128xf32, #tpu.memory_space<vmem>>
      %dma_wait3A_188 = tpu.memref_squeeze %dma_wait3A_187 : memref<1x128x128xf32, #tpu.memory_space<vmem>> -> memref<128x128xf32, #tpu.memory_space<vmem>>
      %dma_wait3A_189 = arith.constant 0 : i32
      %dma_wait3A_190 = tpu.memref_slice %arg5[%dma_wait3A_181, %dma_wait3A_182, %dma_wait3A_183, %dma_wait3A_189] : memref<2x3x2x128xi32, #tpu.memory_space<vmem>> -> memref<1x1x1x128xi32, #tpu.memory_space<vmem>>
      %dma_wait3A_191 = tpu.memref_squeeze %dma_wait3A_190 : memref<1x1x1x128xi32, #tpu.memory_space<vmem>> -> memref<128xi32, #tpu.memory_space<vmem>>
      %dma_wait3A_192 = arith.constant 0 : i32
      %dma_wait3A_193 = arith.constant 0 : i32
      %dma_wait3A_194 = tpu.memref_slice %arg2[%dma_wait3A_192, %dma_wait3A_193] : memref<10000x128xf32, #tpu.memory_space<hbm>> -> memref<10000x128xf32, #tpu.memory_space<hbm>>
      tpu.wait_indirect_dma semaphore(%arg12 : memref<!tpu.dma_semaphore, #tpu.memory_space<semaphore_mem>>) src(%dma_wait3A_194 : memref<10000x128xf32, #tpu.memory_space<hbm>>) dst(%dma_wait3A_188 : memref<128x128xf32, #tpu.memory_space<vmem>>)
      %run_scoped3A_195 = arith.constant 1 : i32
      %run_scoped3A_196 = arith.constant 0 : i32
      %run_scoped3A_197 = arith.constant 1 : i32
      %run_scoped3A_198 = arith.constant 1 : i32
      "tpu.region"() ({
        %run_scoped3A_329 = tpu.sem_alloc : memref<!tpu.dma_semaphore, #tpu.memory_space<semaphore_mem>>
        %dma_start3A_330 = arith.constant 0 : i32
        %dma_start3A_331 = arith.constant 0 : i32
        %dma_start3A_332 = tpu.memref_slice %arg6[%run_scoped3A_195, %dma_start3A_330, %dma_start3A_331] : memref<3x128x128xf32, #tpu.memory_space<vmem>> -> memref<1x128x128xf32, #tpu.memory_space<vmem>>
        %dma_start3A_333 = tpu.memref_squeeze %dma_start3A_332 : memref<1x128x128xf32, #tpu.memory_space<vmem>> -> memref<128x128xf32, #tpu.memory_space<vmem>>
        %dma_start3A_334 = arith.constant 0 : i32
        %dma_start3A_335 = tpu.memref_slice %arg5[%run_scoped3A_196, %run_scoped3A_197, %run_scoped3A_198, %dma_start3A_334] : memref<2x3x2x128xi32, #tpu.memory_space<vmem>> -> memref<1x1x1x128xi32, #tpu.memory_space<vmem>>
        %dma_start3A_336 = tpu.memref_squeeze %dma_start3A_335 : memref<1x1x1x128xi32, #tpu.memory_space<vmem>> -> memref<128xi32, #tpu.memory_space<vmem>>
        %dma_start3A_337 = arith.constant 0 : i32
        %dma_start3A_338 = arith.constant 0 : i32
        %dma_start3A_339 = tpu.memref_slice %arg7[%dma_start3A_337, %dma_start3A_338] : memref<10040x128xf32, #tpu.memory_space<vmem_shared>> -> memref<10040x128xf32, #tpu.memory_space<vmem_shared>>
        tpu.enqueue_indirect_dma source(%dma_start3A_333 : memref<128x128xf32, #tpu.memory_space<vmem>>) target(%dma_start3A_339 : memref<10040x128xf32, #tpu.memory_space<vmem_shared>>) offsets(%dma_start3A_336 : memref<128xi32, #tpu.memory_space<vmem>>) semaphore(%run_scoped3A_329 : memref<!tpu.dma_semaphore, #tpu.memory_space<semaphore_mem>>) {add = true}
        %dma_wait3A_340 = arith.constant 0 : i32
        %dma_wait3A_341 = arith.constant 0 : i32
        %dma_wait3A_342 = tpu.memref_slice %arg6[%run_scoped3A_195, %dma_wait3A_340, %dma_wait3A_341] : memref<3x128x128xf32, #tpu.memory_space<vmem>> -> memref<1x128x128xf32, #tpu.memory_space<vmem>>
        %dma_wait3A_343 = tpu.memref_squeeze %dma_wait3A_342 : memref<1x128x128xf32, #tpu.memory_space<vmem>> -> memref<128x128xf32, #tpu.memory_space<vmem>>
        %dma_wait3A_344 = arith.constant 0 : i32
        %dma_wait3A_345 = tpu.memref_slice %arg5[%run_scoped3A_196, %run_scoped3A_197, %run_scoped3A_198, %dma_wait3A_344] : memref<2x3x2x128xi32, #tpu.memory_space<vmem>> -> memref<1x1x1x128xi32, #tpu.memory_space<vmem>>
        %dma_wait3A_346 = tpu.memref_squeeze %dma_wait3A_345 : memref<1x1x1x128xi32, #tpu.memory_space<vmem>> -> memref<128xi32, #tpu.memory_space<vmem>>
        %dma_wait3A_347 = arith.constant 0 : i32
        %dma_wait3A_348 = arith.constant 0 : i32
        %dma_wait3A_349 = tpu.memref_slice %arg7[%dma_wait3A_347, %dma_wait3A_348] : memref<10040x128xf32, #tpu.memory_space<vmem_shared>> -> memref<10040x128xf32, #tpu.memory_space<vmem_shared>>
        tpu.wait_indirect_dma semaphore(%run_scoped3A_329 : memref<!tpu.dma_semaphore, #tpu.memory_space<semaphore_mem>>) src(%dma_wait3A_343 : memref<128x128xf32, #tpu.memory_space<vmem>>) dst(%dma_wait3A_349 : memref<10040x128xf32, #tpu.memory_space<vmem_shared>>)
        tpu.yield
      }) : () -> ()
      %dma_start3A_199 = arith.constant 1 : i32
      %dma_start3A_200 = arith.constant 1 : i32
      %dma_start3A_201 = arith.constant 0 : i32
      %dma_start3A_202 = arith.constant 1 : i32
      %dma_start3A_203 = arith.constant 0 : i32
      %dma_start3A_204 = arith.constant 0 : i32
      %dma_start3A_205 = tpu.memref_slice %arg6[%dma_start3A_202, %dma_start3A_203, %dma_start3A_204] : memref<3x128x128xf32, #tpu.memory_space<vmem>> -> memref<1x128x128xf32, #tpu.memory_space<vmem>>
      %dma_start3A_206 = tpu.memref_squeeze %dma_start3A_205 : memref<1x128x128xf32, #tpu.memory_space<vmem>> -> memref<128x128xf32, #tpu.memory_space<vmem>>
      %dma_start3A_207 = arith.constant 0 : i32
      %dma_start3A_208 = tpu.memref_slice %arg5[%dma_start3A_199, %dma_start3A_200, %dma_start3A_201, %dma_start3A_207] : memref<2x3x2x128xi32, #tpu.memory_space<vmem>> -> memref<1x1x1x128xi32, #tpu.memory_space<vmem>>
      %dma_start3A_209 = tpu.memref_squeeze %dma_start3A_208 : memref<1x1x1x128xi32, #tpu.memory_space<vmem>> -> memref<128xi32, #tpu.memory_space<vmem>>
      %dma_start3A_210 = arith.constant 0 : i32
      %dma_start3A_211 = arith.constant 0 : i32
      %dma_start3A_212 = tpu.memref_slice %arg2[%dma_start3A_210, %dma_start3A_211] : memref<10000x128xf32, #tpu.memory_space<hbm>> -> memref<10000x128xf32, #tpu.memory_space<hbm>>
      tpu.enqueue_indirect_dma source(%dma_start3A_212 : memref<10000x128xf32, #tpu.memory_space<hbm>>) target(%dma_start3A_206 : memref<128x128xf32, #tpu.memory_space<vmem>>) offsets(%dma_start3A_209 : memref<128xi32, #tpu.memory_space<vmem>>) semaphore(%arg12 : memref<!tpu.dma_semaphore, #tpu.memory_space<semaphore_mem>>)
      %dma_wait3A_213 = arith.constant 0 : i32
      %dma_wait3A_214 = arith.constant 0 : i32
      %dma_wait3A_215 = arith.constant 0 : i32
      %dma_wait3A_216 = arith.constant 2 : i32
      %dma_wait3A_217 = arith.constant 0 : i32
      %dma_wait3A_218 = arith.constant 0 : i32
      %dma_wait3A_219 = tpu.memref_slice %arg6[%dma_wait3A_216, %dma_wait3A_217, %dma_wait3A_218] : memref<3x128x128xf32, #tpu.memory_space<vmem>> -> memref<1x128x128xf32, #tpu.memory_space<vmem>>
      %dma_wait3A_220 = tpu.memref_squeeze %dma_wait3A_219 : memref<1x128x128xf32, #tpu.memory_space<vmem>> -> memref<128x128xf32, #tpu.memory_space<vmem>>
      %dma_wait3A_221 = arith.constant 0 : i32
      %dma_wait3A_222 = tpu.memref_slice %arg5[%dma_wait3A_213, %dma_wait3A_214, %dma_wait3A_215, %dma_wait3A_221] : memref<2x3x2x128xi32, #tpu.memory_space<vmem>> -> memref<1x1x1x128xi32, #tpu.memory_space<vmem>>
      %dma_wait3A_223 = tpu.memref_squeeze %dma_wait3A_222 : memref<1x1x1x128xi32, #tpu.memory_space<vmem>> -> memref<128xi32, #tpu.memory_space<vmem>>
      %dma_wait3A_224 = arith.constant 0 : i32
      %dma_wait3A_225 = arith.constant 0 : i32
      %dma_wait3A_226 = tpu.memref_slice %arg2[%dma_wait3A_224, %dma_wait3A_225] : memref<10000x128xf32, #tpu.memory_space<hbm>> -> memref<10000x128xf32, #tpu.memory_space<hbm>>
      tpu.wait_indirect_dma semaphore(%arg13 : memref<!tpu.dma_semaphore, #tpu.memory_space<semaphore_mem>>) src(%dma_wait3A_226 : memref<10000x128xf32, #tpu.memory_space<hbm>>) dst(%dma_wait3A_220 : memref<128x128xf32, #tpu.memory_space<vmem>>)
      %run_scoped3A_227 = arith.constant 2 : i32
      %run_scoped3A_228 = arith.constant 0 : i32
      %run_scoped3A_229 = arith.constant 2 : i32
      %run_scoped3A_230 = arith.constant 1 : i32
      "tpu.region"() ({
        %run_scoped3A_329 = tpu.sem_alloc : memref<!tpu.dma_semaphore, #tpu.memory_space<semaphore_mem>>
        %dma_start3A_330 = arith.constant 0 : i32
        %dma_start3A_331 = arith.constant 0 : i32
        %dma_start3A_332 = tpu.memref_slice %arg6[%run_scoped3A_227, %dma_start3A_330, %dma_start3A_331] : memref<3x128x128xf32, #tpu.memory_space<vmem>> -> memref<1x128x128xf32, #tpu.memory_space<vmem>>
        %dma_start3A_333 = tpu.memref_squeeze %dma_start3A_332 : memref<1x128x128xf32, #tpu.memory_space<vmem>> -> memref<128x128xf32, #tpu.memory_space<vmem>>
        %dma_start3A_334 = arith.constant 0 : i32
        %dma_start3A_335 = tpu.memref_slice %arg5[%run_scoped3A_228, %run_scoped3A_229, %run_scoped3A_230, %dma_start3A_334] : memref<2x3x2x128xi32, #tpu.memory_space<vmem>> -> memref<1x1x1x128xi32, #tpu.memory_space<vmem>>
        %dma_start3A_336 = tpu.memref_squeeze %dma_start3A_335 : memref<1x1x1x128xi32, #tpu.memory_space<vmem>> -> memref<128xi32, #tpu.memory_space<vmem>>
        %dma_start3A_337 = arith.constant 0 : i32
        %dma_start3A_338 = arith.constant 0 : i32
        %dma_start3A_339 = tpu.memref_slice %arg7[%dma_start3A_337, %dma_start3A_338] : memref<10040x128xf32, #tpu.memory_space<vmem_shared>> -> memref<10040x128xf32, #tpu.memory_space<vmem_shared>>
        tpu.enqueue_indirect_dma source(%dma_start3A_333 : memref<128x128xf32, #tpu.memory_space<vmem>>) target(%dma_start3A_339 : memref<10040x128xf32, #tpu.memory_space<vmem_shared>>) offsets(%dma_start3A_336 : memref<128xi32, #tpu.memory_space<vmem>>) semaphore(%run_scoped3A_329 : memref<!tpu.dma_semaphore, #tpu.memory_space<semaphore_mem>>) {add = true}
        %dma_wait3A_340 = arith.constant 0 : i32
        %dma_wait3A_341 = arith.constant 0 : i32
        %dma_wait3A_342 = tpu.memref_slice %arg6[%run_scoped3A_227, %dma_wait3A_340, %dma_wait3A_341] : memref<3x128x128xf32, #tpu.memory_space<vmem>> -> memref<1x128x128xf32, #tpu.memory_space<vmem>>
        %dma_wait3A_343 = tpu.memref_squeeze %dma_wait3A_342 : memref<1x128x128xf32, #tpu.memory_space<vmem>> -> memref<128x128xf32, #tpu.memory_space<vmem>>
        %dma_wait3A_344 = arith.constant 0 : i32
        %dma_wait3A_345 = tpu.memref_slice %arg5[%run_scoped3A_228, %run_scoped3A_229, %run_scoped3A_230, %dma_wait3A_344] : memref<2x3x2x128xi32, #tpu.memory_space<vmem>> -> memref<1x1x1x128xi32, #tpu.memory_space<vmem>>
        %dma_wait3A_346 = tpu.memref_squeeze %dma_wait3A_345 : memref<1x1x1x128xi32, #tpu.memory_space<vmem>> -> memref<128xi32, #tpu.memory_space<vmem>>
        %dma_wait3A_347 = arith.constant 0 : i32
        %dma_wait3A_348 = arith.constant 0 : i32
        %dma_wait3A_349 = tpu.memref_slice %arg7[%dma_wait3A_347, %dma_wait3A_348] : memref<10040x128xf32, #tpu.memory_space<vmem_shared>> -> memref<10040x128xf32, #tpu.memory_space<vmem_shared>>
        tpu.wait_indirect_dma semaphore(%run_scoped3A_329 : memref<!tpu.dma_semaphore, #tpu.memory_space<semaphore_mem>>) src(%dma_wait3A_343 : memref<128x128xf32, #tpu.memory_space<vmem>>) dst(%dma_wait3A_349 : memref<10040x128xf32, #tpu.memory_space<vmem_shared>>)
        tpu.yield
      }) : () -> ()
      %dma_start3A_231 = arith.constant 1 : i32
      %dma_start3A_232 = arith.constant 2 : i32
      %dma_start3A_233 = arith.constant 0 : i32
      %dma_start3A_234 = arith.constant 2 : i32
      %dma_start3A_235 = arith.constant 0 : i32
      %dma_start3A_236 = arith.constant 0 : i32
      %dma_start3A_237 = tpu.memref_slice %arg6[%dma_start3A_234, %dma_start3A_235, %dma_start3A_236] : memref<3x128x128xf32, #tpu.memory_space<vmem>> -> memref<1x128x128xf32, #tpu.memory_space<vmem>>
      %dma_start3A_238 = tpu.memref_squeeze %dma_start3A_237 : memref<1x128x128xf32, #tpu.memory_space<vmem>> -> memref<128x128xf32, #tpu.memory_space<vmem>>
      %dma_start3A_239 = arith.constant 0 : i32
      %dma_start3A_240 = tpu.memref_slice %arg5[%dma_start3A_231, %dma_start3A_232, %dma_start3A_233, %dma_start3A_239] : memref<2x3x2x128xi32, #tpu.memory_space<vmem>> -> memref<1x1x1x128xi32, #tpu.memory_space<vmem>>
      %dma_start3A_241 = tpu.memref_squeeze %dma_start3A_240 : memref<1x1x1x128xi32, #tpu.memory_space<vmem>> -> memref<128xi32, #tpu.memory_space<vmem>>
      %dma_start3A_242 = arith.constant 0 : i32
      %dma_start3A_243 = arith.constant 0 : i32
      %dma_start3A_244 = tpu.memref_slice %arg2[%dma_start3A_242, %dma_start3A_243] : memref<10000x128xf32, #tpu.memory_space<hbm>> -> memref<10000x128xf32, #tpu.memory_space<hbm>>
      tpu.enqueue_indirect_dma source(%dma_start3A_244 : memref<10000x128xf32, #tpu.memory_space<hbm>>) target(%dma_start3A_238 : memref<128x128xf32, #tpu.memory_space<vmem>>) offsets(%dma_start3A_241 : memref<128xi32, #tpu.memory_space<vmem>>) semaphore(%arg13 : memref<!tpu.dma_semaphore, #tpu.memory_space<semaphore_mem>>)
      %lt3A_245 = arith.constant 13 : i32
      %lt3A_246 = arith.cmpi slt, %scan3A_132, %lt3A_245 : i32
      %convert_element_type3A_247 = arith.extui %lt3A_246 : i1 to i32
      %cond3A_248 = arith.constant 0 : i32
      %cond3A_249 = arith.cmpi ne, %convert_element_type3A_247, %cond3A_248 : i32
      scf.if %cond3A_249 {
        %mul3A_329 = arith.constant 2 : i32
        %mul3A_330 = arith.muli %mul3A_329, %scan3A_132 : i32
        %add3A_331 = arith.constant 2 : i32
        %add3A_332 = arith.addi %mul3A_330, %add3A_331 : i32
        %mul3A_333 = arith.constant 3 : i32
        %mul3A_334 = arith.muli %add3A_332, %mul3A_333 : i32
        %add3A_335 = arith.addi %mul3A_4, %mul3A_334 : i32
        %dma_start3A_336 = arith.constant 0 : i32
        %dma_start3A_337 = arith.constant 0 : i32
        %dma_start3A_338 = arith.constant 0 : i32
        %dma_start3A_339 = arith.constant 0 : i32
        %dma_start3A_340 = tpu.memref_slice %arg5[%dma_start3A_336, %dma_start3A_337, %dma_start3A_338, %dma_start3A_339] : memref<2x3x2x128xi32, #tpu.memory_space<vmem>> -> memref<1x3x2x128xi32, #tpu.memory_space<vmem>>
        %dma_start3A_341 = tpu.memref_squeeze %dma_start3A_340 : memref<1x3x2x128xi32, #tpu.memory_space<vmem>> -> memref<3x2x128xi32, #tpu.memory_space<vmem>>
        %dma_start3A_342 = arith.constant 0 : i32
        %dma_start3A_343 = arith.constant 0 : i32
        %dma_start3A_344 = tpu.memref_slice %arg3[%add3A_335, %dma_start3A_342, %dma_start3A_343] : memref<2688x2x128xi32, #tpu.memory_space<hbm>> -> memref<3x2x128xi32, #tpu.memory_space<hbm>>
        %dma_start3A_345 = arith.constant 0 : i32
        %dma_start3A_346 = arith.constant 0 : i32
        %dma_start3A_347 = arith.constant 0 : i32
        %dma_start3A_348 = tpu.memref_slice %arg5[%dma_start3A_336, %dma_start3A_345, %dma_start3A_346, %dma_start3A_347] : memref<2x3x2x128xi32, #tpu.memory_space<vmem>> -> memref<1x3x2x128xi32, #tpu.memory_space<vmem>>
        %dma_start3A_349 = tpu.memref_squeeze %dma_start3A_348 : memref<1x3x2x128xi32, #tpu.memory_space<vmem>> -> memref<3x2x128xi32, #tpu.memory_space<vmem>>
        %dma_start3A_350 = arith.constant 0 : i32
        %dma_start3A_351 = arith.constant 0 : i32
        %dma_start3A_352 = tpu.memref_slice %arg3[%add3A_335, %dma_start3A_350, %dma_start3A_351] : memref<2688x2x128xi32, #tpu.memory_space<hbm>> -> memref<3x2x128xi32, #tpu.memory_space<hbm>>
        tpu.enqueue_dma source(%dma_start3A_352 : memref<3x2x128xi32, #tpu.memory_space<hbm>>) target(%dma_start3A_349 : memref<3x2x128xi32, #tpu.memory_space<vmem>>) target_semaphore(%arg9 : memref<!tpu.dma_semaphore, #tpu.memory_space<semaphore_mem>>)
      } else {
      }
      %dma_wait3A_250 = arith.constant 0 : i32
      %dma_wait3A_251 = arith.constant 0 : i32
      %dma_wait3A_252 = arith.constant 0 : i32
      %dma_wait3A_253 = arith.constant 0 : i32
      %dma_wait3A_254 = arith.constant 0 : i32
      %dma_wait3A_255 = arith.constant 0 : i32
      %dma_wait3A_256 = tpu.memref_slice %arg6[%dma_wait3A_253, %dma_wait3A_254, %dma_wait3A_255] : memref<3x128x128xf32, #tpu.memory_space<vmem>> -> memref<1x128x128xf32, #tpu.memory_space<vmem>>
      %dma_wait3A_257 = tpu.memref_squeeze %dma_wait3A_256 : memref<1x128x128xf32, #tpu.memory_space<vmem>> -> memref<128x128xf32, #tpu.memory_space<vmem>>
      %dma_wait3A_258 = arith.constant 0 : i32
      %dma_wait3A_259 = tpu.memref_slice %arg5[%dma_wait3A_250, %dma_wait3A_251, %dma_wait3A_252, %dma_wait3A_258] : memref<2x3x2x128xi32, #tpu.memory_space<vmem>> -> memref<1x1x1x128xi32, #tpu.memory_space<vmem>>
      %dma_wait3A_260 = tpu.memref_squeeze %dma_wait3A_259 : memref<1x1x1x128xi32, #tpu.memory_space<vmem>> -> memref<128xi32, #tpu.memory_space<vmem>>
      %dma_wait3A_261 = arith.constant 0 : i32
      %dma_wait3A_262 = arith.constant 0 : i32
      %dma_wait3A_263 = tpu.memref_slice %arg2[%dma_wait3A_261, %dma_wait3A_262] : memref<10000x128xf32, #tpu.memory_space<hbm>> -> memref<10000x128xf32, #tpu.memory_space<hbm>>
      tpu.wait_indirect_dma semaphore(%arg11 : memref<!tpu.dma_semaphore, #tpu.memory_space<semaphore_mem>>) src(%dma_wait3A_263 : memref<10000x128xf32, #tpu.memory_space<hbm>>) dst(%dma_wait3A_257 : memref<128x128xf32, #tpu.memory_space<vmem>>)
      %run_scoped3A_264 = arith.constant 0 : i32
      %run_scoped3A_265 = arith.constant 1 : i32
      %run_scoped3A_266 = arith.constant 0 : i32
      %run_scoped3A_267 = arith.constant 1 : i32
      "tpu.region"() ({
        %run_scoped3A_329 = tpu.sem_alloc : memref<!tpu.dma_semaphore, #tpu.memory_space<semaphore_mem>>
        %dma_start3A_330 = arith.constant 0 : i32
        %dma_start3A_331 = arith.constant 0 : i32
        %dma_start3A_332 = tpu.memref_slice %arg6[%run_scoped3A_264, %dma_start3A_330, %dma_start3A_331] : memref<3x128x128xf32, #tpu.memory_space<vmem>> -> memref<1x128x128xf32, #tpu.memory_space<vmem>>
        %dma_start3A_333 = tpu.memref_squeeze %dma_start3A_332 : memref<1x128x128xf32, #tpu.memory_space<vmem>> -> memref<128x128xf32, #tpu.memory_space<vmem>>
        %dma_start3A_334 = arith.constant 0 : i32
        %dma_start3A_335 = tpu.memref_slice %arg5[%run_scoped3A_265, %run_scoped3A_266, %run_scoped3A_267, %dma_start3A_334] : memref<2x3x2x128xi32, #tpu.memory_space<vmem>> -> memref<1x1x1x128xi32, #tpu.memory_space<vmem>>
        %dma_start3A_336 = tpu.memref_squeeze %dma_start3A_335 : memref<1x1x1x128xi32, #tpu.memory_space<vmem>> -> memref<128xi32, #tpu.memory_space<vmem>>
        %dma_start3A_337 = arith.constant 0 : i32
        %dma_start3A_338 = arith.constant 0 : i32
        %dma_start3A_339 = tpu.memref_slice %arg7[%dma_start3A_337, %dma_start3A_338] : memref<10040x128xf32, #tpu.memory_space<vmem_shared>> -> memref<10040x128xf32, #tpu.memory_space<vmem_shared>>
        tpu.enqueue_indirect_dma source(%dma_start3A_333 : memref<128x128xf32, #tpu.memory_space<vmem>>) target(%dma_start3A_339 : memref<10040x128xf32, #tpu.memory_space<vmem_shared>>) offsets(%dma_start3A_336 : memref<128xi32, #tpu.memory_space<vmem>>) semaphore(%run_scoped3A_329 : memref<!tpu.dma_semaphore, #tpu.memory_space<semaphore_mem>>) {add = true}
        %dma_wait3A_340 = arith.constant 0 : i32
        %dma_wait3A_341 = arith.constant 0 : i32
        %dma_wait3A_342 = tpu.memref_slice %arg6[%run_scoped3A_264, %dma_wait3A_340, %dma_wait3A_341] : memref<3x128x128xf32, #tpu.memory_space<vmem>> -> memref<1x128x128xf32, #tpu.memory_space<vmem>>
        %dma_wait3A_343 = tpu.memref_squeeze %dma_wait3A_342 : memref<1x128x128xf32, #tpu.memory_space<vmem>> -> memref<128x128xf32, #tpu.memory_space<vmem>>
        %dma_wait3A_344 = arith.constant 0 : i32
        %dma_wait3A_345 = tpu.memref_slice %arg5[%run_scoped3A_265, %run_scoped3A_266, %run_scoped3A_267, %dma_wait3A_344] : memref<2x3x2x128xi32, #tpu.memory_space<vmem>> -> memref<1x1x1x128xi32, #tpu.memory_space<vmem>>
        %dma_wait3A_346 = tpu.memref_squeeze %dma_wait3A_345 : memref<1x1x1x128xi32, #tpu.memory_space<vmem>> -> memref<128xi32, #tpu.memory_space<vmem>>
        %dma_wait3A_347 = arith.constant 0 : i32
        %dma_wait3A_348 = arith.constant 0 : i32
        %dma_wait3A_349 = tpu.memref_slice %arg7[%dma_wait3A_347, %dma_wait3A_348] : memref<10040x128xf32, #tpu.memory_space<vmem_shared>> -> memref<10040x128xf32, #tpu.memory_space<vmem_shared>>
        tpu.wait_indirect_dma semaphore(%run_scoped3A_329 : memref<!tpu.dma_semaphore, #tpu.memory_space<semaphore_mem>>) src(%dma_wait3A_343 : memref<128x128xf32, #tpu.memory_space<vmem>>) dst(%dma_wait3A_349 : memref<10040x128xf32, #tpu.memory_space<vmem_shared>>)
        tpu.yield
      }) : () -> ()
      %lt3A_268 = arith.constant 13 : i32
      %lt3A_269 = arith.cmpi slt, %scan3A_132, %lt3A_268 : i32
      %convert_element_type3A_270 = arith.extui %lt3A_269 : i1 to i32
      %cond3A_271 = arith.constant 0 : i32
      %cond3A_272 = arith.cmpi ne, %convert_element_type3A_270, %cond3A_271 : i32
      scf.if %cond3A_272 {
        %dma_wait3A_329 = arith.constant 0 : i32
        %dma_wait3A_330 = arith.constant 0 : i32
        %dma_wait3A_331 = arith.constant 0 : i32
        %dma_wait3A_332 = arith.constant 0 : i32
        %dma_wait3A_333 = tpu.memref_slice %arg5[%dma_wait3A_329, %dma_wait3A_330, %dma_wait3A_331, %dma_wait3A_332] : memref<2x3x2x128xi32, #tpu.memory_space<vmem>> -> memref<1x3x2x128xi32, #tpu.memory_space<vmem>>
        %dma_wait3A_334 = tpu.memref_squeeze %dma_wait3A_333 : memref<1x3x2x128xi32, #tpu.memory_space<vmem>> -> memref<3x2x128xi32, #tpu.memory_space<vmem>>
        %dma_wait3A_335 = arith.constant 0 : i32
        %dma_wait3A_336 = arith.constant 0 : i32
        %dma_wait3A_337 = tpu.memref_slice %arg3[%mul3A_4, %dma_wait3A_335, %dma_wait3A_336] : memref<2688x2x128xi32, #tpu.memory_space<hbm>> -> memref<3x2x128xi32, #tpu.memory_space<hbm>>
        %dma_wait3A_338 = arith.constant 0 : i32
        %dma_wait3A_339 = arith.constant 0 : i32
        %dma_wait3A_340 = arith.constant 0 : i32
        %dma_wait3A_341 = tpu.memref_slice %arg5[%dma_wait3A_329, %dma_wait3A_338, %dma_wait3A_339, %dma_wait3A_340] : memref<2x3x2x128xi32, #tpu.memory_space<vmem>> -> memref<1x3x2x128xi32, #tpu.memory_space<vmem>>
        %dma_wait3A_342 = tpu.memref_squeeze %dma_wait3A_341 : memref<1x3x2x128xi32, #tpu.memory_space<vmem>> -> memref<3x2x128xi32, #tpu.memory_space<vmem>>
        %dma_wait3A_343 = arith.constant 0 : i32
        %dma_wait3A_344 = arith.constant 0 : i32
        %dma_wait3A_345 = tpu.memref_slice %arg3[%mul3A_4, %dma_wait3A_343, %dma_wait3A_344] : memref<2688x2x128xi32, #tpu.memory_space<hbm>> -> memref<3x2x128xi32, #tpu.memory_space<hbm>>
        tpu.wait_dma2 semaphore(%arg9 : memref<!tpu.dma_semaphore, #tpu.memory_space<semaphore_mem>>) src(%dma_wait3A_345 : memref<3x2x128xi32, #tpu.memory_space<hbm>>) dst(%dma_wait3A_342 : memref<3x2x128xi32, #tpu.memory_space<vmem>>)
      } else {
      }
      %lt3A_273 = arith.constant 13 : i32
      %lt3A_274 = arith.cmpi slt, %scan3A_132, %lt3A_273 : i32
      %convert_element_type3A_275 = arith.extui %lt3A_274 : i1 to i32
      %cond3A_276 = arith.constant 0 : i32
      %cond3A_277 = arith.cmpi ne, %convert_element_type3A_275, %cond3A_276 : i32
      scf.if %cond3A_277 {
        %dma_start3A_329 = arith.constant 0 : i32
        %dma_start3A_330 = arith.constant 0 : i32
        %dma_start3A_331 = arith.constant 0 : i32
        %dma_start3A_332 = arith.constant 0 : i32
        %dma_start3A_333 = arith.constant 0 : i32
        %dma_start3A_334 = arith.constant 0 : i32
        %dma_start3A_335 = tpu.memref_slice %arg6[%dma_start3A_332, %dma_start3A_333, %dma_start3A_334] : memref<3x128x128xf32, #tpu.memory_space<vmem>> -> memref<1x128x128xf32, #tpu.memory_space<vmem>>
        %dma_start3A_336 = tpu.memref_squeeze %dma_start3A_335 : memref<1x128x128xf32, #tpu.memory_space<vmem>> -> memref<128x128xf32, #tpu.memory_space<vmem>>
        %dma_start3A_337 = arith.constant 0 : i32
        %dma_start3A_338 = tpu.memref_slice %arg5[%dma_start3A_329, %dma_start3A_330, %dma_start3A_331, %dma_start3A_337] : memref<2x3x2x128xi32, #tpu.memory_space<vmem>> -> memref<1x1x1x128xi32, #tpu.memory_space<vmem>>
        %dma_start3A_339 = tpu.memref_squeeze %dma_start3A_338 : memref<1x1x1x128xi32, #tpu.memory_space<vmem>> -> memref<128xi32, #tpu.memory_space<vmem>>
        %dma_start3A_340 = arith.constant 0 : i32
        %dma_start3A_341 = arith.constant 0 : i32
        %dma_start3A_342 = tpu.memref_slice %arg2[%dma_start3A_340, %dma_start3A_341] : memref<10000x128xf32, #tpu.memory_space<hbm>> -> memref<10000x128xf32, #tpu.memory_space<hbm>>
        tpu.enqueue_indirect_dma source(%dma_start3A_342 : memref<10000x128xf32, #tpu.memory_space<hbm>>) target(%dma_start3A_336 : memref<128x128xf32, #tpu.memory_space<vmem>>) offsets(%dma_start3A_339 : memref<128xi32, #tpu.memory_space<vmem>>) semaphore(%arg11 : memref<!tpu.dma_semaphore, #tpu.memory_space<semaphore_mem>>)
      } else {
      }
      %dma_wait3A_278 = arith.constant 0 : i32
      %dma_wait3A_279 = arith.constant 0 : i32
      %dma_wait3A_280 = arith.constant 0 : i32
      %dma_wait3A_281 = arith.constant 1 : i32
      %dma_wait3A_282 = arith.constant 0 : i32
      %dma_wait3A_283 = arith.constant 0 : i32
      %dma_wait3A_284 = tpu.memref_slice %arg6[%dma_wait3A_281, %dma_wait3A_282, %dma_wait3A_283] : memref<3x128x128xf32, #tpu.memory_space<vmem>> -> memref<1x128x128xf32, #tpu.memory_space<vmem>>
      %dma_wait3A_285 = tpu.memref_squeeze %dma_wait3A_284 : memref<1x128x128xf32, #tpu.memory_space<vmem>> -> memref<128x128xf32, #tpu.memory_space<vmem>>
      %dma_wait3A_286 = arith.constant 0 : i32
      %dma_wait3A_287 = tpu.memref_slice %arg5[%dma_wait3A_278, %dma_wait3A_279, %dma_wait3A_280, %dma_wait3A_286] : memref<2x3x2x128xi32, #tpu.memory_space<vmem>> -> memref<1x1x1x128xi32, #tpu.memory_space<vmem>>
      %dma_wait3A_288 = tpu.memref_squeeze %dma_wait3A_287 : memref<1x1x1x128xi32, #tpu.memory_space<vmem>> -> memref<128xi32, #tpu.memory_space<vmem>>
      %dma_wait3A_289 = arith.constant 0 : i32
      %dma_wait3A_290 = arith.constant 0 : i32
      %dma_wait3A_291 = tpu.memref_slice %arg2[%dma_wait3A_289, %dma_wait3A_290] : memref<10000x128xf32, #tpu.memory_space<hbm>> -> memref<10000x128xf32, #tpu.memory_space<hbm>>
      tpu.wait_indirect_dma semaphore(%arg12 : memref<!tpu.dma_semaphore, #tpu.memory_space<semaphore_mem>>) src(%dma_wait3A_291 : memref<10000x128xf32, #tpu.memory_space<hbm>>) dst(%dma_wait3A_285 : memref<128x128xf32, #tpu.memory_space<vmem>>)
      %run_scoped3A_292 = arith.constant 1 : i32
      %run_scoped3A_293 = arith.constant 1 : i32
      %run_scoped3A_294 = arith.constant 1 : i32
      %run_scoped3A_295 = arith.constant 1 : i32
      "tpu.region"() ({
        %run_scoped3A_329 = tpu.sem_alloc : memref<!tpu.dma_semaphore, #tpu.memory_space<semaphore_mem>>
        %dma_start3A_330 = arith.constant 0 : i32
        %dma_start3A_331 = arith.constant 0 : i32
        %dma_start3A_332 = tpu.memref_slice %arg6[%run_scoped3A_292, %dma_start3A_330, %dma_start3A_331] : memref<3x128x128xf32, #tpu.memory_space<vmem>> -> memref<1x128x128xf32, #tpu.memory_space<vmem>>
        %dma_start3A_333 = tpu.memref_squeeze %dma_start3A_332 : memref<1x128x128xf32, #tpu.memory_space<vmem>> -> memref<128x128xf32, #tpu.memory_space<vmem>>
        %dma_start3A_334 = arith.constant 0 : i32
        %dma_start3A_335 = tpu.memref_slice %arg5[%run_scoped3A_293, %run_scoped3A_294, %run_scoped3A_295, %dma_start3A_334] : memref<2x3x2x128xi32, #tpu.memory_space<vmem>> -> memref<1x1x1x128xi32, #tpu.memory_space<vmem>>
        %dma_start3A_336 = tpu.memref_squeeze %dma_start3A_335 : memref<1x1x1x128xi32, #tpu.memory_space<vmem>> -> memref<128xi32, #tpu.memory_space<vmem>>
        %dma_start3A_337 = arith.constant 0 : i32
        %dma_start3A_338 = arith.constant 0 : i32
        %dma_start3A_339 = tpu.memref_slice %arg7[%dma_start3A_337, %dma_start3A_338] : memref<10040x128xf32, #tpu.memory_space<vmem_shared>> -> memref<10040x128xf32, #tpu.memory_space<vmem_shared>>
        tpu.enqueue_indirect_dma source(%dma_start3A_333 : memref<128x128xf32, #tpu.memory_space<vmem>>) target(%dma_start3A_339 : memref<10040x128xf32, #tpu.memory_space<vmem_shared>>) offsets(%dma_start3A_336 : memref<128xi32, #tpu.memory_space<vmem>>) semaphore(%run_scoped3A_329 : memref<!tpu.dma_semaphore, #tpu.memory_space<semaphore_mem>>) {add = true}
        %dma_wait3A_340 = arith.constant 0 : i32
        %dma_wait3A_341 = arith.constant 0 : i32
        %dma_wait3A_342 = tpu.memref_slice %arg6[%run_scoped3A_292, %dma_wait3A_340, %dma_wait3A_341] : memref<3x128x128xf32, #tpu.memory_space<vmem>> -> memref<1x128x128xf32, #tpu.memory_space<vmem>>
        %dma_wait3A_343 = tpu.memref_squeeze %dma_wait3A_342 : memref<1x128x128xf32, #tpu.memory_space<vmem>> -> memref<128x128xf32, #tpu.memory_space<vmem>>
        %dma_wait3A_344 = arith.constant 0 : i32
        %dma_wait3A_345 = tpu.memref_slice %arg5[%run_scoped3A_293, %run_scoped3A_294, %run_scoped3A_295, %dma_wait3A_344] : memref<2x3x2x128xi32, #tpu.memory_space<vmem>> -> memref<1x1x1x128xi32, #tpu.memory_space<vmem>>
        %dma_wait3A_346 = tpu.memref_squeeze %dma_wait3A_345 : memref<1x1x1x128xi32, #tpu.memory_space<vmem>> -> memref<128xi32, #tpu.memory_space<vmem>>
        %dma_wait3A_347 = arith.constant 0 : i32
        %dma_wait3A_348 = arith.constant 0 : i32
        %dma_wait3A_349 = tpu.memref_slice %arg7[%dma_wait3A_347, %dma_wait3A_348] : memref<10040x128xf32, #tpu.memory_space<vmem_shared>> -> memref<10040x128xf32, #tpu.memory_space<vmem_shared>>
        tpu.wait_indirect_dma semaphore(%run_scoped3A_329 : memref<!tpu.dma_semaphore, #tpu.memory_space<semaphore_mem>>) src(%dma_wait3A_343 : memref<128x128xf32, #tpu.memory_space<vmem>>) dst(%dma_wait3A_349 : memref<10040x128xf32, #tpu.memory_space<vmem_shared>>)
        tpu.yield
      }) : () -> ()
      %lt3A_296 = arith.constant 13 : i32
      %lt3A_297 = arith.cmpi slt, %scan3A_132, %lt3A_296 : i32
      %convert_element_type3A_298 = arith.extui %lt3A_297 : i1 to i32
      %cond3A_299 = arith.constant 0 : i32
      %cond3A_300 = arith.cmpi ne, %convert_element_type3A_298, %cond3A_299 : i32
      scf.if %cond3A_300 {
        %dma_start3A_329 = arith.constant 0 : i32
        %dma_start3A_330 = arith.constant 1 : i32
        %dma_start3A_331 = arith.constant 0 : i32
        %dma_start3A_332 = arith.constant 1 : i32
        %dma_start3A_333 = arith.constant 0 : i32
        %dma_start3A_334 = arith.constant 0 : i32
        %dma_start3A_335 = tpu.memref_slice %arg6[%dma_start3A_332, %dma_start3A_333, %dma_start3A_334] : memref<3x128x128xf32, #tpu.memory_space<vmem>> -> memref<1x128x128xf32, #tpu.memory_space<vmem>>
        %dma_start3A_336 = tpu.memref_squeeze %dma_start3A_335 : memref<1x128x128xf32, #tpu.memory_space<vmem>> -> memref<128x128xf32, #tpu.memory_space<vmem>>
        %dma_start3A_337 = arith.constant 0 : i32
        %dma_start3A_338 = tpu.memref_slice %arg5[%dma_start3A_329, %dma_start3A_330, %dma_start3A_331, %dma_start3A_337] : memref<2x3x2x128xi32, #tpu.memory_space<vmem>> -> memref<1x1x1x128xi32, #tpu.memory_space<vmem>>
        %dma_start3A_339 = tpu.memref_squeeze %dma_start3A_338 : memref<1x1x1x128xi32, #tpu.memory_space<vmem>> -> memref<128xi32, #tpu.memory_space<vmem>>
        %dma_start3A_340 = arith.constant 0 : i32
        %dma_start3A_341 = arith.constant 0 : i32
        %dma_start3A_342 = tpu.memref_slice %arg2[%dma_start3A_340, %dma_start3A_341] : memref<10000x128xf32, #tpu.memory_space<hbm>> -> memref<10000x128xf32, #tpu.memory_space<hbm>>
        tpu.enqueue_indirect_dma source(%dma_start3A_342 : memref<10000x128xf32, #tpu.memory_space<hbm>>) target(%dma_start3A_336 : memref<128x128xf32, #tpu.memory_space<vmem>>) offsets(%dma_start3A_339 : memref<128xi32, #tpu.memory_space<vmem>>) semaphore(%arg12 : memref<!tpu.dma_semaphore, #tpu.memory_space<semaphore_mem>>)
      } else {
      }
      %dma_wait3A_301 = arith.constant 0 : i32
      %dma_wait3A_302 = arith.constant 0 : i32
      %dma_wait3A_303 = arith.constant 0 : i32
      %dma_wait3A_304 = arith.constant 2 : i32
      %dma_wait3A_305 = arith.constant 0 : i32
      %dma_wait3A_306 = arith.constant 0 : i32
      %dma_wait3A_307 = tpu.memref_slice %arg6[%dma_wait3A_304, %dma_wait3A_305, %dma_wait3A_306] : memref<3x128x128xf32, #tpu.memory_space<vmem>> -> memref<1x128x128xf32, #tpu.memory_space<vmem>>
      %dma_wait3A_308 = tpu.memref_squeeze %dma_wait3A_307 : memref<1x128x128xf32, #tpu.memory_space<vmem>> -> memref<128x128xf32, #tpu.memory_space<vmem>>
      %dma_wait3A_309 = arith.constant 0 : i32
      %dma_wait3A_310 = tpu.memref_slice %arg5[%dma_wait3A_301, %dma_wait3A_302, %dma_wait3A_303, %dma_wait3A_309] : memref<2x3x2x128xi32, #tpu.memory_space<vmem>> -> memref<1x1x1x128xi32, #tpu.memory_space<vmem>>
      %dma_wait3A_311 = tpu.memref_squeeze %dma_wait3A_310 : memref<1x1x1x128xi32, #tpu.memory_space<vmem>> -> memref<128xi32, #tpu.memory_space<vmem>>
      %dma_wait3A_312 = arith.constant 0 : i32
      %dma_wait3A_313 = arith.constant 0 : i32
      %dma_wait3A_314 = tpu.memref_slice %arg2[%dma_wait3A_312, %dma_wait3A_313] : memref<10000x128xf32, #tpu.memory_space<hbm>> -> memref<10000x128xf32, #tpu.memory_space<hbm>>
      tpu.wait_indirect_dma semaphore(%arg13 : memref<!tpu.dma_semaphore, #tpu.memory_space<semaphore_mem>>) src(%dma_wait3A_314 : memref<10000x128xf32, #tpu.memory_space<hbm>>) dst(%dma_wait3A_308 : memref<128x128xf32, #tpu.memory_space<vmem>>)
      %run_scoped3A_315 = arith.constant 2 : i32
      %run_scoped3A_316 = arith.constant 1 : i32
      %run_scoped3A_317 = arith.constant 2 : i32
      %run_scoped3A_318 = arith.constant 1 : i32
      "tpu.region"() ({
        %run_scoped3A_329 = tpu.sem_alloc : memref<!tpu.dma_semaphore, #tpu.memory_space<semaphore_mem>>
        %dma_start3A_330 = arith.constant 0 : i32
        %dma_start3A_331 = arith.constant 0 : i32
        %dma_start3A_332 = tpu.memref_slice %arg6[%run_scoped3A_315, %dma_start3A_330, %dma_start3A_331] : memref<3x128x128xf32, #tpu.memory_space<vmem>> -> memref<1x128x128xf32, #tpu.memory_space<vmem>>
        %dma_start3A_333 = tpu.memref_squeeze %dma_start3A_332 : memref<1x128x128xf32, #tpu.memory_space<vmem>> -> memref<128x128xf32, #tpu.memory_space<vmem>>
        %dma_start3A_334 = arith.constant 0 : i32
        %dma_start3A_335 = tpu.memref_slice %arg5[%run_scoped3A_316, %run_scoped3A_317, %run_scoped3A_318, %dma_start3A_334] : memref<2x3x2x128xi32, #tpu.memory_space<vmem>> -> memref<1x1x1x128xi32, #tpu.memory_space<vmem>>
        %dma_start3A_336 = tpu.memref_squeeze %dma_start3A_335 : memref<1x1x1x128xi32, #tpu.memory_space<vmem>> -> memref<128xi32, #tpu.memory_space<vmem>>
        %dma_start3A_337 = arith.constant 0 : i32
        %dma_start3A_338 = arith.constant 0 : i32
        %dma_start3A_339 = tpu.memref_slice %arg7[%dma_start3A_337, %dma_start3A_338] : memref<10040x128xf32, #tpu.memory_space<vmem_shared>> -> memref<10040x128xf32, #tpu.memory_space<vmem_shared>>
        tpu.enqueue_indirect_dma source(%dma_start3A_333 : memref<128x128xf32, #tpu.memory_space<vmem>>) target(%dma_start3A_339 : memref<10040x128xf32, #tpu.memory_space<vmem_shared>>) offsets(%dma_start3A_336 : memref<128xi32, #tpu.memory_space<vmem>>) semaphore(%run_scoped3A_329 : memref<!tpu.dma_semaphore, #tpu.memory_space<semaphore_mem>>) {add = true}
        %dma_wait3A_340 = arith.constant 0 : i32
        %dma_wait3A_341 = arith.constant 0 : i32
        %dma_wait3A_342 = tpu.memref_slice %arg6[%run_scoped3A_315, %dma_wait3A_340, %dma_wait3A_341] : memref<3x128x128xf32, #tpu.memory_space<vmem>> -> memref<1x128x128xf32, #tpu.memory_space<vmem>>
        %dma_wait3A_343 = tpu.memref_squeeze %dma_wait3A_342 : memref<1x128x128xf32, #tpu.memory_space<vmem>> -> memref<128x128xf32, #tpu.memory_space<vmem>>
        %dma_wait3A_344 = arith.constant 0 : i32
        %dma_wait3A_345 = tpu.memref_slice %arg5[%run_scoped3A_316, %run_scoped3A_317, %run_scoped3A_318, %dma_wait3A_344] : memref<2x3x2x128xi32, #tpu.memory_space<vmem>> -> memref<1x1x1x128xi32, #tpu.memory_space<vmem>>
        %dma_wait3A_346 = tpu.memref_squeeze %dma_wait3A_345 : memref<1x1x1x128xi32, #tpu.memory_space<vmem>> -> memref<128xi32, #tpu.memory_space<vmem>>
        %dma_wait3A_347 = arith.constant 0 : i32
        %dma_wait3A_348 = arith.constant 0 : i32
        %dma_wait3A_349 = tpu.memref_slice %arg7[%dma_wait3A_347, %dma_wait3A_348] : memref<10040x128xf32, #tpu.memory_space<vmem_shared>> -> memref<10040x128xf32, #tpu.memory_space<vmem_shared>>
        tpu.wait_indirect_dma semaphore(%run_scoped3A_329 : memref<!tpu.dma_semaphore, #tpu.memory_space<semaphore_mem>>) src(%dma_wait3A_343 : memref<128x128xf32, #tpu.memory_space<vmem>>) dst(%dma_wait3A_349 : memref<10040x128xf32, #tpu.memory_space<vmem_shared>>)
        tpu.yield
      }) : () -> ()
      %lt3A_319 = arith.constant 13 : i32
      %lt3A_320 = arith.cmpi slt, %scan3A_132, %lt3A_319 : i32
      %convert_element_type3A_321 = arith.extui %lt3A_320 : i1 to i32
      %cond3A_322 = arith.constant 0 : i32
      %cond3A_323 = arith.cmpi ne, %convert_element_type3A_321, %cond3A_322 : i32
      scf.if %cond3A_323 {
        %dma_start3A_329 = arith.constant 0 : i32
        %dma_start3A_330 = arith.constant 2 : i32
        %dma_start3A_331 = arith.constant 0 : i32
        %dma_start3A_332 = arith.constant 2 : i32
        %dma_start3A_333 = arith.constant 0 : i32
        %dma_start3A_334 = arith.constant 0 : i32
        %dma_start3A_335 = tpu.memref_slice %arg6[%dma_start3A_332, %dma_start3A_333, %dma_start3A_334] : memref<3x128x128xf32, #tpu.memory_space<vmem>> -> memref<1x128x128xf32, #tpu.memory_space<vmem>>
        %dma_start3A_336 = tpu.memref_squeeze %dma_start3A_335 : memref<1x128x128xf32, #tpu.memory_space<vmem>> -> memref<128x128xf32, #tpu.memory_space<vmem>>
        %dma_start3A_337 = arith.constant 0 : i32
        %dma_start3A_338 = tpu.memref_slice %arg5[%dma_start3A_329, %dma_start3A_330, %dma_start3A_331, %dma_start3A_337] : memref<2x3x2x128xi32, #tpu.memory_space<vmem>> -> memref<1x1x1x128xi32, #tpu.memory_space<vmem>>
        %dma_start3A_339 = tpu.memref_squeeze %dma_start3A_338 : memref<1x1x1x128xi32, #tpu.memory_space<vmem>> -> memref<128xi32, #tpu.memory_space<vmem>>
        %dma_start3A_340 = arith.constant 0 : i32
        %dma_start3A_341 = arith.constant 0 : i32
        %dma_start3A_342 = tpu.memref_slice %arg2[%dma_start3A_340, %dma_start3A_341] : memref<10000x128xf32, #tpu.memory_space<hbm>> -> memref<10000x128xf32, #tpu.memory_space<hbm>>
        tpu.enqueue_indirect_dma source(%dma_start3A_342 : memref<10000x128xf32, #tpu.memory_space<hbm>>) target(%dma_start3A_336 : memref<128x128xf32, #tpu.memory_space<vmem>>) offsets(%dma_start3A_339 : memref<128xi32, #tpu.memory_space<vmem>>) semaphore(%arg13 : memref<!tpu.dma_semaphore, #tpu.memory_space<semaphore_mem>>)
      } else {
      }
      %lt3A_324 = arith.constant 13 : i32
      %lt3A_325 = arith.cmpi slt, %scan3A_132, %lt3A_324 : i32
      %convert_element_type3A_326 = arith.extui %lt3A_325 : i1 to i32
      %cond3A_327 = arith.constant 0 : i32
      %cond3A_328 = arith.cmpi ne, %convert_element_type3A_326, %cond3A_327 : i32
      scf.if %cond3A_328 {
        %mul3A_329 = arith.constant 2 : i32
        %mul3A_330 = arith.muli %mul3A_329, %scan3A_132 : i32
        %add3A_331 = arith.constant 3 : i32
        %add3A_332 = arith.addi %mul3A_330, %add3A_331 : i32
        %mul3A_333 = arith.constant 3 : i32
        %mul3A_334 = arith.muli %add3A_332, %mul3A_333 : i32
        %add3A_335 = arith.addi %mul3A_4, %mul3A_334 : i32
        %dma_start3A_336 = arith.constant 1 : i32
        %dma_start3A_337 = arith.constant 0 : i32
        %dma_start3A_338 = arith.constant 0 : i32
        %dma_start3A_339 = arith.constant 0 : i32
        %dma_start3A_340 = tpu.memref_slice %arg5[%dma_start3A_336, %dma_start3A_337, %dma_start3A_338, %dma_start3A_339] : memref<2x3x2x128xi32, #tpu.memory_space<vmem>> -> memref<1x3x2x128xi32, #tpu.memory_space<vmem>>
        %dma_start3A_341 = tpu.memref_squeeze %dma_start3A_340 : memref<1x3x2x128xi32, #tpu.memory_space<vmem>> -> memref<3x2x128xi32, #tpu.memory_space<vmem>>
        %dma_start3A_342 = arith.constant 0 : i32
        %dma_start3A_343 = arith.constant 0 : i32
        %dma_start3A_344 = tpu.memref_slice %arg3[%add3A_335, %dma_start3A_342, %dma_start3A_343] : memref<2688x2x128xi32, #tpu.memory_space<hbm>> -> memref<3x2x128xi32, #tpu.memory_space<hbm>>
        %dma_start3A_345 = arith.constant 0 : i32
        %dma_start3A_346 = arith.constant 0 : i32
        %dma_start3A_347 = arith.constant 0 : i32
        %dma_start3A_348 = tpu.memref_slice %arg5[%dma_start3A_336, %dma_start3A_345, %dma_start3A_346, %dma_start3A_347] : memref<2x3x2x128xi32, #tpu.memory_space<vmem>> -> memref<1x3x2x128xi32, #tpu.memory_space<vmem>>
        %dma_start3A_349 = tpu.memref_squeeze %dma_start3A_348 : memref<1x3x2x128xi32, #tpu.memory_space<vmem>> -> memref<3x2x128xi32, #tpu.memory_space<vmem>>
        %dma_start3A_350 = arith.constant 0 : i32
        %dma_start3A_351 = arith.constant 0 : i32
        %dma_start3A_352 = tpu.memref_slice %arg3[%add3A_335, %dma_start3A_350, %dma_start3A_351] : memref<2688x2x128xi32, #tpu.memory_space<hbm>> -> memref<3x2x128xi32, #tpu.memory_space<hbm>>
        tpu.enqueue_dma source(%dma_start3A_352 : memref<3x2x128xi32, #tpu.memory_space<hbm>>) target(%dma_start3A_349 : memref<3x2x128xi32, #tpu.memory_space<vmem>>) target_semaphore(%arg10 : memref<!tpu.dma_semaphore, #tpu.memory_space<semaphore_mem>>)
      } else {
      }
    }
    %scan3A_120 = arith.constant 14 : i32
    %barrier3A_121 = arith.constant 0 : index
    tpu.barrier barrier_id(%barrier3A_121)
    %lt3A_122 = arith.constant 15 : i32
    %lt3A_123 = arith.cmpi slt, %arg1, %lt3A_122 : i32
    %convert_element_type3A_124 = arith.extui %lt3A_123 : i1 to i32
    %cond3A_125 = arith.constant 0 : i32
    %cond3A_126 = arith.cmpi ne, %convert_element_type3A_124, %cond3A_125 : i32
    scf.if %cond3A_126 {
      "tpu.region"() ({
        %run_scoped3A = tpu.sem_alloc : memref<!tpu.dma_semaphore, #tpu.memory_space<semaphore_mem>>
        %dma_start3A_132 = arith.constant 0 : i32
        %dma_start3A_133 = tpu.memref_slice %arg4[%arg0, %mul3A_2, %dma_start3A_132] : memref<2x10000x128xf32, #tpu.memory_space<hbm>> -> memref<1x640x128xf32, #tpu.memory_space<hbm>>
        %dma_start3A_134 = tpu.memref_squeeze %dma_start3A_133 : memref<1x640x128xf32, #tpu.memory_space<hbm>> -> memref<640x128xf32, #tpu.memory_space<hbm>>
        %dma_start3A_135 = arith.constant 0 : i32
        %dma_start3A_136 = tpu.memref_slice %arg7[%mul3A_2, %dma_start3A_135] : memref<10040x128xf32, #tpu.memory_space<vmem_shared>> -> memref<640x128xf32, #tpu.memory_space<vmem_shared>>
        tpu.enqueue_dma source(%dma_start3A_136 : memref<640x128xf32, #tpu.memory_space<vmem_shared>>) target(%dma_start3A_134 : memref<640x128xf32, #tpu.memory_space<hbm>>) target_semaphore(%run_scoped3A : memref<!tpu.dma_semaphore, #tpu.memory_space<semaphore_mem>>)
        %dma_wait3A_137 = arith.constant 0 : i32
        %dma_wait3A_138 = tpu.memref_slice %arg4[%arg0, %mul3A_2, %dma_wait3A_137] : memref<2x10000x128xf32, #tpu.memory_space<hbm>> -> memref<1x640x128xf32, #tpu.memory_space<hbm>>
        %dma_wait3A_139 = tpu.memref_squeeze %dma_wait3A_138 : memref<1x640x128xf32, #tpu.memory_space<hbm>> -> memref<640x128xf32, #tpu.memory_space<hbm>>
        %dma_wait3A_140 = arith.constant 0 : i32
        %dma_wait3A_141 = tpu.memref_slice %arg7[%mul3A_2, %dma_wait3A_140] : memref<10040x128xf32, #tpu.memory_space<vmem_shared>> -> memref<640x128xf32, #tpu.memory_space<vmem_shared>>
        tpu.wait_dma2 semaphore(%run_scoped3A : memref<!tpu.dma_semaphore, #tpu.memory_space<semaphore_mem>>) src(%dma_wait3A_141 : memref<640x128xf32, #tpu.memory_space<vmem_shared>>) dst(%dma_wait3A_139 : memref<640x128xf32, #tpu.memory_space<hbm>>)
        tpu.yield
      }) : () -> ()
    } else {
    }
    %eq3A_127 = arith.constant 15 : i32
    %eq3A_128 = arith.cmpi eq, %arg1, %eq3A_127 : i32
    %convert_element_type3A_129 = arith.extui %eq3A_128 : i1 to i32
    %cond3A_130 = arith.constant 0 : i32
    %cond3A_131 = arith.cmpi ne, %convert_element_type3A_129, %cond3A_130 : i32
    scf.if %cond3A_131 {
      "tpu.region"() ({
        %run_scoped3A = tpu.sem_alloc : memref<!tpu.dma_semaphore, #tpu.memory_space<semaphore_mem>>
        %dma_start3A_132 = arith.constant 9600 : i32
        %dma_start3A_133 = arith.constant 0 : i32
        %dma_start3A_134 = tpu.memref_slice %arg4[%arg0, %dma_start3A_132, %dma_start3A_133] : memref<2x10000x128xf32, #tpu.memory_space<hbm>> -> memref<1x400x128xf32, #tpu.memory_space<hbm>>
        %dma_start3A_135 = tpu.memref_squeeze %dma_start3A_134 : memref<1x400x128xf32, #tpu.memory_space<hbm>> -> memref<400x128xf32, #tpu.memory_space<hbm>>
        %dma_start3A_136 = arith.constant 9600 : i32
        %dma_start3A_137 = arith.constant 0 : i32
        %dma_start3A_138 = tpu.memref_slice %arg7[%dma_start3A_136, %dma_start3A_137] : memref<10040x128xf32, #tpu.memory_space<vmem_shared>> -> memref<400x128xf32, #tpu.memory_space<vmem_shared>>
        tpu.enqueue_dma source(%dma_start3A_138 : memref<400x128xf32, #tpu.memory_space<vmem_shared>>) target(%dma_start3A_135 : memref<400x128xf32, #tpu.memory_space<hbm>>) target_semaphore(%run_scoped3A : memref<!tpu.dma_semaphore, #tpu.memory_space<semaphore_mem>>)
        %dma_wait3A_139 = arith.constant 9600 : i32
        %dma_wait3A_140 = arith.constant 0 : i32
        %dma_wait3A_141 = tpu.memref_slice %arg4[%arg0, %dma_wait3A_139, %dma_wait3A_140] : memref<2x10000x128xf32, #tpu.memory_space<hbm>> -> memref<1x400x128xf32, #tpu.memory_space<hbm>>
        %dma_wait3A_142 = tpu.memref_squeeze %dma_wait3A_141 : memref<1x400x128xf32, #tpu.memory_space<hbm>> -> memref<400x128xf32, #tpu.memory_space<hbm>>
        %dma_wait3A_143 = arith.constant 9600 : i32
        %dma_wait3A_144 = arith.constant 0 : i32
        %dma_wait3A_145 = tpu.memref_slice %arg7[%dma_wait3A_143, %dma_wait3A_144] : memref<10040x128xf32, #tpu.memory_space<vmem_shared>> -> memref<400x128xf32, #tpu.memory_space<vmem_shared>>
        tpu.wait_dma2 semaphore(%run_scoped3A : memref<!tpu.dma_semaphore, #tpu.memory_space<semaphore_mem>>) src(%dma_wait3A_145 : memref<400x128xf32, #tpu.memory_space<vmem_shared>>) dst(%dma_wait3A_142 : memref<400x128xf32, #tpu.memory_space<hbm>>)
        tpu.yield
      }) : () -> ()
    } else {
    }
    return
  }
}

module attributes {stable_mosaic.version = 14 : i64} {
  func.func @_mlp1_body(%arg0: i32, %arg1: memref<2x2000x128xf32, #tpu.memory_space<vmem>>, %arg2: memref<2000x128xf32, #tpu.memory_space<vmem>>, %arg3: memref<128x128xf32, #tpu.memory_space<vmem>>, %arg4: memref<1x128xf32, #tpu.memory_space<vmem>>, %arg5: memref<128x128xf32, #tpu.memory_space<vmem>>, %arg6: memref<1x128xf32, #tpu.memory_space<vmem>>, %arg7: memref<2000x128xf32, #tpu.memory_space<vmem>>) attributes {dimension_semantics = [#tpu.dimension_semantics<arbitrary>], iteration_bounds = array<i64: 5>, scalar_prefetch = 0 : i64, scratch_operands = 0 : i64, tpu.core_type = #tpu.core_type<tc>, window_params = [{transform_indices = @transform_0, window_bounds = array<i64: 2, 2000, 128>}, {transform_indices = @transform_1, window_bounds = array<i64: 2000, 128>}, {pipeline_mode = #tpu.pipeline_mode<synchronous>, transform_indices = @transform_2, window_bounds = array<i64: 128, 128>}, {pipeline_mode = #tpu.pipeline_mode<synchronous>, transform_indices = @transform_3, window_bounds = array<i64: 1, 128>}, {pipeline_mode = #tpu.pipeline_mode<synchronous>, transform_indices = @transform_4, window_bounds = array<i64: 128, 128>}, {pipeline_mode = #tpu.pipeline_mode<synchronous>, transform_indices = @transform_5, window_bounds = array<i64: 1, 128>}, {transform_indices = @transform_6, window_bounds = array<i64: 2000, 128>}]} {
    %get3A = arith.constant 0 : index
    %get3A_0 = arith.constant 0 : index
    %get3A_1 = arith.constant 0 : index
    %get3A_2 = vector.load %arg1[%get3A, %get3A_0, %get3A_1] : memref<2x2000x128xf32, #tpu.memory_space<vmem>>, vector<1x2000x128xf32>
    %get3A_3 = vector.shape_cast %get3A_2 : vector<1x2000x128xf32> to vector<2000x128xf32>
    %get3A_4 = arith.constant 1 : index
    %get3A_5 = arith.constant 0 : index
    %get3A_6 = arith.constant 0 : index
    %get3A_7 = vector.load %arg1[%get3A_4, %get3A_5, %get3A_6] : memref<2x2000x128xf32, #tpu.memory_space<vmem>>, vector<1x2000x128xf32>
    %get3A_8 = vector.shape_cast %get3A_7 : vector<1x2000x128xf32> to vector<2000x128xf32>
    %add3A = arith.addf %get3A_3, %get3A_8 : vector<2000x128xf32>
    %get3A_9 = arith.constant 0 : index
    %get3A_10 = arith.constant 0 : index
    %get3A_11 = vector.load %arg2[%get3A_9, %get3A_10] : memref<2000x128xf32, #tpu.memory_space<vmem>>, vector<2000x128xf32>
    %sub3A = arith.subf %add3A, %get3A_11 : vector<2000x128xf32>
    %get3A_12 = arith.constant 0 : index
    %get3A_13 = arith.constant 0 : index
    %get3A_14 = vector.load %arg3[%get3A_12, %get3A_13] : memref<128x128xf32, #tpu.memory_space<vmem>>, vector<128x128xf32>
    %dot_general3A = arith.constant dense<0.000000e+00> : vector<2000x128xf32>
    %dot_general3A_15 = tpu.matmul %sub3A, %get3A_14, %dot_general3A {dimension_numbers = #tpu.dot_dimension_numbers<[1], [0], [0], [1], [0, 0, 1, 1], [], []>, transpose_lhs_hint = false} : vector<2000x128xf32>, vector<128x128xf32>, vector<2000x128xf32> -> vector<2000x128xf32>
    %get3A_16 = arith.constant 0 : index
    %get3A_17 = arith.constant 0 : index
    %get3A_18 = vector.load %arg4[%get3A_16, %get3A_17] : memref<1x128xf32, #tpu.memory_space<vmem>>, vector<1x128xf32>
    %add3A_19 = vector.broadcast %get3A_18 : vector<1x128xf32> to vector<2000x128xf32>
    %add3A_20 = arith.addf %dot_general3A_15, %add3A_19 : vector<2000x128xf32>
    %max3A = arith.constant 0.000000e+00 : f32
    %max3A_21 = vector.broadcast %max3A : f32 to vector<2000x128xf32>
    %max3A_22 = arith.maximumf %add3A_20, %max3A_21 : vector<2000x128xf32>
    %get3A_23 = arith.constant 0 : index
    %get3A_24 = arith.constant 0 : index
    %get3A_25 = vector.load %arg5[%get3A_23, %get3A_24] : memref<128x128xf32, #tpu.memory_space<vmem>>, vector<128x128xf32>
    %dot_general3A_26 = arith.constant dense<0.000000e+00> : vector<2000x128xf32>
    %dot_general3A_27 = tpu.matmul %max3A_22, %get3A_25, %dot_general3A_26 {dimension_numbers = #tpu.dot_dimension_numbers<[1], [0], [0], [1], [0, 0, 1, 1], [], []>, transpose_lhs_hint = false} : vector<2000x128xf32>, vector<128x128xf32>, vector<2000x128xf32> -> vector<2000x128xf32>
    %get3A_28 = arith.constant 0 : index
    %get3A_29 = arith.constant 0 : index
    %get3A_30 = vector.load %arg6[%get3A_28, %get3A_29] : memref<1x128xf32, #tpu.memory_space<vmem>>, vector<1x128xf32>
    %add3A_31 = vector.broadcast %get3A_30 : vector<1x128xf32> to vector<2000x128xf32>
    %add3A_32 = arith.addf %dot_general3A_27, %add3A_31 : vector<2000x128xf32>
    %swap3A = arith.constant 0 : index
    %swap3A_33 = arith.constant 0 : index
    %swap3A_34 = vector.load %arg7[%swap3A, %swap3A_33] : memref<2000x128xf32, #tpu.memory_space<vmem>>, vector<2000x128xf32>
    tpu.vector_store %arg7[%swap3A, %swap3A_33], %add3A_32 {strides = array<i32>} : memref<2000x128xf32, #tpu.memory_space<vmem>>, vector<2000x128xf32>,
    return
  }
  func.func @transform_0(%arg0: i32) -> (i32, i32, i32) {
    %c0_i32 = arith.constant 0 : i32
    %c0_i32_0 = arith.constant 0 : i32
    %c0_i32_1 = arith.constant 0 : i32
    return %c0_i32, %arg0, %c0_i32_0 : i32, i32, i32
  }
  func.func @transform_1(%arg0: i32) -> (i32, i32) {
    %c0_i32 = arith.constant 0 : i32
    %c0_i32_0 = arith.constant 0 : i32
    return %arg0, %c0_i32 : i32, i32
  }
  func.func @transform_2(%arg0: i32) -> (i32, i32) {
    %c0_i32 = arith.constant 0 : i32
    %c0_i32_0 = arith.constant 0 : i32
    %c0_i32_1 = arith.constant 0 : i32
    return %c0_i32, %c0_i32_0 : i32, i32
  }
  func.func @transform_3(%arg0: i32) -> (i32, i32) {
    %c0_i32 = arith.constant 0 : i32
    %c0_i32_0 = arith.constant 0 : i32
    %c0_i32_1 = arith.constant 0 : i32
    return %c0_i32, %c0_i32_0 : i32, i32
  }
  func.func @transform_4(%arg0: i32) -> (i32, i32) {
    %c0_i32 = arith.constant 0 : i32
    %c0_i32_0 = arith.constant 0 : i32
    %c0_i32_1 = arith.constant 0 : i32
    return %c0_i32, %c0_i32_0 : i32, i32
  }
  func.func @transform_5(%arg0: i32) -> (i32, i32) {
    %c0_i32 = arith.constant 0 : i32
    %c0_i32_0 = arith.constant 0 : i32
    %c0_i32_1 = arith.constant 0 : i32
    return %c0_i32, %c0_i32_0 : i32, i32
  }
  func.func @transform_6(%arg0: i32) -> (i32, i32) {
    %c0_i32 = arith.constant 0 : i32
    %c0_i32_0 = arith.constant 0 : i32
    return %arg0, %c0_i32 : i32, i32
  }
}

module attributes {stable_mosaic.version = 14 : i64} {
  func.func @_mlp2_body(%arg0: i32, %arg1: memref<2x2000x128xf32, #tpu.memory_space<vmem>>, %arg2: memref<2000x128xf32, #tpu.memory_space<vmem>>, %arg3: memref<128x128xf32, #tpu.memory_space<vmem>>, %arg4: memref<1x128xf32, #tpu.memory_space<vmem>>, %arg5: memref<128x128xf32, #tpu.memory_space<vmem>>, %arg6: memref<1x128xf32, #tpu.memory_space<vmem>>, %arg7: memref<128x128xf32, #tpu.memory_space<vmem>>, %arg8: memref<1x128xf32, #tpu.memory_space<vmem>>, %arg9: memref<1x128xf32, #tpu.memory_space<vmem>>, %arg10: memref<1x128xf32, #tpu.memory_space<vmem>>) attributes {dimension_semantics = [#tpu.dimension_semantics<arbitrary>], iteration_bounds = array<i64: 5>, scalar_prefetch = 0 : i64, scratch_operands = 1 : i64, tpu.core_type = #tpu.core_type<tc>, window_params = [{transform_indices = @transform_0, window_bounds = array<i64: 2, 2000, 128>}, {transform_indices = @transform_1, window_bounds = array<i64: 2000, 128>}, {pipeline_mode = #tpu.pipeline_mode<synchronous>, transform_indices = @transform_2, window_bounds = array<i64: 128, 128>}, {pipeline_mode = #tpu.pipeline_mode<synchronous>, transform_indices = @transform_3, window_bounds = array<i64: 1, 128>}, {pipeline_mode = #tpu.pipeline_mode<synchronous>, transform_indices = @transform_4, window_bounds = array<i64: 128, 128>}, {pipeline_mode = #tpu.pipeline_mode<synchronous>, transform_indices = @transform_5, window_bounds = array<i64: 1, 128>}, {pipeline_mode = #tpu.pipeline_mode<synchronous>, transform_indices = @transform_6, window_bounds = array<i64: 128, 128>}, {pipeline_mode = #tpu.pipeline_mode<synchronous>, transform_indices = @transform_7, window_bounds = array<i64: 1, 128>}, {pipeline_mode = #tpu.pipeline_mode<synchronous>, transform_indices = @transform_8, window_bounds = array<i64: 1, 128>}]} {
    %get3A = arith.constant 0 : index
    %get3A_0 = arith.constant 0 : index
    %get3A_1 = arith.constant 0 : index
    %get3A_2 = vector.load %arg1[%get3A, %get3A_0, %get3A_1] : memref<2x2000x128xf32, #tpu.memory_space<vmem>>, vector<1x2000x128xf32>
    %get3A_3 = vector.shape_cast %get3A_2 : vector<1x2000x128xf32> to vector<2000x128xf32>
    %get3A_4 = arith.constant 1 : index
    %get3A_5 = arith.constant 0 : index
    %get3A_6 = arith.constant 0 : index
    %get3A_7 = vector.load %arg1[%get3A_4, %get3A_5, %get3A_6] : memref<2x2000x128xf32, #tpu.memory_space<vmem>>, vector<1x2000x128xf32>
    %get3A_8 = vector.shape_cast %get3A_7 : vector<1x2000x128xf32> to vector<2000x128xf32>
    %add3A = arith.addf %get3A_3, %get3A_8 : vector<2000x128xf32>
    %get3A_9 = arith.constant 0 : index
    %get3A_10 = arith.constant 0 : index
    %get3A_11 = vector.load %arg2[%get3A_9, %get3A_10] : memref<2000x128xf32, #tpu.memory_space<vmem>>, vector<2000x128xf32>
    %sub3A = arith.subf %add3A, %get3A_11 : vector<2000x128xf32>
    %get3A_12 = arith.constant 0 : index
    %get3A_13 = arith.constant 0 : index
    %get3A_14 = vector.load %arg3[%get3A_12, %get3A_13] : memref<128x128xf32, #tpu.memory_space<vmem>>, vector<128x128xf32>
    %dot_general3A = arith.constant dense<0.000000e+00> : vector<2000x128xf32>
    %dot_general3A_15 = tpu.matmul %sub3A, %get3A_14, %dot_general3A {dimension_numbers = #tpu.dot_dimension_numbers<[1], [0], [0], [1], [0, 0, 1, 1], [], []>, transpose_lhs_hint = false} : vector<2000x128xf32>, vector<128x128xf32>, vector<2000x128xf32> -> vector<2000x128xf32>
    %get3A_16 = arith.constant 0 : index
    %get3A_17 = arith.constant 0 : index
    %get3A_18 = vector.load %arg4[%get3A_16, %get3A_17] : memref<1x128xf32, #tpu.memory_space<vmem>>, vector<1x128xf32>
    %add3A_19 = vector.broadcast %get3A_18 : vector<1x128xf32> to vector<2000x128xf32>
    %add3A_20 = arith.addf %dot_general3A_15, %add3A_19 : vector<2000x128xf32>
    %max3A = arith.constant 0.000000e+00 : f32
    %max3A_21 = vector.broadcast %max3A : f32 to vector<2000x128xf32>
    %max3A_22 = arith.maximumf %add3A_20, %max3A_21 : vector<2000x128xf32>
    %get3A_23 = arith.constant 0 : index
    %get3A_24 = arith.constant 0 : index
    %get3A_25 = vector.load %arg5[%get3A_23, %get3A_24] : memref<128x128xf32, #tpu.memory_space<vmem>>, vector<128x128xf32>
    %dot_general3A_26 = arith.constant dense<0.000000e+00> : vector<2000x128xf32>
    %dot_general3A_27 = tpu.matmul %max3A_22, %get3A_25, %dot_general3A_26 {dimension_numbers = #tpu.dot_dimension_numbers<[1], [0], [0], [1], [0, 0, 1, 1], [], []>, transpose_lhs_hint = false} : vector<2000x128xf32>, vector<128x128xf32>, vector<2000x128xf32> -> vector<2000x128xf32>
    %get3A_28 = arith.constant 0 : index
    %get3A_29 = arith.constant 0 : index
    %get3A_30 = vector.load %arg6[%get3A_28, %get3A_29] : memref<1x128xf32, #tpu.memory_space<vmem>>, vector<1x128xf32>
    %add3A_31 = vector.broadcast %get3A_30 : vector<1x128xf32> to vector<2000x128xf32>
    %add3A_32 = arith.addf %dot_general3A_27, %add3A_31 : vector<2000x128xf32>
    %reduce_sum3A = arith.constant dense<0.000000e+00> : vector<128xf32>
    %reduce_sum3A_33 = vector.multi_reduction <add>, %add3A_32, %reduce_sum3A [0] : vector<2000x128xf32> to vector<128xf32>
    %broadcast_in_dim3A = vector.shape_cast %reduce_sum3A_33 : vector<128xf32> to vector<1x128xf32>
    %eq3A = arith.constant 0 : i32
    %eq3A_34 = arith.cmpi eq, %arg0, %eq3A : i32
    %convert_element_type3A = arith.extui %eq3A_34 : i1 to i32
    %cond3A = arith.constant 0 : i32
    %cond3A_35 = arith.cmpi ne, %convert_element_type3A, %cond3A : i32
    scf.if %cond3A_35 {
      %swap3A = arith.constant 0 : index
      %swap3A_45 = arith.constant 0 : index
      %swap3A_46 = vector.load %arg10[%swap3A, %swap3A_45] : memref<1x128xf32, #tpu.memory_space<vmem>>, vector<1x128xf32>
      tpu.vector_store %arg10[%swap3A, %swap3A_45], %broadcast_in_dim3A {strides = array<i32>} : memref<1x128xf32, #tpu.memory_space<vmem>>, vector<1x128xf32>,
    } else {
    }
    %gt3A = arith.constant 0 : i32
    %gt3A_36 = arith.cmpi sgt, %arg0, %gt3A : i32
    %convert_element_type3A_37 = arith.extui %gt3A_36 : i1 to i32
    %cond3A_38 = arith.constant 0 : i32
    %cond3A_39 = arith.cmpi ne, %convert_element_type3A_37, %cond3A_38 : i32
    scf.if %cond3A_39 {
      %get3A_45 = arith.constant 0 : index
      %get3A_46 = arith.constant 0 : index
      %get3A_47 = vector.load %arg10[%get3A_45, %get3A_46] : memref<1x128xf32, #tpu.memory_space<vmem>>, vector<1x128xf32>
      %add3A_48 = arith.addf %get3A_47, %broadcast_in_dim3A : vector<1x128xf32>
      %swap3A = arith.constant 0 : index
      %swap3A_49 = arith.constant 0 : index
      %swap3A_50 = vector.load %arg10[%swap3A, %swap3A_49] : memref<1x128xf32, #tpu.memory_space<vmem>>, vector<1x128xf32>
      tpu.vector_store %arg10[%swap3A, %swap3A_49], %add3A_48 {strides = array<i32>} : memref<1x128xf32, #tpu.memory_space<vmem>>, vector<1x128xf32>,
    } else {
    }
    %eq3A_40 = arith.constant 4 : i32
    %eq3A_41 = arith.cmpi eq, %arg0, %eq3A_40 : i32
    %convert_element_type3A_42 = arith.extui %eq3A_41 : i1 to i32
    %cond3A_43 = arith.constant 0 : i32
    %cond3A_44 = arith.cmpi ne, %convert_element_type3A_42, %cond3A_43 : i32
    scf.if %cond3A_44 {
      %get3A_45 = arith.constant 0 : index
      %get3A_46 = arith.constant 0 : index
      %get3A_47 = vector.load %arg10[%get3A_45, %get3A_46] : memref<1x128xf32, #tpu.memory_space<vmem>>, vector<1x128xf32>
      %mul3A = arith.constant 9.99999974E-5 : f32
      %mul3A_48 = vector.broadcast %mul3A : f32 to vector<1x128xf32>
      %mul3A_49 = arith.mulf %get3A_47, %mul3A_48 : vector<1x128xf32>
      %get3A_50 = arith.constant 0 : index
      %get3A_51 = arith.constant 0 : index
      %get3A_52 = vector.load %arg7[%get3A_50, %get3A_51] : memref<128x128xf32, #tpu.memory_space<vmem>>, vector<128x128xf32>
      %dot_general3A_53 = arith.constant dense<0.000000e+00> : vector<1x128xf32>
      %dot_general3A_54 = tpu.matmul %mul3A_49, %get3A_52, %dot_general3A_53 {dimension_numbers = #tpu.dot_dimension_numbers<[1], [0], [0], [1], [0, 0, 1, 1], [], []>, transpose_lhs_hint = false} : vector<1x128xf32>, vector<128x128xf32>, vector<1x128xf32> -> vector<1x128xf32>
      %get3A_55 = arith.constant 0 : index
      %get3A_56 = arith.constant 0 : index
      %get3A_57 = vector.load %arg8[%get3A_55, %get3A_56] : memref<1x128xf32, #tpu.memory_space<vmem>>, vector<1x128xf32>
      %add3A_58 = arith.addf %dot_general3A_54, %get3A_57 : vector<1x128xf32>
      %swap3A = arith.constant 0 : index
      %swap3A_59 = arith.constant 0 : index
      %swap3A_60 = vector.load %arg9[%swap3A, %swap3A_59] : memref<1x128xf32, #tpu.memory_space<vmem>>, vector<1x128xf32>
      tpu.vector_store %arg9[%swap3A, %swap3A_59], %add3A_58 {strides = array<i32>} : memref<1x128xf32, #tpu.memory_space<vmem>>, vector<1x128xf32>,
    } else {
    }
    return
  }
  func.func @transform_0(%arg0: i32) -> (i32, i32, i32) {
    %c0_i32 = arith.constant 0 : i32
    %c0_i32_0 = arith.constant 0 : i32
    %c0_i32_1 = arith.constant 0 : i32
    return %c0_i32, %arg0, %c0_i32_0 : i32, i32, i32
  }
  func.func @transform_1(%arg0: i32) -> (i32, i32) {
    %c0_i32 = arith.constant 0 : i32
    %c0_i32_0 = arith.constant 0 : i32
    return %arg0, %c0_i32 : i32, i32
  }
  func.func @transform_2(%arg0: i32) -> (i32, i32) {
    %c0_i32 = arith.constant 0 : i32
    %c0_i32_0 = arith.constant 0 : i32
    %c0_i32_1 = arith.constant 0 : i32
    return %c0_i32, %c0_i32_0 : i32, i32
  }
  func.func @transform_3(%arg0: i32) -> (i32, i32) {
    %c0_i32 = arith.constant 0 : i32
    %c0_i32_0 = arith.constant 0 : i32
    %c0_i32_1 = arith.constant 0 : i32
    return %c0_i32, %c0_i32_0 : i32, i32
  }
  func.func @transform_4(%arg0: i32) -> (i32, i32) {
    %c0_i32 = arith.constant 0 : i32
    %c0_i32_0 = arith.constant 0 : i32
    %c0_i32_1 = arith.constant 0 : i32
    return %c0_i32, %c0_i32_0 : i32, i32
  }
  func.func @transform_5(%arg0: i32) -> (i32, i32) {
    %c0_i32 = arith.constant 0 : i32
    %c0_i32_0 = arith.constant 0 : i32
    %c0_i32_1 = arith.constant 0 : i32
    return %c0_i32, %c0_i32_0 : i32, i32
  }
  func.func @transform_6(%arg0: i32) -> (i32, i32) {
    %c0_i32 = arith.constant 0 : i32
    %c0_i32_0 = arith.constant 0 : i32
    %c0_i32_1 = arith.constant 0 : i32
    return %c0_i32, %c0_i32_0 : i32, i32
  }
  func.func @transform_7(%arg0: i32) -> (i32, i32) {
    %c0_i32 = arith.constant 0 : i32
    %c0_i32_0 = arith.constant 0 : i32
    %c0_i32_1 = arith.constant 0 : i32
    return %c0_i32, %c0_i32_0 : i32, i32
  }
  func.func @transform_8(%arg0: i32) -> (i32, i32) {
    %c0_i32 = arith.constant 0 : i32
    %c0_i32_0 = arith.constant 0 : i32
    %c0_i32_1 = arith.constant 0 : i32
    return %c0_i32, %c0_i32_0 : i32, i32
  }
}

</mosaic_0001>

<sc_bundles>
// kernel: kernel.6.cloned.1.call-start
scs
__scs_entry_jumppad:
0x0: {  	(pc) =	sbr.rel $0x88, $3  }
0x1: {  	(tag) =	ssettag $0x0;
	lr =	simm.s32 $0x1  }
0x2: {  	[smem:$0x3F95] =	sst lr;
	_ =	strace $0xD0000000  }
0x3: {  	_ = 	snop  }
0x4: {  	_ = 	snop  }
0x5: {  	_ = 	snop  }
0x6: {  	_ = 	snop  }
0x7: {  	_ = 	snop  }
__scs_overlays_trampoline_lowered:
0x8: {  	[smem:$0x3FA4] =	sst s0  }
0x9: {  	[smem:$0x3FA5] =	sst s1  }
0xa: {  	[smem:$0x3FA6] =	sst s2  }
0xb: {  	[smem:$0x3FA7] =	sst s3  }
0xc: {  	[smem:$0x3FA8] =	sst s4  }
0xd: {  	[smem:$0x3FA9] =	sst s5  }
0xe: {  	[smem:$0x3FAA] =	sst s6  }
0xf: {  	[smem:$0x3FAB] =	sst s7  }
0x10: {  	[smem:$0x3FAC] =	sst s8  }
0x11: {  	[smem:$0x3FAD] =	sst s9;
	s0 =	simm.s32 @!p0 $0x0  }
0x12: {  	s1 =	sld [smem:$0x3F93];
	s0 =	simm.s32 @p0 $0x1  }
0x13: {  	[smem:$0x3FAE] =	sst s0;
	s0 =	simm.s32 @!p1 $0x0  }
0x14: {  	s2 =	sld [smem:$0x3F92];
	s0 =	simm.s32 @p1 $0x1  }
0x15: {  	[smem:$0x3FAF] =	sst s0;
	s0 =	simm.s32 @!p2 $0x0  }
0x16: {  	s3 =	sld [smem:$0x3FDB];
	s0 =	simm.s32 @p2 $0x1  }
0x17: {  	s4 =	simm.s32 $0x1BF5;
	[smem:$0x3FB1] =	sst s0  }
0x18: {  	s0 =	sld [smem:$0x3F94];
	_ =	swait.ge [sflag:s4], $0x0  }
0x19: {  	s7 =	sld [smem:$0x3F95]  }
0x1a: {  	s8 =	sadd.s32 $0xFFFFE003, lr  }
0x1b: {  	s9 =	sadd.s32 $0xFFFFFEF7, lr;
	s5 =	simm.s32 $0xFFFFFFFF;
	p2 =	slt.u32 s8, $0xFFFFF086  }
0x1c: {  	p1 =	slt.u32 s9, $0xF7A;
	s5 =	simm.s32 @!p2 $0x0  }
0x1d: {  	s5 =	simm.s32 @p1 $0x1;
	p0 =	seq.s32 s7, s2  }
0x1e: {  	s7 =	smul.u32 @!p0 $0xF7A, s2;
	p2 =	seq.s32 @!p0 s5, $0x0  }
0x1f: {  	s9 =	smul.u32 $0xF7A, s1;
	s8 =	simm.s32 @!p0 $0x1BF5;
	p2 =	por !p2, p0  }
0x20: {  	[sflag:s8] =	ssyncset.s32 @!p0 $0xFFFFF086;
	s6 =	sadd.s32 @!p0 s3, s7;
	s7 =	simm.s32 @!p0 $0x108  }
0x21: {  	s3 =	sadd.s32 s3, s9;
	s6 =	sadd.s32 @!p0 $0x88, s6;
	s7 =	simm.s32 @p2 $0x1082  }
0x22: {  	[simem:s7], [sflag:s8] =	dma.local @!p0 [hbm:s6], $0xF7A  }
0x23: {  	s9 =	sor.u32 $0xD0000000, s2;
	s6 =	simm.s32 $0x108;
	_ =	swait.ge @!p0 [sflag:s8], $0x0  }
0x24: {  	s3 =	sadd.s32 $0x88, s3;
	s6 =	simm.s32 @!p1 $0x1082;
	[sflag:s4] =	ssyncset.s32 $0xFFFFF086  }
0x25: {  	[simem:s6], [sflag:s4] =	dma.local [hbm:s3], $0xF7A  }
0x26: {  	[smem:$0x3F95] =	sst s1;
	(tag) =	ssettag s2;
	_ =	strace s9  }
0x27: {  	s1 =	sld [smem:$0x3FA5]  }
0x28: {  	s2 =	sld [smem:$0x3FA6]  }
0x29: {  	s4 =	sld [smem:$0x3FA8]  }
0x2a: {  	p0 =	seq.s32 s5, $0x0;
	s5 =	sld [smem:$0x3FA9]  }
0x2b: {  	s6 =	sld [smem:$0x3FAA]  }
0x2c: {  	s7 =	sld [smem:$0x3FAB]  }
0x2d: {  	s3 =	simm.s32 $0x108;
	s8 =	sld [smem:$0x3FAC]  }
0x2e: {  	s3 =	simm.s32 @!p0 $0x1082;
	s9 =	sld [smem:$0x3FAD]  }
0x2f: {  	lr =	sadd.s32 s0, s3;
	s0 =	sld [smem:$0x3FA4]  }
0x30: {  	s3 =	sld [smem:$0x3FA7]  }
0x31: {  	[smem:$0x3FB0] =	sst s10  }
0x32: {  	s10 =	sld [smem:$0x3FAE];
	_ =	sdelay $0x3  }
0x33: {  	p0 =	seq.s32 s10, $0x1;
	s10 =	sld [smem:$0x3FB0];
	_ =	sdelay $0x3  }
0x34: {  	[smem:$0x3FB0] =	sst s10  }
0x35: {  	s10 =	sld [smem:$0x3FAF];
	_ =	sdelay $0x3  }
0x36: {  	p1 =	seq.s32 s10, $0x1;
	s10 =	sld [smem:$0x3FB0];
	_ =	sdelay $0x3  }
0x37: {  	[smem:$0x3FB0] =	sst s10  }
0x38: {  	s10 =	sld [smem:$0x3FB1]  }
0x39: {  	_ = 	snop;
	(pc) =	sbr.ind lr, $3  }
0x3a: {  	_ = 	snop  }
0x3b: {  	_ = 	snop  }
0x3c: {  	p2 =	seq.s32 s10, $0x1;
	s10 =	sld [smem:$0x3FB0]  }
0x3d: {  	_ =	shalt  }
0x3e: {  	_ =	shalt  }
0x3f: {  	_ =	shalt  }
0x40: {  	_ =	shalt  }
0x41: {  	_ =	shalt  }
0x42: {  	_ =	shalt  }
0x43: {  	_ =	shalt  }
0x44: {  	_ =	shalt  }
0x45: {  	_ =	shalt  }
0x46: {  	_ =	shalt  }
0x47: {  	_ =	shalt  }
0x48: {  	_ =	shalt  }
0x49: {  	_ =	shalt  }
0x4a: {  	_ =	shalt  }
0x4b: {  	_ =	shalt  }
0x4c: {  	_ =	shalt  }
0x4d: {  	_ =	shalt  }
0x4e: {  	_ =	shalt  }
0x4f: {  	_ =	shalt  }
0x50: {  	_ =	shalt  }
0x51: {  	_ =	shalt  }
0x52: {  	_ =	shalt  }
0x53: {  	_ =	shalt  }
0x54: {  	_ =	shalt  }
0x55: {  	_ =	shalt  }
0x56: {  	_ =	shalt  }
0x57: {  	_ =	shalt  }
0x58: {  	_ =	shalt  }
0x59: {  	_ =	shalt  }
0x5a: {  	_ =	shalt  }
0x5b: {  	_ =	shalt  }
0x5c: {  	_ =	shalt  }
0x5d: {  	_ =	shalt  }
0x5e: {  	_ =	shalt  }
0x5f: {  	_ =	shalt  }
0x60: {  	_ =	shalt  }
0x61: {  	_ =	shalt  }
0x62: {  	_ =	shalt  }
0x63: {  	_ =	shalt  }
0x64: {  	_ =	shalt  }
0x65: {  	_ =	shalt  }
0x66: {  	_ =	shalt  }
0x67: {  	_ =	shalt  }
0x68: {  	_ =	shalt  }
0x69: {  	_ =	shalt  }
0x6a: {  	_ =	shalt  }
0x6b: {  	_ =	shalt  }
0x6c: {  	_ =	shalt  }
0x6d: {  	_ =	shalt  }
0x6e: {  	_ =	shalt  }
0x6f: {  	_ =	shalt  }
0x70: {  	_ =	shalt  }
0x71: {  	_ =	shalt  }
0x72: {  	_ =	shalt  }
0x73: {  	_ =	shalt  }
0x74: {  	_ =	shalt  }
0x75: {  	_ =	shalt  }
0x76: {  	_ =	shalt  }
0x77: {  	_ =	shalt  }
0x78: {  	_ =	shalt  }
0x79: {  	_ =	shalt  }
0x7a: {  	_ =	shalt  }
0x7b: {  	_ =	shalt  }
0x7c: {  	_ =	shalt  }
0x7d: {  	_ =	shalt  }
0x7e: {  	_ =	shalt  }
0x7f: {  	_ =	shalt  }
0x80: {  	_ =	shalt  }
0x81: {  	_ =	shalt  }
0x82: {  	_ =	shalt  }
0x83: {  	_ =	shalt  }
0x84: {  	_ =	shalt  }
0x85: {  	_ =	shalt  }
0x86: {  	_ =	shalt  }
0x87: {  	_ =	shalt  }
.Lfunc_end0:
.L_simem_size_0:
called_computation_lowered:
.L_overlay_start_0:
0x88: {  	s2 =	sld [smem:$0x3FD9]  }
0x89: {  	s3 =	sld [smem:$0x3FFE];
	_ =	sdelay $0x1  }
0x8a: {  	s1 =	srdreg.scid  }
0x8b: {  	s0 =	sand.u32 $0x1, s1  }
0x8c: {  	s17 =	sshll.u32 s0, $0xA;
	s2 =	sadd.s32 s3, s2  }
0x8d: {  	s2 =	sadd.s32 s2, s17  }
0x8e: {  	[smem:$0x3FBC] =	sst s2  }
0x8f: {  	_ = 	snop  }
0x90: {  	s2 =	sld [smem:$0x3FC9];
	(tm) =	ssettm $0x1  }
0x91: {  	s18 =	sld [smem:$0x3FFB];
	_ =	sdelay $0x3  }
0x92: {  	_ =	strace s18  }
0x93: {  	s3 =	sld [smem:$0x3FFC];
	_ =	sdelay $0x3  }
0x94: {  	_ =	strace s3  }
0x95: {  	s3 =	sld [smem:$0x3FFD];
	_ =	sdelay $0x3  }
0x96: {  	_ =	strace s3  }
0x97: {  	_ =	strace $0x8FFFFFFF  }
0x98: {  	s19 =	sld [smem:$0x3FDB];
	_ =	sdelay $0x1  }
0x99: {  	s4 =	simm.s32 $_scs_section_size  }
0x9a: {  	s5 =	simm.s32 $_size__tile_overlayer_lowered;
	s6 =	simm.s32 $_tile_overlayer_lowered  }
0x9b: {  	s22 =	simm.s32 $0x1BFF;
	s21 =	sshll.u32 s6, $0x1;
	s3 =	sadd.s32 s4, s19  }
0x9c: {  	s7 =	simm.s32 $0x0;
	s20 =	sshll.u32 s5, $0x1;
	s5 =	sadd.s32 s21, s3  }
0x9d: {  	[timem:s7], [sflag:s22] =	dma.local [hbm:s5], s20  }
0x9e: {  	_ =	swait.ge [sflag:s22], s20  }
0x9f: {  	s4 =	ssub.s32 $0x0, s20;
	[sflag:s22] =	ssyncset.done $0x0  }
0xa0: {  	[sflag:s22] =	ssyncadd.s32 s4;
	_ =	sdelay $0x1  }
0xa1: {  	s23 =	simm.s32 $0x1B8B  }
0xa2: {  	_ =	swait.ge [sflag:s23], $0x1  }
0xa3: {  	[sflag:s23] =	ssyncset.done $0x0  }
0xa4: {  	s25 =	simm.s32 $0x1B8E;
	s24 =	sld [smem:$0x3FFE];
	[sflag:s23] =	ssyncadd.s32 $0xFFFFFFFF  }
0xa5: {  	s26 =	simm.s32 $execute0_lowered;
	[smem:$0x3FD2] =	sst s25  }
0xa6: {  	s5 =	sshll.u32 s26, $0x1;
	_ =	strace $0x80000046;
	[dreg:$0x1] =	wrdreg $0xFFFFFFFF  }
0xa7: {  	s28 =	simm.s32 $_size_execute0_lowered;
	s3 =	sadd.s32 s3, s5;
	[dreg:$0x0] =	wrdreg $0x0  }
0xa8: {  	s5 =	sshll.u32 s28, $0x1;
	[dreg:$0x2] =	wrdreg s3  }
0xa9: {  	[dreg:$0x3] =	wrdreg s5  }
0xaa: {  	[dreg:$0x4] =	wrdreg $0xC0  }
0xab: {  	_ =	task [dreg:s7], $0x5FFFF  }
0xac: {  	[dreg:$0x1] =	wrdreg $0xFFFFFFFF  }
0xad: {  	[dreg:$0x0] =	wrdreg $0x60  }
0xae: {  	[dreg:$0x2] =	wrdreg s2  }
0xaf: {  	[dreg:$0x3] =	wrdreg s24  }
0xb0: {  	[dreg:$0x4] =	wrdreg $0xC6000  }
0xb1: {  	[dreg:$0x5] =	wrdreg $0x9  }
0xb2: {  	_ =	task.clear_ibuf [dreg:s7], $0x6FFFF;
	_ =	strace $0x90000046  }
0xb3: {  	s29 =	simm.s32 $0x9;
	_ =	strace $0x80000048  }
0xb4: {  	_ =	swait.ge [sflag:s29], $0x1  }
0xb5: {  	[sflag:s29] =	ssyncadd.s32 $0xFFFFFFFF  }
0xb6: {  	_ =	strace $0x90000048  }
0xb7: {  	_ =	sfence  }
0xb8: {  	s30 =	sld [smem:$0x0];
	_ =	sdelay $0x2  }
0xb9: {  	s31 =	sshll.u32 s1, $0xD;
	s1 =	sshrl.u32 s1, $0x2  }
0xba: {  	s3 =	sand.u32 $0x4000, s31;
	s1 =	sadd.s32 s1, s30  }
0xbb: {  	s0 =	sor.u32 s3, s0;
	s1 =	sshll.u32 s1, $0x11  }
0xbc: {  	s0 =	sor.u32 s1, s0  }
0xbd: {  	s0 =	sadd.s32 $0x8F2B, s0  }
0xbe: {  	[sflag:s0] =	ssyncadd.remote.s32 $0x1  }
0xbf: {  	_ =	sfence.sel $0xFFFF  }
0xc0: {  	[dreg:$0x0] =	wrdreg $0xFFFFFFFF;
	(pc) =	sbr.abs _section_cstart, $3  }
0xc1: {  	[dreg:$0x1] =	wrdreg $0xFFFFFFFF  }
0xc2: {  	_ =	task.clear_ibuf [dreg:s7], $0x2FFFF;
	_ =	strace $0x9FFFFFFF  }
0xc3: {  	(tm) =	ssettm $0x7FFFFFFF  }
tec
execute0_lowered:
.L_overlay_start_1:
0x0: {  	(tag) =	ssettag $0x1  }
0x1: {  	s1 =	rddreg [dreg:$0x0]  }
0x2: {  	s0 =	rddreg [dreg:$0x1]  }
0x3: {  	s2 =	rddreg [dreg:$0x2]  }
0x4: {  	s4 =	simm.s32 $0x0;
	s3 =	srdreg.scid;
	s17 =	stileid.u32  }
0x5: {  	[smem:$0x7FF] =	sst s4;
	s3 =	sand.u32 $0x1, s3;
	s6 =	smul.u32 $0x280, s17  }
0x6: {  	s7 =	sadd.s32 $0x2600, s0;
	s9 =	smul.u32 $0x50000, s17;
	s22 =	sadd.s32 $0x12C000, s2  }
0x7: {  	s25 =	sadd.s32 $0x25800, s1;
	_ =	strace $0x80000047;
	[dreg:$0xa] =	wrdreg s22  }
0x8: {  	s0 =	sadd.s32 $0x17600, s0;
	s26 =	sadd.s32 $0x26000, s1;
	[dreg:$0x17] =	wrdreg s25  }
0x9: {  	s14 =	sshll.u32 s17, $0x1;
	s28 =	sadd.s32 $0x26800, s1;
	[dreg:$0x18] =	wrdreg s26  }
0xa: {  	s10 =	smul.u32 $0x2800, s17;
	s29 =	sadd.s32 $0x27000, s1;
	[dreg:$0x19] =	wrdreg s28  }
0xb: {  	p0 =	seq.s32 s17, $0xF;
	s30 =	sadd.s32 $0x27080, s1;
	[dreg:$0x1a] =	wrdreg s29  }
0xc: {  	s5 =	ssub.s32 $0x2, s3;
	s20 =	smul.u32 $0x138800, s3;
	[dreg:$0x1b] =	wrdreg s30  }
0xd: {  	s22 =	simm.s32 $0x280;
	s25 =	simm.s32 $0x580;
	s26 =	simm.s32 $0x0  }
0xe: {  	s8 =	sshrl.u32 s5, $0x1;
	s9 =	sshrl.u32 s9, $0x2;
	s11 =	sadd.s32 $0x80, s6  }
0xf: {  	s10 =	sadd.s32 s1, s10;
	s18 =	sadd.s32 $0x100, s6;
	s19 =	sadd.s32 $0x180, s6  }
0x10: {  	s6 =	sadd.s32 $0x200, s6;
	s5 =	ssub.s32 s5, s8;
	s8 =	sor.u32 s3, s14  }
0x11: {  	s9 =	sadd.s32 s9, s2;
	s15 =	sshll.u32 s11, $0x7;
	[dreg:$0x5] =	wrdreg s10  }
0x12: {  	s16 =	sshll.u32 s11, $0x4;
	s12 =	sshll.u32 s18, $0x7;
	s13 =	sshll.u32 s19, $0x7  }
0x13: {  	s11 =	sshll.u32 s19, $0x4;
	s21 =	sshll.u32 s6, $0x7;
	s14 =	smul.u32 $0x14000, s17  }
0x14: {  	s6 =	sshll.u32 s6, $0x4;
	s3 =	smul.u32 $0x54, s3;
	s19 =	simm.s32 $0x180  }
0x15: {  	[dreg:$0x4] =	wrdreg s9;
	s9 =	sadd.s32 s15, s2;
	s10 =	sadd.s32 s1, s16  }
0x16: {  	s12 =	sadd.s32 s12, s2;
	s11 =	sadd.s32 s1, s11;
	s15 =	smul.u32 $0xA8, s17  }
0x17: {  	s6 =	sadd.s32 s1, s6;
	s8 =	smul.u32 $0xA80, s8;
	[dreg:$0x6] =	wrdreg s10  }
0x18: {  	s24 =	smax.u32 s5, $0x1;
	s10 =	sshll.u32 s18, $0x4;
	[dreg:$0x8] =	wrdreg s11  }
0x19: {  	s11 =	sadd.s32 s21, s2;
	[dreg:$0x9] =	wrdreg s6;
	s6 =	sadd.s32 $0x130000, s2  }
0x1a: {  	s18 =	sadd.s32 $0x134000, s2;
	s14 =	sadd.s32 s14, s20;
	[dreg:$0xe] =	wrdreg s24  }
0x1b: {  	s21 =	simm.s32 $0x6;
	s24 =	simm.s32 $0x480;
	s10 =	sadd.s32 s1, s10  }
0x1c: {  	s3 =	sadd.s32 s3, s15;
	s15 =	sadd.s32 $0x138000, s2;
	s14 =	sshrl.u32 s14, $0x3  }
0x1d: {  	s8 =	sadd.s32 s7, s8;
	[dreg:$0x7] =	wrdreg s10;
	s10 =	sadd.s32 s13, s2  }
0x1e: {  	s14 =	sadd.s32 s0, s14;
	s13 =	sshrl.u32 s20, $0x3;
	s3 =	sshll.u32 s3, $0x5  }
0x1f: {  	[dreg:$0xc] =	wrdreg s8;
	s31 =	sadd.s32 $0x60, s8;
	s8 =	simm.s32 $0x100  }
0x20: {  	s20 =	simm.s32 $0x400;
	[dreg:$0xb] =	wrdreg s14;
	s0 =	sadd.s32 s0, s13  }
0x21: {  	s13 =	sadd.s32 $0x138400, s2;
	s23 =	sadd.s32 s7, s3;
	[dreg:$0x1c] =	wrdreg s31  }
0x22: {  	s3 =	simm.s32 $0x300;
	s7 =	simm.s32 $0x600;
	s14 =	simm.s32 $0x3  }
0x23: {  	s0 =	sadd.s32 $0x25800, s0;
	s16 =	sadd.s32 $0x120, s23;
	s17 =	sadd.s32 $0xC0, s23  }
0x24: {  	s23 =	simm.s32 $0x500;
	[dreg:$0xd] =	wrdreg s0;
	s0 =	sshrl.u32 @p0 s6, $0x3  }
0x25: {  	s6 =	simm.s32 $0x80;
	[dreg:$0xf] =	wrdreg s0;
	s0 =	sshrl.u32 @p0 s18, $0x3  }
0x26: {  	s18 =	simm.s32 $0x5;
	[dreg:$0x10] =	wrdreg s0;
	s0 =	sshrl.u32 @p0 s15, $0x3  }
0x27: {  	s15 =	simm.s32 $0x4;
	[dreg:$0x11] =	wrdreg s0;
	s0 =	sshrl.u32 @p0 s13, $0x3  }
.Ltmp0:
0x28: {  	[dreg:$0x12] =	wrdreg s0;
	s0 =	sshrl.u32 @!p0 s9, $0x3;
	(pc) =	sbr.rel .LBB2_1-.Ltmp0, $4  }
0x29: {  	s13 =	simm.s32 $0x7;
	[dreg:$0x13] =	wrdreg s0;
	s0 =	sshrl.u32 @!p0 s12, $0x3  }
0x2a: {  	s9 =	simm.s32 $0x4600;
	[dreg:$0x14] =	wrdreg s0;
	s0 =	sshrl.u32 @!p0 s10, $0x3  }
0x2b: {  	s12 =	simm.s32 $0x1;
	[dreg:$0x15] =	wrdreg s0;
	s0 =	sshrl.u32 @!p0 s11, $0x3  }
0x2c: {  	s10 =	simm.s32 $0x200;
	s11 =	simm.s32 $0x8600;
	[dreg:$0x16] =	wrdreg s0  }
.LBB2_4:
0x2d: {  	_ =	swait.ge [sflag:s21], $0x4000  }
0x2e: {  	[sflag:s21] =	ssyncset.done $0x0  }
0x2f: {  	[sflag:s21] =	ssyncadd.s32 $0xFFFFC000  }
0x30: {  	[spmem:s2] =	stream.indirect.scatter.add.f32 [tilespmem:s11], [sflag:$0x7], $0x80, s25, s6, $0xb8;
	v63 =	vld [tilespmem:$0x0]  }
0x31: {  	_ =	swait.ge [sflag:s13], $0x4000  }
0x32: {  	[sflag:s13] =	ssyncset.done $0x0  }
0x33: {  	[sflag:s13] =	ssyncadd.s32 $0xFFFFC000  }
0x34: {  	[bflag:$0x0] =	sbarrier.arrive $0xFFFF  }
0x35: {  	s5 =	rddreg [dreg:$0xd]  }
0x36: {  	s0 =	simm.s32 @p0 $0x1FC7;
	s28 =	rddreg [dreg:$0x1d]  }
0x37: {  	[hbm:s5], [sflag:s0] =	dma.local @p0 [spmem:s28], $0x1900  }
0x38: {  	s0 =	simm.s32 @p0 $0x7  }
0x39: {  	_ =	swait.ge @p0 [sflag:s0], $0x1900  }
0x3a: {  	[sflag:s0] =	ssyncset.done @p0 $0x0  }
0x3b: {  	[sflag:s0] =	ssyncadd.s32 @p0 $0xFFFFE700;
	s0 =	rddreg [dreg:$0x1e]  }
0x3c: {  	s5 =	rddreg [dreg:$0xb];
	s0 =	sor.u32 @!p0 $0x1C07, s0  }
0x3d: {  	[hbm:s5], [sflag:s0] =	dma.local @!p0 [spmem:s30], $0x2800  }
0x3e: {  	s0 =	simm.s32 @!p0 $0x7  }
0x3f: {  	_ =	swait.ge @!p0 [sflag:s0], $0x2800  }
0x40: {  	s26 =	sadd.s32 $0x1, s26;
	s31 =	rddreg [dreg:$0xe]  }
0x41: {  	p1 =	sne.s32 s26, s31  }
.Ltmp1:
0x42: {  	_ = 	snop;
	(pc) =	sbr.rel @!p1 .LBB2_5-.Ltmp1, $3  }
0x43: {  	_ =	sdelay $0x1  }
0x44: {  	[sflag:s0] =	ssyncset.done @!p0 $0x0  }
0x45: {  	[sflag:s0] =	ssyncadd.s32 @!p0 $0xFFFFD800  }
.LBB2_1:
0x46: {  	s0 =	rddreg [dreg:$0xa]  }
0x47: {  	s5 =	sshrl.u32 @p0 s0, $0x3;
	s0 =	rddreg [dreg:$0x17]  }
0x48: {  	s29 =	simm.s32 @p0 $0x1FC1;
	[dreg:$0x1d] =	wrdreg s5  }
0x49: {  	[spmem:s5], [sflag:s29] =	dma.local @p0 [hbm:s0], $0x800  }
0x4a: {  	s0 =	rddreg [dreg:$0xf]  }
0x4b: {  	s5 =	rddreg [dreg:$0x18]  }
0x4c: {  	[spmem:s0], [sflag:s29] =	dma.local @p0 [hbm:s5], $0x800  }
0x4d: {  	s0 =	rddreg [dreg:$0x10]  }
0x4e: {  	s5 =	rddreg [dreg:$0x19]  }
0x4f: {  	[spmem:s0], [sflag:s29] =	dma.local @p0 [hbm:s5], $0x800  }
0x50: {  	s0 =	rddreg [dreg:$0x11]  }
0x51: {  	s5 =	rddreg [dreg:$0x1a]  }
0x52: {  	[spmem:s0], [sflag:s29] =	dma.local @p0 [hbm:s5], $0x80  }
0x53: {  	s0 =	rddreg [dreg:$0x12]  }
0x54: {  	s5 =	rddreg [dreg:$0x1b]  }
0x55: {  	[spmem:s0], [sflag:s29] =	dma.local @p0 [hbm:s5], $0x80  }
0x56: {  	s0 =	stileid.u32  }
0x57: {  	s0 =	sshll.u32 @!p0 s0, $0x6  }
0x58: {  	[dreg:$0x1e] =	wrdreg s0  }
0x59: {  	s31 =	sor.u32 @!p0 $0x1C01, s0;
	s0 =	rddreg [dreg:$0x4]  }
0x5a: {  	s30 =	sshrl.u32 @!p0 s0, $0x3;
	s0 =	rddreg [dreg:$0x5]  }
0x5b: {  	[spmem:s30], [sflag:s31] =	dma.local @!p0 [hbm:s0], $0x800  }
0x5c: {  	s0 =	rddreg [dreg:$0x6]  }
0x5d: {  	s5 =	rddreg [dreg:$0x13]  }
0x5e: {  	[spmem:s5], [sflag:s31] =	dma.local @!p0 [hbm:s0], $0x800  }
0x5f: {  	s0 =	rddreg [dreg:$0x7]  }
0x60: {  	s5 =	rddreg [dreg:$0x14]  }
0x61: {  	[spmem:s5], [sflag:s31] =	dma.local @!p0 [hbm:s0], $0x800  }
0x62: {  	s0 =	rddreg [dreg:$0x8]  }
0x63: {  	s5 =	rddreg [dreg:$0x15]  }
0x64: {  	[spmem:s5], [sflag:s31] =	dma.local @!p0 [hbm:s0], $0x800  }
0x65: {  	s0 =	rddreg [dreg:$0x9]  }
0x66: {  	s5 =	rddreg [dreg:$0x16]  }
0x67: {  	[spmem:s5], [sflag:s31] =	dma.local @!p0 [hbm:s0], $0x800  }
0x68: {  	s0 =	rddreg [dreg:$0xc]  }
0x69: {  	[tilespmem:s4], [sflag:$0x2] =	stream.linear.gather [hbm4b:s0+s4], $0x300, $0x38;
	v63 =	vld [tilespmem:$0x0]  }
0x6a: {  	s29 =	simm.s32 $0x2;
	s28 =	rddreg [dreg:$0x1c]  }
0x6b: {  	[tilespmem:s3], [sflag:$0x3] =	stream.linear.gather [hbm4b:s28+s4], $0x300, $0x38;
	v63 =	vld [tilespmem:$0x0]  }
0x6c: {  	_ =	swait.ge [sflag:s29], $0x300  }
0x6d: {  	[sflag:s29] =	ssyncset.done $0x0  }
0x6e: {  	[sflag:s29] =	ssyncadd.s32 $0xFFFFFD00  }
0x6f: {  	[tilespmem:s7], [sflag:$0x4] =	stream.indirect.gather [hbm4b:s1+s6], $0x80, s4, s6, $0xb8;
	v63 =	vld [tilespmem:$0x0]  }
0x70: {  	_ = 	snop  }
0x71: {  	[tilespmem:s9], [sflag:$0x5] =	stream.indirect.gather [hbm4b:s1+s6], $0x80, s8, s6, $0xb8;
	v63 =	vld [tilespmem:$0x0]  }
0x72: {  	_ = 	snop  }
0x73: {  	[tilespmem:s11], [sflag:$0x6] =	stream.indirect.gather [hbm4b:s1+s6], $0x80, s10, s6, $0xb8;
	v63 =	vld [tilespmem:$0x0]  }
0x74: {  	_ =	swait.ge [sflag:s12], $0x800  }
0x75: {  	[sflag:s12] =	ssyncset.done $0x0  }
0x76: {  	[sflag:s12] =	ssyncadd.s32 $0xFFFFF800  }
0x77: {  	_ =	swait.ge [sflag:s12], $0x800  }
0x78: {  	[sflag:s12] =	ssyncset.done $0x0  }
0x79: {  	[sflag:s12] =	ssyncadd.s32 $0xFFFFF800  }
0x7a: {  	_ =	swait.ge [sflag:s12], $0x800  }
0x7b: {  	[sflag:s12] =	ssyncset.done $0x0  }
0x7c: {  	s31 =	simm.s32 @p0 $0x1;
	[sflag:s12] =	ssyncadd.s32 $0xFFFFF800  }
0x7d: {  	_ =	swait.ge @p0 [sflag:s31], $0x80  }
0x7e: {  	[sflag:s31] =	ssyncset.done @p0 $0x0  }
0x7f: {  	[sflag:s31] =	ssyncadd.s32 @p0 $0xFFFFFF80  }
0x80: {  	_ =	swait.ge @p0 [sflag:s31], $0x80  }
0x81: {  	[sflag:s31] =	ssyncset.done @p0 $0x0  }
0x82: {  	[sflag:s31] =	ssyncadd.s32 @p0 $0xFFFFFF80;
	s31 =	simm.s32 @!p0 $0x1  }
0x83: {  	_ =	swait.ge @!p0 [sflag:s31], $0x800  }
0x84: {  	[sflag:s31] =	ssyncset.done @!p0 $0x0  }
0x85: {  	[sflag:s31] =	ssyncadd.s32 @!p0 $0xFFFFF800  }
0x86: {  	_ =	swait.ge @!p0 [sflag:s31], $0x800  }
0x87: {  	[sflag:s31] =	ssyncset.done @!p0 $0x0  }
0x88: {  	[sflag:s31] =	ssyncadd.s32 @!p0 $0xFFFFF800  }
0x89: {  	s31 =	simm.s32 $0x0;
	[bflag:$0x0] =	sbarrier.arrive $0xFFFF  }
.LBB2_2:
0x8a: {  	_ =	swait.ge [sflag:s14], $0x300  }
0x8b: {  	[sflag:s14] =	ssyncset.done $0x0  }
0x8c: {  	[sflag:s14] =	ssyncadd.s32 $0xFFFFFD00  }
0x8d: {  	_ =	swait.ge [sflag:s15], $0x4000  }
0x8e: {  	[sflag:s15] =	ssyncset.done $0x0  }
0x8f: {  	[sflag:s15] =	ssyncadd.s32 $0xFFFFC000  }
0x90: {  	[spmem:s2] =	stream.indirect.scatter.add.f32 [tilespmem:s7], [sflag:$0x7], $0x80, s6, s6, $0xb8;
	v63 =	vld [tilespmem:$0x0]  }
0x91: {  	_ =	swait.ge [sflag:s13], $0x4000  }
0x92: {  	[sflag:s13] =	ssyncset.done $0x0  }
0x93: {  	[sflag:s13] =	ssyncadd.s32 $0xFFFFC000  }
0x94: {  	[tilespmem:s7], [sflag:$0x4] =	stream.indirect.gather [hbm4b:s1+s6], $0x80, s3, s6, $0xb8;
	v63 =	vld [tilespmem:$0x0]  }
0x95: {  	_ =	swait.ge [sflag:s18], $0x4000  }
0x96: {  	[sflag:s18] =	ssyncset.done $0x0  }
0x97: {  	[sflag:s18] =	ssyncadd.s32 $0xFFFFC000  }
0x98: {  	[spmem:s2] =	stream.indirect.scatter.add.f32 [tilespmem:s9], [sflag:$0x7], $0x80, s19, s6, $0xb8;
	v63 =	vld [tilespmem:$0x0]  }
0x99: {  	_ =	swait.ge [sflag:s13], $0x4000  }
0x9a: {  	[sflag:s13] =	ssyncset.done $0x0  }
0x9b: {  	[sflag:s13] =	ssyncadd.s32 $0xFFFFC000  }
0x9c: {  	[tilespmem:s9], [sflag:$0x5] =	stream.indirect.gather [hbm4b:s1+s6], $0x80, s20, s6, $0xb8;
	v63 =	vld [tilespmem:$0x0]  }
0x9d: {  	_ =	swait.ge [sflag:s21], $0x4000  }
0x9e: {  	[sflag:s21] =	ssyncset.done $0x0  }
0x9f: {  	[sflag:s21] =	ssyncadd.s32 $0xFFFFC000  }
0xa0: {  	[spmem:s2] =	stream.indirect.scatter.add.f32 [tilespmem:s11], [sflag:$0x7], $0x80, s22, s6, $0xb8;
	v63 =	vld [tilespmem:$0x0]  }
0xa1: {  	_ =	swait.ge [sflag:s13], $0x4000  }
0xa2: {  	p1 =	seq.s32 s31, $0x9C0;
	[sflag:s13] =	ssyncset.done $0x0  }
0xa3: {  	s0 =	simm.s32 @p1 $0x4;
	[sflag:s13] =	ssyncadd.s32 $0xFFFFC000  }
0xa4: {  	[tilespmem:s11], [sflag:$0x6] =	stream.indirect.gather [hbm4b:s1+s6], $0x80, s23, s6, $0xb8;
	v63 =	vld [tilespmem:$0x0]  }
0xa5: {  	_ =	swait.ge @p1 [sflag:s0], $0x4000  }
0xa6: {  	s5 =	simm.s32 @p1 $0x380;
	[sflag:s0] =	ssyncset.done @p1 $0x0  }
0xa7: {  	s28 =	simm.s32 @p1 $0x600;
	[sflag:s0] =	ssyncadd.s32 @p1 $0xFFFFC000;
	s0 =	simm.s32 @p1 $0x80  }
0xa8: {  	[spmem:s2] =	stream.indirect.scatter.add.f32 @p1 [tilespmem:s28], [sflag:$0x7], $0x80, s5, s0, $0xb8;
	v63 =	vld [tilespmem:$0x0]  }
0xa9: {  	s0 =	simm.s32 @p1 $0x7  }
0xaa: {  	_ =	swait.ge @p1 [sflag:s0], $0x4000  }
0xab: {  	[sflag:s0] =	ssyncset.done @p1 $0x0  }
0xac: {  	s5 =	simm.s32 @!p1 $0x0;
	[sflag:s0] =	ssyncadd.s32 @p1 $0xFFFFC000;
	s0 =	sadd.s32 @!p1 s31, s17  }
0xad: {  	[tilespmem:s5], [sflag:$0x2] =	stream.linear.gather @!p1 [hbm4b:s0+s5], $0x300, $0x38;
	v63 =	vld [tilespmem:$0x0]  }
0xae: {  	s0 =	simm.s32 @!p1 $0x4  }
0xaf: {  	_ =	swait.ge @!p1 [sflag:s0], $0x4000  }
0xb0: {  	s29 =	simm.s32 @!p1 $0x600;
	[sflag:s0] =	ssyncset.done @!p1 $0x0  }
0xb1: {  	s28 =	simm.s32 @!p1 $0x380;
	[sflag:s0] =	ssyncadd.s32 @!p1 $0xFFFFC000;
	s0 =	simm.s32 @!p1 $0x80  }
0xb2: {  	[spmem:s2] =	stream.indirect.scatter.add.f32 @!p1 [tilespmem:s29], [sflag:$0x7], $0x80, s28, s0, $0xb8;
	v63 =	vld [tilespmem:$0x0]  }
0xb3: {  	s28 =	simm.s32 @!p1 $0x7  }
0xb4: {  	_ =	swait.ge @!p1 [sflag:s28], $0x4000  }
0xb5: {  	[sflag:s28] =	ssyncset.done @!p1 $0x0  }
0xb6: {  	[sflag:s28] =	ssyncadd.s32 @!p1 $0xFFFFC000;
	s28 =	simm.s32 @!p1 $0x2  }
0xb7: {  	_ =	swait.ge @!p1 [sflag:s28], $0x300  }
0xb8: {  	[sflag:s28] =	ssyncset.done @!p1 $0x0  }
0xb9: {  	[sflag:s28] =	ssyncadd.s32 @!p1 $0xFFFFFD00  }
0xba: {  	[tilespmem:s29], [sflag:$0x4] =	stream.indirect.gather @!p1 [hbm4b:s1+s0], $0x80, s5, s0, $0xb8;
	v63 =	vld [tilespmem:$0x0]  }
0xbb: {  	_ =	swait.ge [sflag:s18], $0x4000  }
0xbc: {  	[sflag:s18] =	ssyncset.done $0x0  }
.Ltmp2:
0xbd: {  	[sflag:s18] =	ssyncadd.s32 $0xFFFFC000;
	(pc) =	sbr.rel @p1 .LBB2_4-.Ltmp2, $4  }
0xbe: {  	[spmem:s2] =	stream.indirect.scatter.add.f32 [tilespmem:s9], [sflag:$0x7], $0x80, s24, s6, $0xb8;
	v63 =	vld [tilespmem:$0x0]  }
0xbf: {  	_ =	swait.ge [sflag:s13], $0x4000  }
0xc0: {  	[sflag:s13] =	ssyncset.done $0x0  }
0xc1: {  	[sflag:s13] =	ssyncadd.s32 $0xFFFFC000  }
0xc2: {  	[tilespmem:s9], [sflag:$0x5] =	stream.indirect.gather [hbm4b:s1+s6], $0x80, s8, s6, $0xb8;
	v63 =	vld [tilespmem:$0x0]  }
0xc3: {  	_ =	swait.ge [sflag:s21], $0x4000  }
0xc4: {  	[sflag:s21] =	ssyncset.done $0x0  }
0xc5: {  	[sflag:s21] =	ssyncadd.s32 $0xFFFFC000  }
0xc6: {  	[spmem:s2] =	stream.indirect.scatter.add.f32 [tilespmem:s11], [sflag:$0x7], $0x80, s25, s6, $0xb8;
	v63 =	vld [tilespmem:$0x0]  }
0xc7: {  	_ =	swait.ge [sflag:s13], $0x4000  }
.Ltmp3:
0xc8: {  	[sflag:s13] =	ssyncset.done $0x0;
	(pc) =	sbr.rel .LBB2_2-.Ltmp3, $4  }
0xc9: {  	[sflag:s13] =	ssyncadd.s32 $0xFFFFC000  }
0xca: {  	[tilespmem:s11], [sflag:$0x6] =	stream.indirect.gather [hbm4b:s1+s6], $0x80, s10, s6, $0xb8;
	v63 =	vld [tilespmem:$0x0]  }
0xcb: {  	s0 =	sadd.s32 s31, s16;
	s31 =	sadd.s32 $0xC0, s31  }
0xcc: {  	[tilespmem:s3], [sflag:$0x3] =	stream.linear.gather [hbm4b:s0+s4], $0x300, $0x38;
	v63 =	vld [tilespmem:$0x0]  }
.LBB2_5:
0xcd: {  	_ =	sfence.sel $0x180000  }
0xce: {  	[bflag:$0x0] =	sbarrier.arrive $0xFFFF  }
0xcf: {  	_ =	strace $0x90000047  }
0xd0: {  	s0 =	stileid.u32;
	[bflag:$0x2] =	sbarrier.arrive $0xFFFF  }
0xd1: {  	p0 =	sne.s32 s0, $0x0;
	s0 =	rddreg [dreg:$0x3]  }
0xd2: {  	s0 =	sadd.s32 @!p0 $0x100000, s0  }
0xd3: {  	[sflag:s0] =	ssyncadd.tile.s32 @!p0 $0x1;
	_ =	shalt  }
.Lfunc_end2:
_tile_overlayer_lowered:
.L_overlay_start_2:
0xd4: {  	(tag) =	ssettag $0x2  }
0xd5: {  	s0 =	rddreg [dreg:$0x0];
	s2 =	stileid.u32  }
0xd6: {  	s1 =	rddreg [dreg:$0x1];
	p0 =	sne.s32 s2, $0x0  }
0xd7: {  	s3 =	rddreg [dreg:$0x2];
	[bflag:$0x3] =	sbarrier.arrive $0xFFFF;
	s2 =	simm.s32 @!p0 $0x1C07  }
0xd8: {  	[timem:s3], [sflag:s2] =	dma.local @!p0 [hbm:s0], s1  }
0xd9: {  	s0 =	simm.s32 @!p0 $0x7  }
0xda: {  	_ =	swait.ge @!p0 [sflag:s0], s1  }
0xdb: {  	s1 =	ssub.s32 @!p0 $0x0, s1;
	[sflag:s0] =	ssyncset.done @!p0 $0x0  }
0xdc: {  	[sflag:s0] =	ssyncadd.s32 @!p0 s1  }
0xdd: {  	[bflag:$0x3] =	sbarrier.arrive $0xFFFF  }
0xde: {  	_ =	shalt  }

// kernel: kernel.9.cloned.1.call-start
scs
__scs_entry_jumppad:
0x0: {  	(pc) =	sbr.rel $0x88, $3  }
0x1: {  	(tag) =	ssettag $0x0;
	lr =	simm.s32 $0x1  }
0x2: {  	[smem:$0x3F95] =	sst lr;
	_ =	strace $0xD0000000  }
0x3: {  	_ = 	snop  }
0x4: {  	_ = 	snop  }
0x5: {  	_ = 	snop  }
0x6: {  	_ = 	snop  }
0x7: {  	_ = 	snop  }
__scs_overlays_trampoline_lowered:
0x8: {  	[smem:$0x3FA4] =	sst s0  }
0x9: {  	[smem:$0x3FA5] =	sst s1  }
0xa: {  	[smem:$0x3FA6] =	sst s2  }
0xb: {  	[smem:$0x3FA7] =	sst s3  }
0xc: {  	[smem:$0x3FA8] =	sst s4  }
0xd: {  	[smem:$0x3FA9] =	sst s5  }
0xe: {  	[smem:$0x3FAA] =	sst s6  }
0xf: {  	[smem:$0x3FAB] =	sst s7  }
0x10: {  	[smem:$0x3FAC] =	sst s8  }
0x11: {  	[smem:$0x3FAD] =	sst s9;
	s0 =	simm.s32 @!p0 $0x0  }
0x12: {  	s1 =	sld [smem:$0x3F93];
	s0 =	simm.s32 @p0 $0x1  }
0x13: {  	[smem:$0x3FAE] =	sst s0;
	s0 =	simm.s32 @!p1 $0x0  }
0x14: {  	s2 =	sld [smem:$0x3F92];
	s0 =	simm.s32 @p1 $0x1  }
0x15: {  	[smem:$0x3FAF] =	sst s0;
	s0 =	simm.s32 @!p2 $0x0  }
0x16: {  	s3 =	sld [smem:$0x3FDB];
	s0 =	simm.s32 @p2 $0x1  }
0x17: {  	s4 =	simm.s32 $0x1BF5;
	[smem:$0x3FB1] =	sst s0  }
0x18: {  	s0 =	sld [smem:$0x3F94];
	_ =	swait.ge [sflag:s4], $0x0  }
0x19: {  	s7 =	sld [smem:$0x3F95]  }
0x1a: {  	s8 =	sadd.s32 $0xFFFFE003, lr  }
0x1b: {  	s9 =	sadd.s32 $0xFFFFFEF7, lr;
	s5 =	simm.s32 $0xFFFFFFFF;
	p2 =	slt.u32 s8, $0xFFFFF086  }
0x1c: {  	p1 =	slt.u32 s9, $0xF7A;
	s5 =	simm.s32 @!p2 $0x0  }
0x1d: {  	s5 =	simm.s32 @p1 $0x1;
	p0 =	seq.s32 s7, s2  }
0x1e: {  	s7 =	smul.u32 @!p0 $0xF7A, s2;
	p2 =	seq.s32 @!p0 s5, $0x0  }
0x1f: {  	s9 =	smul.u32 $0xF7A, s1;
	s8 =	simm.s32 @!p0 $0x1BF5;
	p2 =	por !p2, p0  }
0x20: {  	[sflag:s8] =	ssyncset.s32 @!p0 $0xFFFFF086;
	s6 =	sadd.s32 @!p0 s3, s7;
	s7 =	simm.s32 @!p0 $0x108  }
0x21: {  	s3 =	sadd.s32 s3, s9;
	s6 =	sadd.s32 @!p0 $0x88, s6;
	s7 =	simm.s32 @p2 $0x1082  }
0x22: {  	[simem:s7], [sflag:s8] =	dma.local @!p0 [hbm:s6], $0xF7A  }
0x23: {  	s9 =	sor.u32 $0xD0000000, s2;
	s6 =	simm.s32 $0x108;
	_ =	swait.ge @!p0 [sflag:s8], $0x0  }
0x24: {  	s3 =	sadd.s32 $0x88, s3;
	s6 =	simm.s32 @!p1 $0x1082;
	[sflag:s4] =	ssyncset.s32 $0xFFFFF086  }
0x25: {  	[simem:s6], [sflag:s4] =	dma.local [hbm:s3], $0xF7A  }
0x26: {  	[smem:$0x3F95] =	sst s1;
	(tag) =	ssettag s2;
	_ =	strace s9  }
0x27: {  	s1 =	sld [smem:$0x3FA5]  }
0x28: {  	s2 =	sld [smem:$0x3FA6]  }
0x29: {  	s4 =	sld [smem:$0x3FA8]  }
0x2a: {  	p0 =	seq.s32 s5, $0x0;
	s5 =	sld [smem:$0x3FA9]  }
0x2b: {  	s6 =	sld [smem:$0x3FAA]  }
0x2c: {  	s7 =	sld [smem:$0x3FAB]  }
0x2d: {  	s3 =	simm.s32 $0x108;
	s8 =	sld [smem:$0x3FAC]  }
0x2e: {  	s3 =	simm.s32 @!p0 $0x1082;
	s9 =	sld [smem:$0x3FAD]  }
0x2f: {  	lr =	sadd.s32 s0, s3;
	s0 =	sld [smem:$0x3FA4]  }
0x30: {  	s3 =	sld [smem:$0x3FA7]  }
0x31: {  	[smem:$0x3FB0] =	sst s10  }
0x32: {  	s10 =	sld [smem:$0x3FAE];
	_ =	sdelay $0x3  }
0x33: {  	p0 =	seq.s32 s10, $0x1;
	s10 =	sld [smem:$0x3FB0];
	_ =	sdelay $0x3  }
0x34: {  	[smem:$0x3FB0] =	sst s10  }
0x35: {  	s10 =	sld [smem:$0x3FAF];
	_ =	sdelay $0x3  }
0x36: {  	p1 =	seq.s32 s10, $0x1;
	s10 =	sld [smem:$0x3FB0];
	_ =	sdelay $0x3  }
0x37: {  	[smem:$0x3FB0] =	sst s10  }
0x38: {  	s10 =	sld [smem:$0x3FB1]  }
0x39: {  	_ = 	snop;
	(pc) =	sbr.ind lr, $3  }
0x3a: {  	_ = 	snop  }
0x3b: {  	_ = 	snop  }
0x3c: {  	p2 =	seq.s32 s10, $0x1;
	s10 =	sld [smem:$0x3FB0]  }
0x3d: {  	_ =	shalt  }
0x3e: {  	_ =	shalt  }
0x3f: {  	_ =	shalt  }
0x40: {  	_ =	shalt  }
0x41: {  	_ =	shalt  }
0x42: {  	_ =	shalt  }
0x43: {  	_ =	shalt  }
0x44: {  	_ =	shalt  }
0x45: {  	_ =	shalt  }
0x46: {  	_ =	shalt  }
0x47: {  	_ =	shalt  }
0x48: {  	_ =	shalt  }
0x49: {  	_ =	shalt  }
0x4a: {  	_ =	shalt  }
0x4b: {  	_ =	shalt  }
0x4c: {  	_ =	shalt  }
0x4d: {  	_ =	shalt  }
0x4e: {  	_ =	shalt  }
0x4f: {  	_ =	shalt  }
0x50: {  	_ =	shalt  }
0x51: {  	_ =	shalt  }
0x52: {  	_ =	shalt  }
0x53: {  	_ =	shalt  }
0x54: {  	_ =	shalt  }
0x55: {  	_ =	shalt  }
0x56: {  	_ =	shalt  }
0x57: {  	_ =	shalt  }
0x58: {  	_ =	shalt  }
0x59: {  	_ =	shalt  }
0x5a: {  	_ =	shalt  }
0x5b: {  	_ =	shalt  }
0x5c: {  	_ =	shalt  }
0x5d: {  	_ =	shalt  }
0x5e: {  	_ =	shalt  }
0x5f: {  	_ =	shalt  }
0x60: {  	_ =	shalt  }
0x61: {  	_ =	shalt  }
0x62: {  	_ =	shalt  }
0x63: {  	_ =	shalt  }
0x64: {  	_ =	shalt  }
0x65: {  	_ =	shalt  }
0x66: {  	_ =	shalt  }
0x67: {  	_ =	shalt  }
0x68: {  	_ =	shalt  }
0x69: {  	_ =	shalt  }
0x6a: {  	_ =	shalt  }
0x6b: {  	_ =	shalt  }
0x6c: {  	_ =	shalt  }
0x6d: {  	_ =	shalt  }
0x6e: {  	_ =	shalt  }
0x6f: {  	_ =	shalt  }
0x70: {  	_ =	shalt  }
0x71: {  	_ =	shalt  }
0x72: {  	_ =	shalt  }
0x73: {  	_ =	shalt  }
0x74: {  	_ =	shalt  }
0x75: {  	_ =	shalt  }
0x76: {  	_ =	shalt  }
0x77: {  	_ =	shalt  }
0x78: {  	_ =	shalt  }
0x79: {  	_ =	shalt  }
0x7a: {  	_ =	shalt  }
0x7b: {  	_ =	shalt  }
0x7c: {  	_ =	shalt  }
0x7d: {  	_ =	shalt  }
0x7e: {  	_ =	shalt  }
0x7f: {  	_ =	shalt  }
0x80: {  	_ =	shalt  }
0x81: {  	_ =	shalt  }
0x82: {  	_ =	shalt  }
0x83: {  	_ =	shalt  }
0x84: {  	_ =	shalt  }
0x85: {  	_ =	shalt  }
0x86: {  	_ =	shalt  }
0x87: {  	_ =	shalt  }
.Lfunc_end0:
.L_simem_size_0:
called_computation.1_lowered:
.L_overlay_start_0:
0x88: {  	s2 =	sld [smem:$0x3FD9]  }
0x89: {  	s3 =	sld [smem:$0x3FFE];
	_ =	sdelay $0x1  }
0x8a: {  	s1 =	srdreg.scid  }
0x8b: {  	s0 =	sand.u32 $0x1, s1  }
0x8c: {  	s16 =	sshll.u32 s0, $0xA;
	s2 =	sadd.s32 s3, s2  }
0x8d: {  	s2 =	sadd.s32 s2, s16  }
0x8e: {  	[smem:$0x3FBC] =	sst s2  }
0x8f: {  	_ = 	snop  }
0x90: {  	(tm) =	ssettm $0x1  }
0x91: {  	s17 =	sld [smem:$0x3FFB];
	_ =	sdelay $0x3  }
0x92: {  	_ =	strace s17  }
0x93: {  	s2 =	sld [smem:$0x3FFC];
	_ =	sdelay $0x3  }
0x94: {  	_ =	strace s2  }
0x95: {  	s2 =	sld [smem:$0x3FFD];
	_ =	sdelay $0x3  }
0x96: {  	_ =	strace s2  }
0x97: {  	_ =	strace $0x8FFFFFFF  }
0x98: {  	s18 =	sld [smem:$0x3FDB];
	_ =	sdelay $0x1  }
0x99: {  	s19 =	simm.s32 $_scs_section_size  }
0x9a: {  	s4 =	simm.s32 $_size__tile_overlayer_lowered;
	s5 =	simm.s32 $_tile_overlayer_lowered  }
0x9b: {  	s22 =	simm.s32 $0x1BFF;
	s21 =	sshll.u32 s5, $0x1;
	s2 =	sadd.s32 s19, s18  }
0x9c: {  	s6 =	simm.s32 $0x0;
	s20 =	sshll.u32 s4, $0x1;
	s4 =	sadd.s32 s21, s2  }
0x9d: {  	[timem:s6], [sflag:s22] =	dma.local [hbm:s4], s20  }
0x9e: {  	_ =	swait.ge [sflag:s22], s20  }
0x9f: {  	s3 =	ssub.s32 $0x0, s20;
	[sflag:s22] =	ssyncset.done $0x0  }
0xa0: {  	[sflag:s22] =	ssyncadd.s32 s3;
	_ =	sdelay $0x1  }
0xa1: {  	s23 =	simm.s32 $0x1B8B  }
0xa2: {  	_ =	swait.ge [sflag:s23], $0x1  }
0xa3: {  	[sflag:s23] =	ssyncset.done $0x0  }
0xa4: {  	s25 =	simm.s32 $0x1B8E;
	s24 =	sld [smem:$0x3FFE];
	[sflag:s23] =	ssyncadd.s32 $0xFFFFFFFF  }
0xa5: {  	s26 =	simm.s32 $execute0_lowered;
	[smem:$0x3FD2] =	sst s25  }
0xa6: {  	s4 =	sshll.u32 s26, $0x1;
	_ =	strace $0x80000049;
	[dreg:$0x1] =	wrdreg $0xFFFFFFFF  }
0xa7: {  	s28 =	simm.s32 $_size_execute0_lowered;
	s2 =	sadd.s32 s2, s4;
	[dreg:$0x0] =	wrdreg $0x0  }
0xa8: {  	s4 =	sshll.u32 s28, $0x1;
	[dreg:$0x2] =	wrdreg s2  }
0xa9: {  	[dreg:$0x3] =	wrdreg s4  }
0xaa: {  	[dreg:$0x4] =	wrdreg $0xC0  }
0xab: {  	_ =	task [dreg:s6], $0x5FFFF  }
0xac: {  	[dreg:$0x1] =	wrdreg $0xFFFFFFFF  }
0xad: {  	[dreg:$0x0] =	wrdreg $0x60  }
0xae: {  	[dreg:$0x2] =	wrdreg s24  }
0xaf: {  	[dreg:$0x3] =	wrdreg $0xC6000  }
0xb0: {  	[dreg:$0x4] =	wrdreg $0x9  }
0xb1: {  	_ =	task.clear_ibuf [dreg:s6], $0x5FFFF;
	_ =	strace $0x90000049  }
0xb2: {  	s29 =	simm.s32 $0x9;
	_ =	strace $0x8000004B  }
0xb3: {  	_ =	swait.ge [sflag:s29], $0x1  }
0xb4: {  	[sflag:s29] =	ssyncadd.s32 $0xFFFFFFFF  }
0xb5: {  	_ =	strace $0x9000004B  }
0xb6: {  	_ =	sfence  }
0xb7: {  	s30 =	sld [smem:$0x0];
	_ =	sdelay $0x2  }
0xb8: {  	s31 =	sshll.u32 s1, $0xD;
	s1 =	sshrl.u32 s1, $0x2  }
0xb9: {  	s3 =	sand.u32 $0x4000, s31;
	s1 =	sadd.s32 s1, s30  }
0xba: {  	s0 =	sor.u32 s3, s0;
	s1 =	sshll.u32 s1, $0x11  }
0xbb: {  	s0 =	sor.u32 s1, s0  }
0xbc: {  	s0 =	sadd.s32 $0x8F2B, s0  }
0xbd: {  	[sflag:s0] =	ssyncadd.remote.s32 $0x1  }
0xbe: {  	_ =	sfence.sel $0xFFFF  }
0xbf: {  	[dreg:$0x0] =	wrdreg $0xFFFFFFFF;
	(pc) =	sbr.abs _section_cstart, $3  }
0xc0: {  	[dreg:$0x1] =	wrdreg $0xFFFFFFFF  }
0xc1: {  	_ =	task.clear_ibuf [dreg:s6], $0x2FFFF;
	_ =	strace $0x9FFFFFFF  }
0xc2: {  	(tm) =	ssettm $0x7FFFFFFF  }
0xc3: {  	_ =	shalt  }
tec
execute0_lowered:
.L_overlay_start_1:
0x0: {  	(tag) =	ssettag $0x1  }
0x1: {  	s0 =	rddreg [dreg:$0x0]  }
0x2: {  	s1 =	rddreg [dreg:$0x1];
	s3 =	simm.s32 $0x0;
	s2 =	srdreg.scid  }
0x3: {  	s17 =	stileid.u32;
	[smem:$0x7FF] =	sst s3  }
0x4: {  	s2 =	sand.u32 $0x1, s2;
	s4 =	sadd.s32 $0x17600, s0;
	s6 =	smul.u32 $0x280, s17  }
0x5: {  	s7 =	sadd.s32 $0x2600, s0;
	s9 =	smul.u32 $0x50000, s17;
	s10 =	sadd.s32 $0x3E800, s0  }
0x6: {  	s13 =	sshll.u32 s17, $0x1;
	s11 =	smul.u32 $0x2800, s17;
	s20 =	sadd.s32 $0x3CE00, s0  }
0x7: {  	s24 =	sadd.s32 $0x3D600, s0;
	_ =	strace $0x8000004A;
	[dreg:$0x9] =	wrdreg s20  }
0x8: {  	s22 =	smul.u32 $0xA8, s17;
	s25 =	sadd.s32 $0x3DE00, s0;
	[dreg:$0xb] =	wrdreg s24  }
0x9: {  	s26 =	sadd.s32 $0x3E600, s0;
	s0 =	sadd.s32 $0x3E680, s0;
	[dreg:$0xc] =	wrdreg s25  }
0xa: {  	p0 =	seq.s32 s17, $0xF;
	s30 =	sadd.s32 $0x12C000, s1;
	[dreg:$0xe] =	wrdreg s26  }
0xb: {  	s5 =	ssub.s32 $0x2, s2;
	s19 =	smul.u32 $0x138800, s2;
	[dreg:$0xf] =	wrdreg s0  }
0xc: {  	[dreg:$0x1a] =	wrdreg s30;
	s24 =	simm.s32 $0x480;
	s25 =	simm.s32 $0x580  }
0xd: {  	s26 =	simm.s32 $0x0;
	s8 =	sshrl.u32 s5, $0x1;
	s9 =	sshrl.u32 s9, $0x2  }
0xe: {  	s12 =	sadd.s32 $0x80, s6;
	s11 =	sadd.s32 s4, s11;
	s16 =	sadd.s32 $0x100, s6  }
0xf: {  	s18 =	sadd.s32 $0x180, s6;
	s6 =	sadd.s32 $0x200, s6;
	s5 =	ssub.s32 s5, s8  }
0x10: {  	s8 =	sor.u32 s2, s13;
	s9 =	sadd.s32 s9, s1;
	s14 =	sshll.u32 s12, $0x7  }
0x11: {  	[dreg:$0x4] =	wrdreg s11;
	s15 =	sshll.u32 s12, $0x4;
	s13 =	sshll.u32 s16, $0x7  }
0x12: {  	s12 =	sshll.u32 s18, $0x4;
	s2 =	smul.u32 $0x54, s2;
	s23 =	sshrl.u32 s19, $0x3  }
0x13: {  	[dreg:$0x3] =	wrdreg s9;
	s9 =	sadd.s32 s14, s1;
	s11 =	sadd.s32 s4, s15  }
0x14: {  	s14 =	sshll.u32 s18, $0x7;
	s13 =	sadd.s32 s13, s1;
	s15 =	sshll.u32 s6, $0x7  }
0x15: {  	s6 =	sshll.u32 s6, $0x4;
	s12 =	sadd.s32 s4, s12;
	s8 =	smul.u32 $0xA80, s8  }
0x16: {  	s29 =	smax.u32 s5, $0x1;
	s5 =	sadd.s32 $0x138400, s1;
	s18 =	simm.s32 $0x180  }
0x17: {  	[dreg:$0x5] =	wrdreg s11;
	s11 =	sshll.u32 s16, $0x4;
	s16 =	smul.u32 $0x14000, s17  }
0x18: {  	[dreg:$0x7] =	wrdreg s12;
	s12 =	sadd.s32 s15, s1;
	s6 =	sadd.s32 s4, s6  }
0x19: {  	s2 =	sadd.s32 s2, s22;
	[dreg:$0x11] =	wrdreg s29;
	s17 =	simm.s32 $0x5  }
0x1a: {  	s15 =	simm.s32 $0x6;
	s22 =	simm.s32 $0x280;
	s11 =	sadd.s32 s4, s11  }
0x1b: {  	[dreg:$0x8] =	wrdreg s6;
	s8 =	sadd.s32 s7, s8;
	s2 =	sshll.u32 s2, $0x5  }
0x1c: {  	[dreg:$0x6] =	wrdreg s11;
	s11 =	sadd.s32 s14, s1;
	s21 =	sadd.s32 s16, s19  }
0x1d: {  	s16 =	sadd.s32 $0x130000, s1;
	s2 =	sadd.s32 s7, s2;
	[dreg:$0xd] =	wrdreg s8  }
0x1e: {  	s31 =	sadd.s32 $0x60, s8;
	s7 =	simm.s32 $0x600;
	s8 =	simm.s32 $0x100  }
0x1f: {  	s14 =	simm.s32 $0x4;
	s19 =	simm.s32 $0x400;
	s6 =	sshrl.u32 s21, $0x3  }
0x20: {  	s20 =	sadd.s32 $0x120, s2;
	s21 =	sadd.s32 $0xC0, s2;
	s0 =	sshrl.u32 @p0 s16, $0x3  }
0x21: {  	s2 =	sadd.s32 $0x138000, s1;
	[dreg:$0x1b] =	wrdreg s31;
	s16 =	simm.s32 $0x7  }
0x22: {  	s6 =	sadd.s32 s10, s6;
	[dreg:$0x12] =	wrdreg s0;
	s0 =	sadd.s32 $0x134000, s1  }
0x23: {  	[dreg:$0xa] =	wrdreg s6;
	s6 =	sadd.s32 s10, s23;
	s0 =	sshrl.u32 @p0 s0, $0x3  }
0x24: {  	s10 =	simm.s32 $0x200;
	s28 =	sadd.s32 $0x25800, s6;
	[dreg:$0x13] =	wrdreg s0  }
0x25: {  	s23 =	simm.s32 $0x500;
	s0 =	sshrl.u32 @p0 s2, $0x3;
	[dreg:$0x10] =	wrdreg s28  }
0x26: {  	s2 =	simm.s32 $0x300;
	[dreg:$0x14] =	wrdreg s0;
	s0 =	sshrl.u32 @p0 s5, $0x3  }
.Ltmp0:
0x27: {  	[dreg:$0x15] =	wrdreg s0;
	s0 =	sshrl.u32 @!p0 s9, $0x3;
	(pc) =	sbr.rel .LBB2_1-.Ltmp0, $4  }
0x28: {  	s6 =	simm.s32 $0x80;
	[dreg:$0x16] =	wrdreg s0;
	s0 =	sshrl.u32 @!p0 s13, $0x3  }
0x29: {  	s9 =	simm.s32 $0x4600;
	[dreg:$0x17] =	wrdreg s0;
	s0 =	sshrl.u32 @!p0 s11, $0x3  }
0x2a: {  	s13 =	simm.s32 $0x3;
	[dreg:$0x18] =	wrdreg s0;
	s0 =	sshrl.u32 @!p0 s12, $0x3  }
0x2b: {  	s11 =	simm.s32 $0x8600;
	s12 =	simm.s32 $0x1;
	[dreg:$0x19] =	wrdreg s0  }
.LBB2_4:
0x2c: {  	_ =	swait.ge [sflag:s15], $0x4000  }
0x2d: {  	[sflag:s15] =	ssyncset.done $0x0  }
0x2e: {  	[sflag:s15] =	ssyncadd.s32 $0xFFFFC000  }
0x2f: {  	[spmem:s1] =	stream.indirect.scatter.add.f32 [tilespmem:s11], [sflag:$0x7], $0x80, s25, s6, $0xb8;
	v63 =	vld [tilespmem:$0x0]  }
0x30: {  	_ =	swait.ge [sflag:s16], $0x4000  }
0x31: {  	[sflag:s16] =	ssyncset.done $0x0  }
0x32: {  	[sflag:s16] =	ssyncadd.s32 $0xFFFFC000  }
0x33: {  	[bflag:$0x0] =	sbarrier.arrive $0xFFFF  }
0x34: {  	s5 =	rddreg [dreg:$0x10]  }
0x35: {  	s0 =	simm.s32 @p0 $0x1FC7;
	s28 =	rddreg [dreg:$0x1c]  }
0x36: {  	[hbm:s5], [sflag:s0] =	dma.local @p0 [spmem:s28], $0x1900  }
0x37: {  	s0 =	simm.s32 @p0 $0x7  }
0x38: {  	_ =	swait.ge @p0 [sflag:s0], $0x1900  }
0x39: {  	[sflag:s0] =	ssyncset.done @p0 $0x0  }
0x3a: {  	[sflag:s0] =	ssyncadd.s32 @p0 $0xFFFFE700;
	s0 =	rddreg [dreg:$0x1d]  }
0x3b: {  	s5 =	rddreg [dreg:$0xa];
	s0 =	sor.u32 @!p0 $0x1C07, s0  }
0x3c: {  	[hbm:s5], [sflag:s0] =	dma.local @!p0 [spmem:s30], $0x2800  }
0x3d: {  	s0 =	simm.s32 @!p0 $0x7  }
0x3e: {  	_ =	swait.ge @!p0 [sflag:s0], $0x2800  }
0x3f: {  	s26 =	sadd.s32 $0x1, s26;
	s31 =	rddreg [dreg:$0x11]  }
0x40: {  	p1 =	sne.s32 s26, s31  }
.Ltmp1:
0x41: {  	_ = 	snop;
	(pc) =	sbr.rel @!p1 .LBB2_5-.Ltmp1, $3  }
0x42: {  	_ =	sdelay $0x1  }
0x43: {  	[sflag:s0] =	ssyncset.done @!p0 $0x0  }
0x44: {  	[sflag:s0] =	ssyncadd.s32 @!p0 $0xFFFFD800  }
.LBB2_1:
0x45: {  	s0 =	rddreg [dreg:$0x1a]  }
0x46: {  	s5 =	sshrl.u32 @p0 s0, $0x3;
	s0 =	rddreg [dreg:$0x9]  }
0x47: {  	s29 =	simm.s32 @p0 $0x1FC1;
	[dreg:$0x1c] =	wrdreg s5  }
0x48: {  	[spmem:s5], [sflag:s29] =	dma.local @p0 [hbm:s0], $0x800  }
0x49: {  	s0 =	rddreg [dreg:$0xb]  }
0x4a: {  	s5 =	rddreg [dreg:$0x12]  }
0x4b: {  	[spmem:s5], [sflag:s29] =	dma.local @p0 [hbm:s0], $0x800  }
0x4c: {  	s0 =	rddreg [dreg:$0xc]  }
0x4d: {  	s5 =	rddreg [dreg:$0x13]  }
0x4e: {  	[spmem:s5], [sflag:s29] =	dma.local @p0 [hbm:s0], $0x800  }
0x4f: {  	s0 =	rddreg [dreg:$0xe]  }
0x50: {  	s5 =	rddreg [dreg:$0x14]  }
0x51: {  	[spmem:s5], [sflag:s29] =	dma.local @p0 [hbm:s0], $0x80  }
0x52: {  	s0 =	rddreg [dreg:$0xf]  }
0x53: {  	s5 =	rddreg [dreg:$0x15]  }
0x54: {  	[spmem:s5], [sflag:s29] =	dma.local @p0 [hbm:s0], $0x80  }
0x55: {  	s0 =	stileid.u32  }
0x56: {  	s0 =	sshll.u32 @!p0 s0, $0x6  }
0x57: {  	[dreg:$0x1d] =	wrdreg s0  }
0x58: {  	s31 =	sor.u32 @!p0 $0x1C01, s0;
	s0 =	rddreg [dreg:$0x3]  }
0x59: {  	s30 =	sshrl.u32 @!p0 s0, $0x3;
	s0 =	rddreg [dreg:$0x4]  }
0x5a: {  	[spmem:s30], [sflag:s31] =	dma.local @!p0 [hbm:s0], $0x800  }
0x5b: {  	s0 =	rddreg [dreg:$0x5]  }
0x5c: {  	s5 =	rddreg [dreg:$0x16]  }
0x5d: {  	[spmem:s5], [sflag:s31] =	dma.local @!p0 [hbm:s0], $0x800  }
0x5e: {  	s0 =	rddreg [dreg:$0x6]  }
0x5f: {  	s5 =	rddreg [dreg:$0x17]  }
0x60: {  	[spmem:s5], [sflag:s31] =	dma.local @!p0 [hbm:s0], $0x800  }
0x61: {  	s0 =	rddreg [dreg:$0x7]  }
0x62: {  	s5 =	rddreg [dreg:$0x18]  }
0x63: {  	[spmem:s5], [sflag:s31] =	dma.local @!p0 [hbm:s0], $0x800  }
0x64: {  	s0 =	rddreg [dreg:$0x8]  }
0x65: {  	s5 =	rddreg [dreg:$0x19]  }
0x66: {  	[spmem:s5], [sflag:s31] =	dma.local @!p0 [hbm:s0], $0x800  }
0x67: {  	s0 =	rddreg [dreg:$0xd]  }
0x68: {  	[tilespmem:s3], [sflag:$0x2] =	stream.linear.gather [hbm4b:s0+s3], $0x300, $0x38;
	v63 =	vld [tilespmem:$0x0]  }
0x69: {  	s29 =	simm.s32 $0x2;
	s28 =	rddreg [dreg:$0x1b]  }
0x6a: {  	[tilespmem:s2], [sflag:$0x3] =	stream.linear.gather [hbm4b:s28+s3], $0x300, $0x38;
	v63 =	vld [tilespmem:$0x0]  }
0x6b: {  	_ =	swait.ge [sflag:s29], $0x300  }
0x6c: {  	[sflag:s29] =	ssyncset.done $0x0  }
0x6d: {  	[sflag:s29] =	ssyncadd.s32 $0xFFFFFD00  }
0x6e: {  	[tilespmem:s7], [sflag:$0x4] =	stream.indirect.gather [hbm4b:s4+s6], $0x80, s3, s6, $0xb8;
	v63 =	vld [tilespmem:$0x0]  }
0x6f: {  	_ = 	snop  }
0x70: {  	[tilespmem:s9], [sflag:$0x5] =	stream.indirect.gather [hbm4b:s4+s6], $0x80, s8, s6, $0xb8;
	v63 =	vld [tilespmem:$0x0]  }
0x71: {  	_ = 	snop  }
0x72: {  	[tilespmem:s11], [sflag:$0x6] =	stream.indirect.gather [hbm4b:s4+s6], $0x80, s10, s6, $0xb8;
	v63 =	vld [tilespmem:$0x0]  }
0x73: {  	_ =	swait.ge [sflag:s12], $0x800  }
0x74: {  	[sflag:s12] =	ssyncset.done $0x0  }
0x75: {  	[sflag:s12] =	ssyncadd.s32 $0xFFFFF800  }
0x76: {  	_ =	swait.ge [sflag:s12], $0x800  }
0x77: {  	[sflag:s12] =	ssyncset.done $0x0  }
0x78: {  	[sflag:s12] =	ssyncadd.s32 $0xFFFFF800  }
0x79: {  	_ =	swait.ge [sflag:s12], $0x800  }
0x7a: {  	[sflag:s12] =	ssyncset.done $0x0  }
0x7b: {  	s31 =	simm.s32 @p0 $0x1;
	[sflag:s12] =	ssyncadd.s32 $0xFFFFF800  }
0x7c: {  	_ =	swait.ge @p0 [sflag:s31], $0x80  }
0x7d: {  	[sflag:s31] =	ssyncset.done @p0 $0x0  }
0x7e: {  	[sflag:s31] =	ssyncadd.s32 @p0 $0xFFFFFF80  }
0x7f: {  	_ =	swait.ge @p0 [sflag:s31], $0x80  }
0x80: {  	[sflag:s31] =	ssyncset.done @p0 $0x0  }
0x81: {  	[sflag:s31] =	ssyncadd.s32 @p0 $0xFFFFFF80;
	s31 =	simm.s32 @!p0 $0x1  }
0x82: {  	_ =	swait.ge @!p0 [sflag:s31], $0x800  }
0x83: {  	[sflag:s31] =	ssyncset.done @!p0 $0x0  }
0x84: {  	[sflag:s31] =	ssyncadd.s32 @!p0 $0xFFFFF800  }
0x85: {  	_ =	swait.ge @!p0 [sflag:s31], $0x800  }
0x86: {  	[sflag:s31] =	ssyncset.done @!p0 $0x0  }
0x87: {  	[sflag:s31] =	ssyncadd.s32 @!p0 $0xFFFFF800  }
0x88: {  	s31 =	simm.s32 $0x0;
	[bflag:$0x0] =	sbarrier.arrive $0xFFFF  }
.LBB2_2:
0x89: {  	_ =	swait.ge [sflag:s13], $0x300  }
0x8a: {  	[sflag:s13] =	ssyncset.done $0x0  }
0x8b: {  	[sflag:s13] =	ssyncadd.s32 $0xFFFFFD00  }
0x8c: {  	_ =	swait.ge [sflag:s14], $0x4000  }
0x8d: {  	[sflag:s14] =	ssyncset.done $0x0  }
0x8e: {  	[sflag:s14] =	ssyncadd.s32 $0xFFFFC000  }
0x8f: {  	[spmem:s1] =	stream.indirect.scatter.add.f32 [tilespmem:s7], [sflag:$0x7], $0x80, s6, s6, $0xb8;
	v63 =	vld [tilespmem:$0x0]  }
0x90: {  	_ =	swait.ge [sflag:s16], $0x4000  }
0x91: {  	[sflag:s16] =	ssyncset.done $0x0  }
0x92: {  	[sflag:s16] =	ssyncadd.s32 $0xFFFFC000  }
0x93: {  	[tilespmem:s7], [sflag:$0x4] =	stream.indirect.gather [hbm4b:s4+s6], $0x80, s2, s6, $0xb8;
	v63 =	vld [tilespmem:$0x0]  }
0x94: {  	_ =	swait.ge [sflag:s17], $0x4000  }
0x95: {  	[sflag:s17] =	ssyncset.done $0x0  }
0x96: {  	[sflag:s17] =	ssyncadd.s32 $0xFFFFC000  }
0x97: {  	[spmem:s1] =	stream.indirect.scatter.add.f32 [tilespmem:s9], [sflag:$0x7], $0x80, s18, s6, $0xb8;
	v63 =	vld [tilespmem:$0x0]  }
0x98: {  	_ =	swait.ge [sflag:s16], $0x4000  }
0x99: {  	[sflag:s16] =	ssyncset.done $0x0  }
0x9a: {  	[sflag:s16] =	ssyncadd.s32 $0xFFFFC000  }
0x9b: {  	[tilespmem:s9], [sflag:$0x5] =	stream.indirect.gather [hbm4b:s4+s6], $0x80, s19, s6, $0xb8;
	v63 =	vld [tilespmem:$0x0]  }
0x9c: {  	_ =	swait.ge [sflag:s15], $0x4000  }
0x9d: {  	[sflag:s15] =	ssyncset.done $0x0  }
0x9e: {  	[sflag:s15] =	ssyncadd.s32 $0xFFFFC000  }
0x9f: {  	[spmem:s1] =	stream.indirect.scatter.add.f32 [tilespmem:s11], [sflag:$0x7], $0x80, s22, s6, $0xb8;
	v63 =	vld [tilespmem:$0x0]  }
0xa0: {  	_ =	swait.ge [sflag:s16], $0x4000  }
0xa1: {  	p1 =	seq.s32 s31, $0x9C0;
	[sflag:s16] =	ssyncset.done $0x0  }
0xa2: {  	s0 =	simm.s32 @p1 $0x4;
	[sflag:s16] =	ssyncadd.s32 $0xFFFFC000  }
0xa3: {  	[tilespmem:s11], [sflag:$0x6] =	stream.indirect.gather [hbm4b:s4+s6], $0x80, s23, s6, $0xb8;
	v63 =	vld [tilespmem:$0x0]  }
0xa4: {  	_ =	swait.ge @p1 [sflag:s0], $0x4000  }
0xa5: {  	s5 =	simm.s32 @p1 $0x380;
	[sflag:s0] =	ssyncset.done @p1 $0x0  }
0xa6: {  	s28 =	simm.s32 @p1 $0x600;
	[sflag:s0] =	ssyncadd.s32 @p1 $0xFFFFC000;
	s0 =	simm.s32 @p1 $0x80  }
0xa7: {  	[spmem:s1] =	stream.indirect.scatter.add.f32 @p1 [tilespmem:s28], [sflag:$0x7], $0x80, s5, s0, $0xb8;
	v63 =	vld [tilespmem:$0x0]  }
0xa8: {  	s0 =	simm.s32 @p1 $0x7  }
0xa9: {  	_ =	swait.ge @p1 [sflag:s0], $0x4000  }
0xaa: {  	[sflag:s0] =	ssyncset.done @p1 $0x0  }
0xab: {  	s5 =	simm.s32 @!p1 $0x0;
	[sflag:s0] =	ssyncadd.s32 @p1 $0xFFFFC000;
	s0 =	sadd.s32 @!p1 s31, s21  }
0xac: {  	[tilespmem:s5], [sflag:$0x2] =	stream.linear.gather @!p1 [hbm4b:s0+s5], $0x300, $0x38;
	v63 =	vld [tilespmem:$0x0]  }
0xad: {  	s0 =	simm.s32 @!p1 $0x4  }
0xae: {  	_ =	swait.ge @!p1 [sflag:s0], $0x4000  }
0xaf: {  	s29 =	simm.s32 @!p1 $0x600;
	[sflag:s0] =	ssyncset.done @!p1 $0x0  }
0xb0: {  	s28 =	simm.s32 @!p1 $0x380;
	[sflag:s0] =	ssyncadd.s32 @!p1 $0xFFFFC000;
	s0 =	simm.s32 @!p1 $0x80  }
0xb1: {  	[spmem:s1] =	stream.indirect.scatter.add.f32 @!p1 [tilespmem:s29], [sflag:$0x7], $0x80, s28, s0, $0xb8;
	v63 =	vld [tilespmem:$0x0]  }
0xb2: {  	s28 =	simm.s32 @!p1 $0x7  }
0xb3: {  	_ =	swait.ge @!p1 [sflag:s28], $0x4000  }
0xb4: {  	[sflag:s28] =	ssyncset.done @!p1 $0x0  }
0xb5: {  	[sflag:s28] =	ssyncadd.s32 @!p1 $0xFFFFC000;
	s28 =	simm.s32 @!p1 $0x2  }
0xb6: {  	_ =	swait.ge @!p1 [sflag:s28], $0x300  }
0xb7: {  	[sflag:s28] =	ssyncset.done @!p1 $0x0  }
0xb8: {  	[sflag:s28] =	ssyncadd.s32 @!p1 $0xFFFFFD00  }
0xb9: {  	[tilespmem:s29], [sflag:$0x4] =	stream.indirect.gather @!p1 [hbm4b:s4+s0], $0x80, s5, s0, $0xb8;
	v63 =	vld [tilespmem:$0x0]  }
0xba: {  	_ =	swait.ge [sflag:s17], $0x4000  }
0xbb: {  	[sflag:s17] =	ssyncset.done $0x0  }
.Ltmp2:
0xbc: {  	[sflag:s17] =	ssyncadd.s32 $0xFFFFC000;
	(pc) =	sbr.rel @p1 .LBB2_4-.Ltmp2, $4  }
0xbd: {  	[spmem:s1] =	stream.indirect.scatter.add.f32 [tilespmem:s9], [sflag:$0x7], $0x80, s24, s6, $0xb8;
	v63 =	vld [tilespmem:$0x0]  }
0xbe: {  	_ =	swait.ge [sflag:s16], $0x4000  }
0xbf: {  	[sflag:s16] =	ssyncset.done $0x0  }
0xc0: {  	[sflag:s16] =	ssyncadd.s32 $0xFFFFC000  }
0xc1: {  	[tilespmem:s9], [sflag:$0x5] =	stream.indirect.gather [hbm4b:s4+s6], $0x80, s8, s6, $0xb8;
	v63 =	vld [tilespmem:$0x0]  }
0xc2: {  	_ =	swait.ge [sflag:s15], $0x4000  }
0xc3: {  	[sflag:s15] =	ssyncset.done $0x0  }
0xc4: {  	[sflag:s15] =	ssyncadd.s32 $0xFFFFC000  }
0xc5: {  	[spmem:s1] =	stream.indirect.scatter.add.f32 [tilespmem:s11], [sflag:$0x7], $0x80, s25, s6, $0xb8;
	v63 =	vld [tilespmem:$0x0]  }
0xc6: {  	_ =	swait.ge [sflag:s16], $0x4000  }
.Ltmp3:
0xc7: {  	[sflag:s16] =	ssyncset.done $0x0;
	(pc) =	sbr.rel .LBB2_2-.Ltmp3, $4  }
0xc8: {  	[sflag:s16] =	ssyncadd.s32 $0xFFFFC000  }
0xc9: {  	[tilespmem:s11], [sflag:$0x6] =	stream.indirect.gather [hbm4b:s4+s6], $0x80, s10, s6, $0xb8;
	v63 =	vld [tilespmem:$0x0]  }
0xca: {  	s0 =	sadd.s32 s31, s20;
	s31 =	sadd.s32 $0xC0, s31  }
0xcb: {  	[tilespmem:s2], [sflag:$0x3] =	stream.linear.gather [hbm4b:s0+s3], $0x300, $0x38;
	v63 =	vld [tilespmem:$0x0]  }
.LBB2_5:
0xcc: {  	_ =	sfence.sel $0x180000  }
0xcd: {  	[bflag:$0x0] =	sbarrier.arrive $0xFFFF  }
0xce: {  	_ =	strace $0x9000004A  }
0xcf: {  	s0 =	stileid.u32;
	[bflag:$0x2] =	sbarrier.arrive $0xFFFF  }
0xd0: {  	p0 =	sne.s32 s0, $0x0;
	s0 =	rddreg [dreg:$0x2]  }
0xd1: {  	s0 =	sadd.s32 @!p0 $0x100000, s0  }
0xd2: {  	[sflag:s0] =	ssyncadd.tile.s32 @!p0 $0x1;
	_ =	shalt  }
.Lfunc_end2:
_tile_overlayer_lowered:
.L_overlay_start_2:
0xd3: {  	(tag) =	ssettag $0x2  }
0xd4: {  	s0 =	rddreg [dreg:$0x0];
	s2 =	stileid.u32  }
0xd5: {  	s1 =	rddreg [dreg:$0x1];
	p0 =	sne.s32 s2, $0x0  }
0xd6: {  	s3 =	rddreg [dreg:$0x2];
	[bflag:$0x3] =	sbarrier.arrive $0xFFFF;
	s2 =	simm.s32 @!p0 $0x1C07  }
0xd7: {  	[timem:s3], [sflag:s2] =	dma.local @!p0 [hbm:s0], s1  }
0xd8: {  	s0 =	simm.s32 @!p0 $0x7  }
0xd9: {  	_ =	swait.ge @!p0 [sflag:s0], s1  }
0xda: {  	s1 =	ssub.s32 @!p0 $0x0, s1;
	[sflag:s0] =	ssyncset.done @!p0 $0x0  }
0xdb: {  	[sflag:s0] =	ssyncadd.s32 @!p0 s1  }
0xdc: {  	[bflag:$0x3] =	sbarrier.arrive $0xFFFF  }
0xdd: {  	_ =	shalt  }

</sc_bundles>
